<compile_context>
chip_gen: v7x
topology: tpu7x:2x2x1
jax: 0.10.2.dev20260603
libtpu: 0.0.44.dev20260713+nightly
codegen_flags: <defaults>
</compile_context>

<pallas_src>
import jax
import jax.numpy as jnp
from jax import lax
from jax.experimental import pallas as pl
from jax.experimental.pallas import tpu as pltpu
from jax.experimental.pallas import tpu_sc as plsc

N_CORES = 2
N_SUBCORES = 16
N_TILES = N_CORES * N_SUBCORES
LANES = 16

_MESH = plsc.VectorSubcoreMesh(core_axis_name="c", subcore_axis_name="s")


def _deg_body(dst_hbm, out_hbm, idx_v, deg_v, sem):
    E = dst_hbm.shape[0]
    n = out_hbm.shape[1]
    per_tile = E // N_TILES
    cid = lax.axis_index("c")
    sid = lax.axis_index("s")
    wid = cid * N_SUBCORES + sid

    pltpu.async_copy(dst_hbm.at[pl.ds(wid * per_tile, per_tile)], idx_v, sem).wait()

    zeros16 = jnp.zeros((LANES,), jnp.float32)
    ones16 = jnp.ones((LANES,), jnp.float32)

    def zero_body(i, _):
        deg_v[pl.ds(i * LANES, LANES)] = zeros16
        return 0

    lax.fori_loop(0, n // LANES, zero_body, 0)

    def acc_body(i, _):
        idx = idx_v[pl.ds(i * LANES, LANES)]
        plsc.addupdate_scatter(deg_v, [idx], ones16)
        return 0

    lax.fori_loop(0, per_tile // LANES, acc_body, 0)

    pltpu.sync_copy(deg_v, out_hbm.at[wid])


def _deg_partials(dst, n_nodes):
    E = dst.shape[0]
    kern = pl.kernel(
        _deg_body,
        out_type=jax.ShapeDtypeStruct((N_TILES, n_nodes), jnp.float32),
        mesh=_MESH,
        compiler_params=pltpu.CompilerParams(needs_layout_passes=False),
        scratch_types=[
            pltpu.VMEM((E // N_TILES,), jnp.int32),
            pltpu.VMEM((n_nodes,), jnp.float32),
            pltpu.SemaphoreType.DMA,
        ],
    )
    return kern(dst)


def _agg_body(g_hbm, src_hbm, dst_hbm, part_hbm,
              rows_a, rows_b, idx_s, idx_da, idx_db,
              idx_st, idx_dt, acc,
              sem_i, sem_a, sem_b, semd_a, semd_b):
    E = src_hbm.shape[0]
    n, ch = g_hbm.shape
    chunk = 128
    n_chunks = E // chunk
    n_full = n_chunks // N_TILES
    n_extra = n_chunks % N_TILES
    stripe = (n // N_SUBCORES) // 8 * 8
    leftover = n - stripe * N_SUBCORES

    cid = lax.axis_index("c")
    sid = lax.axis_index("s")
    wid = cid * N_SUBCORES + sid
    base = wid * n_full * chunk

    i_pend = pltpu.async_copy(
        src_hbm.at[pl.ds(base, n_full * chunk)], idx_s, sem_i)

    zeros16 = jnp.zeros((LANES,), jnp.float32)

    def zrow(i, _):
        for j in range(ch // LANES):
            rows_a[i, pl.ds(j * LANES, LANES)] = zeros16
        return 0

    lax.fori_loop(0, chunk, zrow, 0)

    row0 = sid * stripe
    n_zfull = stripe // chunk
    zrem = stripe % chunk
    for k in range(n_zfull):
        pltpu.sync_copy(rows_a, acc.at[pl.ds(row0 + k * chunk, chunk)])
    if zrem:
        pltpu.sync_copy(rows_a.at[pl.ds(0, zrem)],
                        acc.at[pl.ds(row0 + n_zfull * chunk, zrem)])
    if leftover:
        @pl.when(sid == N_SUBCORES - 1)
        def _():
            pltpu.sync_copy(rows_a.at[pl.ds(0, leftover)],
                            acc.at[pl.ds(stripe * N_SUBCORES, leftover)])

    i_pend.wait()
    pltpu.async_copy(g_hbm.at[idx_s.at[pl.ds(0, chunk)]], rows_a, sem_a)
    pltpu.async_copy(dst_hbm.at[pl.ds(base, chunk)], idx_da, semd_a)

    plsc.subcore_barrier()

    nb = n_full // 2
    assert nb * 2 == n_full

    def wait_a():
        pltpu.make_async_copy(
            g_hbm.at[idx_s.at[pl.ds(0, chunk)]], rows_a, sem_a).wait()
        pltpu.make_async_copy(
            dst_hbm.at[pl.ds(0, chunk)], idx_da, semd_a).wait()

    def body(i, _):
        off = base + 2 * i * chunk
        g_odd = pltpu.async_copy(
            g_hbm.at[idx_s.at[pl.ds((2 * i + 1) * chunk, chunk)]],
            rows_b, sem_b)
        d_odd = pltpu.async_copy(
            dst_hbm.at[pl.ds(off + chunk, chunk)], idx_db, semd_b)
        wait_a()
        pltpu.sync_copy(rows_a, acc.at[idx_da], add=True)

        @pl.when(i + 1 < nb)
        def _():
            pltpu.async_copy(
                g_hbm.at[idx_s.at[pl.ds((2 * i + 2) * chunk, chunk)]],
                rows_a, sem_a)
            pltpu.async_copy(
                dst_hbm.at[pl.ds(off + 2 * chunk, chunk)], idx_da, semd_a)

        g_odd.wait()
        d_odd.wait()
        pltpu.sync_copy(rows_b, acc.at[idx_db], add=True)
        return 0

    lax.fori_loop(0, nb, body, 0)

    if n_extra:
        @pl.when(wid < n_extra)
        def _():
            off = (N_TILES * n_full + wid) * chunk
            pltpu.sync_copy(src_hbm.at[pl.ds(off, chunk)], idx_st)
            pltpu.sync_copy(dst_hbm.at[pl.ds(off, chunk)], idx_dt)
            pltpu.async_copy(g_hbm.at[idx_st], rows_a, sem_a).wait()
            pltpu.sync_copy(rows_a, acc.at[idx_dt], add=True)

    plsc.subcore_barrier()

    pltpu.sync_copy(acc.at[pl.ds(row0, stripe)],
                    part_hbm.at[cid, pl.ds(row0, stripe), :])
    if leftover:
        @pl.when(sid == N_SUBCORES - 1)
        def _():
            pltpu.sync_copy(
                acc.at[pl.ds(stripe * N_SUBCORES, leftover)],
                part_hbm.at[cid, pl.ds(stripe * N_SUBCORES, leftover), :])


def _aggregate(g, src, dst):
    n, ch = g.shape
    E = src.shape[0]
    chunk = 128
    n_full = (E // chunk) // N_TILES
    kern = pl.kernel(
        _agg_body,
        out_type=jax.ShapeDtypeStruct((N_CORES, n, ch), jnp.float32),
        mesh=_MESH,
        scratch_types=[
            pltpu.VMEM((chunk, ch), jnp.float32),
            pltpu.VMEM((chunk, ch), jnp.float32),
            pltpu.VMEM((n_full * chunk,), jnp.int32),
            pltpu.VMEM((chunk,), jnp.int32),
            pltpu.VMEM((chunk,), jnp.int32),
            pltpu.VMEM((chunk,), jnp.int32),
            pltpu.VMEM((chunk,), jnp.int32),
            pltpu.VMEM_SHARED((n, ch), jnp.float32),
            pltpu.SemaphoreType.DMA,
            pltpu.SemaphoreType.DMA,
            pltpu.SemaphoreType.DMA,
            pltpu.SemaphoreType.DMA,
            pltpu.SemaphoreType.DMA,
        ],
    )
    return kern(g, src, dst)


_BLK = 2000


def _first_body(degp_ref, x_ref, w_ref, g_ref, dinv_ref):
    deg = jnp.sum(degp_ref[...], axis=1) + 1.0
    dinv = lax.rsqrt(deg)
    h = jnp.dot(x_ref[...], w_ref[...], preferred_element_type=jnp.float32)
    g_ref[...] = h * dinv[:, None]
    dinv_ref[...] = dinv[:, None]


def _first_stage(degp, x, w):
    n, ch_in = x.shape
    ch_out = w.shape[1]
    grid = (n // _BLK,)
    return pl.pallas_call(
        _first_body,
        grid=grid,
        in_specs=[
            pl.BlockSpec((_BLK, N_TILES), lambda i: (i, 0)),
            pl.BlockSpec((_BLK, ch_in), lambda i: (i, 0)),
            pl.BlockSpec((ch_in, ch_out), lambda i: (0, 0)),
        ],
        out_specs=[
            pl.BlockSpec((_BLK, ch_out), lambda i: (i, 0)),
            pl.BlockSpec((_BLK, 1), lambda i: (i, 0)),
        ],
        out_shape=[
            jax.ShapeDtypeStruct((n, ch_out), jnp.float32),
            jax.ShapeDtypeStruct((n, 1), jnp.float32),
        ],
    )(degp, x, w)


def _mid_body(part_ref, g_ref, dinv_ref, b_ref, w_ref, gn_ref):
    agg = part_ref[0] + part_ref[1] + g_ref[...]
    h = agg * dinv_ref[...] + b_ref[...]
    h = jnp.maximum(h, 0.0)
    hw = jnp.dot(h, w_ref[...], preferred_element_type=jnp.float32)
    gn_ref[...] = hw * dinv_ref[...]


def _mid_stage(part, g, dinv, b, w):
    n, ch = g.shape
    ch_out = w.shape[1]
    grid = (n // _BLK,)
    return pl.pallas_call(
        _mid_body,
        grid=grid,
        in_specs=[
            pl.BlockSpec((N_CORES, _BLK, ch), lambda i: (0, i, 0)),
            pl.BlockSpec((_BLK, ch), lambda i: (i, 0)),
            pl.BlockSpec((_BLK, 1), lambda i: (i, 0)),
            pl.BlockSpec((1, ch), lambda i: (0, 0)),
            pl.BlockSpec((ch, ch_out), lambda i: (0, 0)),
        ],
        out_specs=pl.BlockSpec((_BLK, ch_out), lambda i: (i, 0)),
        out_shape=jax.ShapeDtypeStruct((n, ch_out), jnp.float32),
    )(part, g, dinv, b.reshape(1, ch), w)


def _last_body(part_ref, g_ref, dinv_ref, b_ref, out_ref):
    agg = part_ref[0] + part_ref[1] + g_ref[...]
    out_ref[...] = agg * dinv_ref[...] + b_ref[...]


def _last_stage(part, g, dinv, b):
    n, ch = g.shape
    grid = (n // _BLK,)
    return pl.pallas_call(
        _last_body,
        grid=grid,
        in_specs=[
            pl.BlockSpec((N_CORES, _BLK, ch), lambda i: (0, i, 0)),
            pl.BlockSpec((_BLK, ch), lambda i: (i, 0)),
            pl.BlockSpec((_BLK, 1), lambda i: (i, 0)),
            pl.BlockSpec((1, ch), lambda i: (0, 0)),
        ],
        out_specs=pl.BlockSpec((_BLK, ch), lambda i: (i, 0)),
        out_shape=jax.ShapeDtypeStruct((n, ch), jnp.float32),
    )(part, g, dinv, b.reshape(1, ch))


@jax.jit
def _run(x, edge_index, W1, b1, W2, b2, W_mu, b_mu, W_logstd, b_logstd):
    n = x.shape[0]
    src = edge_index[0]
    dst = edge_index[1]

    degp = _deg_partials(dst, n)

    g1, dinv = _first_stage(degp.T, x, W1)
    part1 = _aggregate(g1, src, dst)

    g2 = _mid_stage(part1, g1, dinv, b1, W2)
    part2 = _aggregate(g2, src, dst)

    w_cat = jnp.concatenate([W_mu, W_logstd], axis=1)
    b_cat = jnp.concatenate([b_mu, b_logstd], axis=0)
    g3 = _mid_stage(part2, g2, dinv, b2, w_cat)
    part3 = _aggregate(g3, src, dst)

    out = _last_stage(part3, g3, dinv, b_cat)
    ch = W_mu.shape[1]
    return out[:, :ch], out[:, ch:]


def kernel(x, edge_index, W1, b1, W2, b2, W_mu, b_mu, W_logstd, b_logstd):
    return _run(x, edge_index, W1, b1, W2, b2, W_mu, b_mu, W_logstd, b_logstd)

# --- scband reference (transcript-rebuilt; emitter-appended) ---
"""Pipeline reference for scband-improved-variational-gcnencoder-43404939493960 (READ-ONLY COPY).

The authoritative reference and input builder live on the scoring server;
editing this copy changes nothing except your own understanding.
"""

import jax, jax.numpy as jnp
import numpy as np

N_NODES = 10000
N_EDGES = 320000
IN_CH = 128
HID_CH = 128
OUT_CH = 64


def _glorot(key, shape):
    fan_in, fan_out = shape[0], shape[1]
    limit = float(np.sqrt(6.0 / (fan_in + fan_out)))
    return jax.random.uniform(key, shape, dtype=jnp.float32, minval=-limit, maxval=limit)


def setup_inputs(seed: int = 0) -> dict:
    key = jax.random.key(seed)
    ks = jax.random.split(key, 10)
    x = jax.random.normal(ks[0], (N_NODES, IN_CH), dtype=jnp.float32)
    edge_index = jax.random.randint(ks[1], (2, N_EDGES), 0, N_NODES, dtype=jnp.int64 if jax.config.jax_enable_x64 else jnp.int32).astype(jnp.int32)
    W1 = _glorot(ks[2], (IN_CH, HID_CH))
    b1 = jnp.zeros((HID_CH,), dtype=jnp.float32)
    W2 = _glorot(ks[3], (HID_CH, HID_CH))
    b2 = jnp.zeros((HID_CH,), dtype=jnp.float32)
    W_mu = _glorot(ks[4], (HID_CH, OUT_CH))
    b_mu = jnp.zeros((OUT_CH,), dtype=jnp.float32)
    W_logstd = _glorot(ks[5], (HID_CH, OUT_CH))
    b_logstd = jnp.zeros((OUT_CH,), dtype=jnp.float32)
    return {"x": x, "edge_index": edge_index, "W1": W1, "b1": b1, "W2": W2, "b2": b2,
            "W_mu": W_mu, "b_mu": b_mu, "W_logstd": W_logstd, "b_logstd": b_logstd}


def _gcn_conv(x, edge_index, W, b, num_nodes):
    # GCNConv: add self-loops, symmetric normalization, scatter-add aggregation
    loop = jnp.arange(num_nodes, dtype=edge_index.dtype)
    src = jnp.concatenate([edge_index[0], loop])
    dst = jnp.concatenate([edge_index[1], loop])
    deg = jnp.zeros((num_nodes,), dtype=jnp.float32).at[dst].add(1.0)
    dinv = jnp.where(deg > 0, deg ** -0.5, 0.0)
    norm = dinv[src] * dinv[dst]
    h = x @ W  # linear transform first
    msg = jnp.take(h, src, axis=0) * norm[:, None]  # gather
    out = jnp.zeros((num_nodes, W.shape[1]), dtype=jnp.float32).at[dst].add(msg)  # scatter-add
    return out + b


def reference(x, edge_index, W1, b1, W2, b2, W_mu, b_mu, W_logstd, b_logstd):
    n = x.shape[0]
    h = _gcn_conv(x, edge_index, W1, b1, n)
    h = jax.nn.relu(h)
    # dropout(p=0.2) is identity in eval mode
    h = _gcn_conv(h, edge_index, W2, b2, n)
    h = jax.nn.relu(h)
    mu = _gcn_conv(h, edge_index, W_mu, b_mu, n)
    logstd = _gcn_conv(h, edge_index, W_logstd, b_logstd, n)
    return (mu, logstd)

if __name__ == "__main__":
    import jax
    _d = setup_inputs()
    print(jax.jit(kernel)(*tuple(_d.values())))

</pallas_src>

<mosaic_0001>
#map = affine_map<(d0, d1) -> (0, 0)>
#map1 = affine_map<(d0, d1) -> (0)>
#map2 = affine_map<(d0, d1) -> (0, 0, 0)>
module attributes {stable_mosaic.version = 14 : i64} {
  func.func @_agg_body(%arg0: i32, %arg1: i32, %arg2: memref<10000x128xf32, #tpu.memory_space<hbm>>, %arg3: memref<320000xi32, #tpu.memory_space<hbm>>, %arg4: memref<320000xi32, #tpu.memory_space<hbm>>, %arg5: memref<2x10000x128xf32, #tpu.memory_space<hbm>>, %arg6: memref<128x128xf32, #tpu.memory_space<vmem>>, %arg7: memref<128x128xf32, #tpu.memory_space<vmem>>, %arg8: memref<9984xi32, #tpu.memory_space<vmem>>, %arg9: memref<128xi32, #tpu.memory_space<vmem>>, %arg10: memref<128xi32, #tpu.memory_space<vmem>>, %arg11: memref<128xi32, #tpu.memory_space<vmem>>, %arg12: memref<128xi32, #tpu.memory_space<vmem>>, %arg13: memref<10000x128xf32, #tpu.memory_space<vmem_shared>>, %arg14: memref<!tpu.dma_semaphore, #tpu.memory_space<semaphore_mem>>, %arg15: memref<!tpu.dma_semaphore, #tpu.memory_space<semaphore_mem>>, %arg16: memref<!tpu.dma_semaphore, #tpu.memory_space<semaphore_mem>>, %arg17: memref<!tpu.dma_semaphore, #tpu.memory_space<semaphore_mem>>, %arg18: memref<!tpu.dma_semaphore, #tpu.memory_space<semaphore_mem>>) attributes {dimension_semantics = [#tpu.dimension_semantics<core_parallel>, #tpu.dimension_semantics<subcore_parallel>], iteration_bounds = array<i64: 2, 16>, scalar_prefetch = 0 : i64, scratch_operands = 13 : i64, tpu.core_type = #tpu.core_type<sc_vector_subcore>, window_params = [{transform_indices = #map}, {transform_indices = #map1}, {transform_indices = #map1}, {transform_indices = #map2}]} {
    %mul3A = arith.constant 16 : i32
    %mul3A_0 = arith.muli %arg0, %mul3A : i32
    %add3A = arith.addi %mul3A_0, %arg1 : i32
    %mul3A_1 = arith.constant 78 : i32
    %mul3A_2 = arith.muli %add3A, %mul3A_1 : i32
    %mul3A_3 = arith.constant 128 : i32
    %mul3A_4 = arith.muli %mul3A_2, %mul3A_3 : i32
    %dma_start3A = tpu.memref_slice %arg3[%mul3A_4] : memref<320000xi32, #tpu.memory_space<hbm>> -> memref<9984xi32, #tpu.memory_space<hbm>>
    %dma_start3A_5 = tpu.memref_slice %arg3[%mul3A_4] : memref<320000xi32, #tpu.memory_space<hbm>> -> memref<9984xi32, #tpu.memory_space<hbm>>
    tpu.enqueue_dma source(%dma_start3A_5 : memref<9984xi32, #tpu.memory_space<hbm>>) target(%arg8 : memref<9984xi32, #tpu.memory_space<vmem>>) target_semaphore(%arg14 : memref<!tpu.dma_semaphore, #tpu.memory_space<semaphore_mem>>)
    %broadcast_in_dim3A = arith.constant 0.000000e+00 : f32
    %broadcast_in_dim3A_6 = vector.broadcast %broadcast_in_dim3A : f32 to vector<16xf32>
    %scan3A = arith.constant 0 : i32
    %scan3A_7 = arith.constant 0 : i32
    %scan3A_8 = arith.constant 128 : i32
    %scan3A_9 = arith.addi %scan3A_7, %scan3A_8 : i32
    %scan3A_10 = arith.constant 1 : i32
    %scan3A_11 = scf.for %scan3A_52 = %scan3A_7 to %scan3A_9 step %scan3A_10 iter_args(%scan3A_53 = %scan3A) -> (i32)  : i32 {
      %swap3A = arith.index_cast %scan3A_52 : i32 to index
      %swap3A_54 = arith.constant 0 : index
      %swap3A_55 = tpu.vector_load %arg6[%swap3A, %swap3A_54] {strides = array<i32>} : memref<128x128xf32, #tpu.memory_space<vmem>>, vector<1x16xf32>,
      %swap3A_56 = vector.shape_cast %swap3A_55 : vector<1x16xf32> to vector<16xf32>
      %swap3A_57 = vector.shape_cast %broadcast_in_dim3A_6 : vector<16xf32> to vector<1x16xf32>
      tpu.vector_store %arg6[%swap3A, %swap3A_54], %swap3A_57 {strides = array<i32>} : memref<128x128xf32, #tpu.memory_space<vmem>>, vector<1x16xf32>,
      %swap3A_58 = arith.index_cast %scan3A_52 : i32 to index
      %swap3A_59 = arith.constant 16 : index
      %swap3A_60 = tpu.vector_load %arg6[%swap3A_58, %swap3A_59] {strides = array<i32>} : memref<128x128xf32, #tpu.memory_space<vmem>>, vector<1x16xf32>,
      %swap3A_61 = vector.shape_cast %swap3A_60 : vector<1x16xf32> to vector<16xf32>
      %swap3A_62 = vector.shape_cast %broadcast_in_dim3A_6 : vector<16xf32> to vector<1x16xf32>
      tpu.vector_store %arg6[%swap3A_58, %swap3A_59], %swap3A_62 {strides = array<i32>} : memref<128x128xf32, #tpu.memory_space<vmem>>, vector<1x16xf32>,
      %swap3A_63 = arith.index_cast %scan3A_52 : i32 to index
      %swap3A_64 = arith.constant 32 : index
      %swap3A_65 = tpu.vector_load %arg6[%swap3A_63, %swap3A_64] {strides = array<i32>} : memref<128x128xf32, #tpu.memory_space<vmem>>, vector<1x16xf32>,
      %swap3A_66 = vector.shape_cast %swap3A_65 : vector<1x16xf32> to vector<16xf32>
      %swap3A_67 = vector.shape_cast %broadcast_in_dim3A_6 : vector<16xf32> to vector<1x16xf32>
      tpu.vector_store %arg6[%swap3A_63, %swap3A_64], %swap3A_67 {strides = array<i32>} : memref<128x128xf32, #tpu.memory_space<vmem>>, vector<1x16xf32>,
      %swap3A_68 = arith.index_cast %scan3A_52 : i32 to index
      %swap3A_69 = arith.constant 48 : index
      %swap3A_70 = tpu.vector_load %arg6[%swap3A_68, %swap3A_69] {strides = array<i32>} : memref<128x128xf32, #tpu.memory_space<vmem>>, vector<1x16xf32>,
      %swap3A_71 = vector.shape_cast %swap3A_70 : vector<1x16xf32> to vector<16xf32>
      %swap3A_72 = vector.shape_cast %broadcast_in_dim3A_6 : vector<16xf32> to vector<1x16xf32>
      tpu.vector_store %arg6[%swap3A_68, %swap3A_69], %swap3A_72 {strides = array<i32>} : memref<128x128xf32, #tpu.memory_space<vmem>>, vector<1x16xf32>,
      %swap3A_73 = arith.index_cast %scan3A_52 : i32 to index
      %swap3A_74 = arith.constant 64 : index
      %swap3A_75 = tpu.vector_load %arg6[%swap3A_73, %swap3A_74] {strides = array<i32>} : memref<128x128xf32, #tpu.memory_space<vmem>>, vector<1x16xf32>,
      %swap3A_76 = vector.shape_cast %swap3A_75 : vector<1x16xf32> to vector<16xf32>
      %swap3A_77 = vector.shape_cast %broadcast_in_dim3A_6 : vector<16xf32> to vector<1x16xf32>
      tpu.vector_store %arg6[%swap3A_73, %swap3A_74], %swap3A_77 {strides = array<i32>} : memref<128x128xf32, #tpu.memory_space<vmem>>, vector<1x16xf32>,
      %swap3A_78 = arith.index_cast %scan3A_52 : i32 to index
      %swap3A_79 = arith.constant 80 : index
      %swap3A_80 = tpu.vector_load %arg6[%swap3A_78, %swap3A_79] {strides = array<i32>} : memref<128x128xf32, #tpu.memory_space<vmem>>, vector<1x16xf32>,
      %swap3A_81 = vector.shape_cast %swap3A_80 : vector<1x16xf32> to vector<16xf32>
      %swap3A_82 = vector.shape_cast %broadcast_in_dim3A_6 : vector<16xf32> to vector<1x16xf32>
      tpu.vector_store %arg6[%swap3A_78, %swap3A_79], %swap3A_82 {strides = array<i32>} : memref<128x128xf32, #tpu.memory_space<vmem>>, vector<1x16xf32>,
      %swap3A_83 = arith.index_cast %scan3A_52 : i32 to index
      %swap3A_84 = arith.constant 96 : index
      %swap3A_85 = tpu.vector_load %arg6[%swap3A_83, %swap3A_84] {strides = array<i32>} : memref<128x128xf32, #tpu.memory_space<vmem>>, vector<1x16xf32>,
      %swap3A_86 = vector.shape_cast %swap3A_85 : vector<1x16xf32> to vector<16xf32>
      %swap3A_87 = vector.shape_cast %broadcast_in_dim3A_6 : vector<16xf32> to vector<1x16xf32>
      tpu.vector_store %arg6[%swap3A_83, %swap3A_84], %swap3A_87 {strides = array<i32>} : memref<128x128xf32, #tpu.memory_space<vmem>>, vector<1x16xf32>,
      %swap3A_88 = arith.index_cast %scan3A_52 : i32 to index
      %swap3A_89 = arith.constant 112 : index
      %swap3A_90 = tpu.vector_load %arg6[%swap3A_88, %swap3A_89] {strides = array<i32>} : memref<128x128xf32, #tpu.memory_space<vmem>>, vector<1x16xf32>,
      %swap3A_91 = vector.shape_cast %swap3A_90 : vector<1x16xf32> to vector<16xf32>
      %swap3A_92 = vector.shape_cast %broadcast_in_dim3A_6 : vector<16xf32> to vector<1x16xf32>
      tpu.vector_store %arg6[%swap3A_88, %swap3A_89], %swap3A_92 {strides = array<i32>} : memref<128x128xf32, #tpu.memory_space<vmem>>, vector<1x16xf32>,
      %scan3A_93 = arith.constant 0 : i32
      scf.yield %scan3A_93 : i32
    }
    %scan3A_12 = arith.constant 128 : i32
    %mul3A_13 = arith.constant 624 : i32
    %mul3A_14 = arith.muli %arg1, %mul3A_13 : i32
    %add3A_15 = arith.constant 0 : i32
    %add3A_16 = arith.addi %mul3A_14, %add3A_15 : i32
    "tpu.region"() ({
      %run_scoped3A = tpu.sem_alloc : memref<!tpu.dma_semaphore, #tpu.memory_space<semaphore_mem>>
      %dma_start3A_52 = arith.constant 0 : i32
      %dma_start3A_53 = tpu.memref_slice %arg13[%add3A_16, %dma_start3A_52] : memref<10000x128xf32, #tpu.memory_space<vmem_shared>> -> memref<128x128xf32, #tpu.memory_space<vmem_shared>>
      %dma_start3A_54 = arith.constant 0 : i32
      %dma_start3A_55 = tpu.memref_slice %arg13[%add3A_16, %dma_start3A_54] : memref<10000x128xf32, #tpu.memory_space<vmem_shared>> -> memref<128x128xf32, #tpu.memory_space<vmem_shared>>
      tpu.enqueue_dma source(%arg6 : memref<128x128xf32, #tpu.memory_space<vmem>>) target(%dma_start3A_55 : memref<128x128xf32, #tpu.memory_space<vmem_shared>>) target_semaphore(%run_scoped3A : memref<!tpu.dma_semaphore, #tpu.memory_space<semaphore_mem>>)
      %dma_wait3A_56 = arith.constant 0 : i32
      %dma_wait3A_57 = tpu.memref_slice %arg13[%add3A_16, %dma_wait3A_56] : memref<10000x128xf32, #tpu.memory_space<vmem_shared>> -> memref<128x128xf32, #tpu.memory_space<vmem_shared>>
      %dma_wait3A_58 = arith.constant 0 : i32
      %dma_wait3A_59 = tpu.memref_slice %arg13[%add3A_16, %dma_wait3A_58] : memref<10000x128xf32, #tpu.memory_space<vmem_shared>> -> memref<128x128xf32, #tpu.memory_space<vmem_shared>>
      tpu.wait_dma2 semaphore(%run_scoped3A : memref<!tpu.dma_semaphore, #tpu.memory_space<semaphore_mem>>) src(%arg6 : memref<128x128xf32, #tpu.memory_space<vmem>>) dst(%dma_wait3A_59 : memref<128x128xf32, #tpu.memory_space<vmem_shared>>)
      tpu.yield
    }) : () -> ()
    %add3A_17 = arith.constant 128 : i32
    %add3A_18 = arith.addi %mul3A_14, %add3A_17 : i32
    "tpu.region"() ({
      %run_scoped3A = tpu.sem_alloc : memref<!tpu.dma_semaphore, #tpu.memory_space<semaphore_mem>>
      %dma_start3A_52 = arith.constant 0 : i32
      %dma_start3A_53 = tpu.memref_slice %arg13[%add3A_18, %dma_start3A_52] : memref<10000x128xf32, #tpu.memory_space<vmem_shared>> -> memref<128x128xf32, #tpu.memory_space<vmem_shared>>
      %dma_start3A_54 = arith.constant 0 : i32
      %dma_start3A_55 = tpu.memref_slice %arg13[%add3A_18, %dma_start3A_54] : memref<10000x128xf32, #tpu.memory_space<vmem_shared>> -> memref<128x128xf32, #tpu.memory_space<vmem_shared>>
      tpu.enqueue_dma source(%arg6 : memref<128x128xf32, #tpu.memory_space<vmem>>) target(%dma_start3A_55 : memref<128x128xf32, #tpu.memory_space<vmem_shared>>) target_semaphore(%run_scoped3A : memref<!tpu.dma_semaphore, #tpu.memory_space<semaphore_mem>>)
      %dma_wait3A_56 = arith.constant 0 : i32
      %dma_wait3A_57 = tpu.memref_slice %arg13[%add3A_18, %dma_wait3A_56] : memref<10000x128xf32, #tpu.memory_space<vmem_shared>> -> memref<128x128xf32, #tpu.memory_space<vmem_shared>>
      %dma_wait3A_58 = arith.constant 0 : i32
      %dma_wait3A_59 = tpu.memref_slice %arg13[%add3A_18, %dma_wait3A_58] : memref<10000x128xf32, #tpu.memory_space<vmem_shared>> -> memref<128x128xf32, #tpu.memory_space<vmem_shared>>
      tpu.wait_dma2 semaphore(%run_scoped3A : memref<!tpu.dma_semaphore, #tpu.memory_space<semaphore_mem>>) src(%arg6 : memref<128x128xf32, #tpu.memory_space<vmem>>) dst(%dma_wait3A_59 : memref<128x128xf32, #tpu.memory_space<vmem_shared>>)
      tpu.yield
    }) : () -> ()
    %add3A_19 = arith.constant 256 : i32
    %add3A_20 = arith.addi %mul3A_14, %add3A_19 : i32
    "tpu.region"() ({
      %run_scoped3A = tpu.sem_alloc : memref<!tpu.dma_semaphore, #tpu.memory_space<semaphore_mem>>
      %dma_start3A_52 = arith.constant 0 : i32
      %dma_start3A_53 = tpu.memref_slice %arg13[%add3A_20, %dma_start3A_52] : memref<10000x128xf32, #tpu.memory_space<vmem_shared>> -> memref<128x128xf32, #tpu.memory_space<vmem_shared>>
      %dma_start3A_54 = arith.constant 0 : i32
      %dma_start3A_55 = tpu.memref_slice %arg13[%add3A_20, %dma_start3A_54] : memref<10000x128xf32, #tpu.memory_space<vmem_shared>> -> memref<128x128xf32, #tpu.memory_space<vmem_shared>>
      tpu.enqueue_dma source(%arg6 : memref<128x128xf32, #tpu.memory_space<vmem>>) target(%dma_start3A_55 : memref<128x128xf32, #tpu.memory_space<vmem_shared>>) target_semaphore(%run_scoped3A : memref<!tpu.dma_semaphore, #tpu.memory_space<semaphore_mem>>)
      %dma_wait3A_56 = arith.constant 0 : i32
      %dma_wait3A_57 = tpu.memref_slice %arg13[%add3A_20, %dma_wait3A_56] : memref<10000x128xf32, #tpu.memory_space<vmem_shared>> -> memref<128x128xf32, #tpu.memory_space<vmem_shared>>
      %dma_wait3A_58 = arith.constant 0 : i32
      %dma_wait3A_59 = tpu.memref_slice %arg13[%add3A_20, %dma_wait3A_58] : memref<10000x128xf32, #tpu.memory_space<vmem_shared>> -> memref<128x128xf32, #tpu.memory_space<vmem_shared>>
      tpu.wait_dma2 semaphore(%run_scoped3A : memref<!tpu.dma_semaphore, #tpu.memory_space<semaphore_mem>>) src(%arg6 : memref<128x128xf32, #tpu.memory_space<vmem>>) dst(%dma_wait3A_59 : memref<128x128xf32, #tpu.memory_space<vmem_shared>>)
      tpu.yield
    }) : () -> ()
    %add3A_21 = arith.constant 384 : i32
    %add3A_22 = arith.addi %mul3A_14, %add3A_21 : i32
    "tpu.region"() ({
      %run_scoped3A = tpu.sem_alloc : memref<!tpu.dma_semaphore, #tpu.memory_space<semaphore_mem>>
      %dma_start3A_52 = arith.constant 0 : i32
      %dma_start3A_53 = tpu.memref_slice %arg13[%add3A_22, %dma_start3A_52] : memref<10000x128xf32, #tpu.memory_space<vmem_shared>> -> memref<128x128xf32, #tpu.memory_space<vmem_shared>>
      %dma_start3A_54 = arith.constant 0 : i32
      %dma_start3A_55 = tpu.memref_slice %arg13[%add3A_22, %dma_start3A_54] : memref<10000x128xf32, #tpu.memory_space<vmem_shared>> -> memref<128x128xf32, #tpu.memory_space<vmem_shared>>
      tpu.enqueue_dma source(%arg6 : memref<128x128xf32, #tpu.memory_space<vmem>>) target(%dma_start3A_55 : memref<128x128xf32, #tpu.memory_space<vmem_shared>>) target_semaphore(%run_scoped3A : memref<!tpu.dma_semaphore, #tpu.memory_space<semaphore_mem>>)
      %dma_wait3A_56 = arith.constant 0 : i32
      %dma_wait3A_57 = tpu.memref_slice %arg13[%add3A_22, %dma_wait3A_56] : memref<10000x128xf32, #tpu.memory_space<vmem_shared>> -> memref<128x128xf32, #tpu.memory_space<vmem_shared>>
      %dma_wait3A_58 = arith.constant 0 : i32
      %dma_wait3A_59 = tpu.memref_slice %arg13[%add3A_22, %dma_wait3A_58] : memref<10000x128xf32, #tpu.memory_space<vmem_shared>> -> memref<128x128xf32, #tpu.memory_space<vmem_shared>>
      tpu.wait_dma2 semaphore(%run_scoped3A : memref<!tpu.dma_semaphore, #tpu.memory_space<semaphore_mem>>) src(%arg6 : memref<128x128xf32, #tpu.memory_space<vmem>>) dst(%dma_wait3A_59 : memref<128x128xf32, #tpu.memory_space<vmem_shared>>)
      tpu.yield
    }) : () -> ()
    %add3A_23 = arith.constant 512 : i32
    %add3A_24 = arith.addi %mul3A_14, %add3A_23 : i32
    "tpu.region"() ({
      %run_scoped3A = tpu.sem_alloc : memref<!tpu.dma_semaphore, #tpu.memory_space<semaphore_mem>>
      %dma_start3A_52 = arith.constant 0 : i32
      %dma_start3A_53 = arith.constant 0 : i32
      %dma_start3A_54 = tpu.memref_slice %arg6[%dma_start3A_52, %dma_start3A_53] : memref<128x128xf32, #tpu.memory_space<vmem>> -> memref<112x128xf32, #tpu.memory_space<vmem>>
      %dma_start3A_55 = arith.constant 0 : i32
      %dma_start3A_56 = tpu.memref_slice %arg13[%add3A_24, %dma_start3A_55] : memref<10000x128xf32, #tpu.memory_space<vmem_shared>> -> memref<112x128xf32, #tpu.memory_space<vmem_shared>>
      %dma_start3A_57 = arith.constant 0 : i32
      %dma_start3A_58 = tpu.memref_slice %arg13[%add3A_24, %dma_start3A_57] : memref<10000x128xf32, #tpu.memory_space<vmem_shared>> -> memref<112x128xf32, #tpu.memory_space<vmem_shared>>
      %dma_start3A_59 = arith.constant 0 : i32
      %dma_start3A_60 = arith.constant 0 : i32
      %dma_start3A_61 = tpu.memref_slice %arg6[%dma_start3A_59, %dma_start3A_60] : memref<128x128xf32, #tpu.memory_space<vmem>> -> memref<112x128xf32, #tpu.memory_space<vmem>>
      tpu.enqueue_dma source(%dma_start3A_61 : memref<112x128xf32, #tpu.memory_space<vmem>>) target(%dma_start3A_58 : memref<112x128xf32, #tpu.memory_space<vmem_shared>>) target_semaphore(%run_scoped3A : memref<!tpu.dma_semaphore, #tpu.memory_space<semaphore_mem>>)
      %dma_wait3A_62 = arith.constant 0 : i32
      %dma_wait3A_63 = arith.constant 0 : i32
      %dma_wait3A_64 = tpu.memref_slice %arg6[%dma_wait3A_62, %dma_wait3A_63] : memref<128x128xf32, #tpu.memory_space<vmem>> -> memref<112x128xf32, #tpu.memory_space<vmem>>
      %dma_wait3A_65 = arith.constant 0 : i32
      %dma_wait3A_66 = tpu.memref_slice %arg13[%add3A_24, %dma_wait3A_65] : memref<10000x128xf32, #tpu.memory_space<vmem_shared>> -> memref<112x128xf32, #tpu.memory_space<vmem_shared>>
      %dma_wait3A_67 = arith.constant 0 : i32
      %dma_wait3A_68 = tpu.memref_slice %arg13[%add3A_24, %dma_wait3A_67] : memref<10000x128xf32, #tpu.memory_space<vmem_shared>> -> memref<112x128xf32, #tpu.memory_space<vmem_shared>>
      %dma_wait3A_69 = arith.constant 0 : i32
      %dma_wait3A_70 = arith.constant 0 : i32
      %dma_wait3A_71 = tpu.memref_slice %arg6[%dma_wait3A_69, %dma_wait3A_70] : memref<128x128xf32, #tpu.memory_space<vmem>> -> memref<112x128xf32, #tpu.memory_space<vmem>>
      tpu.wait_dma2 semaphore(%run_scoped3A : memref<!tpu.dma_semaphore, #tpu.memory_space<semaphore_mem>>) src(%dma_wait3A_71 : memref<112x128xf32, #tpu.memory_space<vmem>>) dst(%dma_wait3A_68 : memref<112x128xf32, #tpu.memory_space<vmem_shared>>)
      tpu.yield
    }) : () -> ()
    %eq3A = arith.constant 15 : i32
    %eq3A_25 = arith.cmpi eq, %arg1, %eq3A : i32
    %convert_element_type3A = arith.extui %eq3A_25 : i1 to i32
    %cond3A = arith.constant 0 : i32
    %cond3A_26 = arith.cmpi ne, %convert_element_type3A, %cond3A : i32
    scf.if %cond3A_26 {
      "tpu.region"() ({
        %run_scoped3A = tpu.sem_alloc : memref<!tpu.dma_semaphore, #tpu.memory_space<semaphore_mem>>
        %dma_start3A_52 = arith.constant 0 : i32
        %dma_start3A_53 = arith.constant 0 : i32
        %dma_start3A_54 = tpu.memref_slice %arg6[%dma_start3A_52, %dma_start3A_53] : memref<128x128xf32, #tpu.memory_space<vmem>> -> memref<16x128xf32, #tpu.memory_space<vmem>>
        %dma_start3A_55 = arith.constant 9984 : i32
        %dma_start3A_56 = arith.constant 0 : i32
        %dma_start3A_57 = tpu.memref_slice %arg13[%dma_start3A_55, %dma_start3A_56] : memref<10000x128xf32, #tpu.memory_space<vmem_shared>> -> memref<16x128xf32, #tpu.memory_space<vmem_shared>>
        %dma_start3A_58 = arith.constant 9984 : i32
        %dma_start3A_59 = arith.constant 0 : i32
        %dma_start3A_60 = tpu.memref_slice %arg13[%dma_start3A_58, %dma_start3A_59] : memref<10000x128xf32, #tpu.memory_space<vmem_shared>> -> memref<16x128xf32, #tpu.memory_space<vmem_shared>>
        %dma_start3A_61 = arith.constant 0 : i32
        %dma_start3A_62 = arith.constant 0 : i32
        %dma_start3A_63 = tpu.memref_slice %arg6[%dma_start3A_61, %dma_start3A_62] : memref<128x128xf32, #tpu.memory_space<vmem>> -> memref<16x128xf32, #tpu.memory_space<vmem>>
        tpu.enqueue_dma source(%dma_start3A_63 : memref<16x128xf32, #tpu.memory_space<vmem>>) target(%dma_start3A_60 : memref<16x128xf32, #tpu.memory_space<vmem_shared>>) target_semaphore(%run_scoped3A : memref<!tpu.dma_semaphore, #tpu.memory_space<semaphore_mem>>)
        %dma_wait3A_64 = arith.constant 0 : i32
        %dma_wait3A_65 = arith.constant 0 : i32
        %dma_wait3A_66 = tpu.memref_slice %arg6[%dma_wait3A_64, %dma_wait3A_65] : memref<128x128xf32, #tpu.memory_space<vmem>> -> memref<16x128xf32, #tpu.memory_space<vmem>>
        %dma_wait3A_67 = arith.constant 9984 : i32
        %dma_wait3A_68 = arith.constant 0 : i32
        %dma_wait3A_69 = tpu.memref_slice %arg13[%dma_wait3A_67, %dma_wait3A_68] : memref<10000x128xf32, #tpu.memory_space<vmem_shared>> -> memref<16x128xf32, #tpu.memory_space<vmem_shared>>
        %dma_wait3A_70 = arith.constant 9984 : i32
        %dma_wait3A_71 = arith.constant 0 : i32
        %dma_wait3A_72 = tpu.memref_slice %arg13[%dma_wait3A_70, %dma_wait3A_71] : memref<10000x128xf32, #tpu.memory_space<vmem_shared>> -> memref<16x128xf32, #tpu.memory_space<vmem_shared>>
        %dma_wait3A_73 = arith.constant 0 : i32
        %dma_wait3A_74 = arith.constant 0 : i32
        %dma_wait3A_75 = tpu.memref_slice %arg6[%dma_wait3A_73, %dma_wait3A_74] : memref<128x128xf32, #tpu.memory_space<vmem>> -> memref<16x128xf32, #tpu.memory_space<vmem>>
        tpu.wait_dma2 semaphore(%run_scoped3A : memref<!tpu.dma_semaphore, #tpu.memory_space<semaphore_mem>>) src(%dma_wait3A_75 : memref<16x128xf32, #tpu.memory_space<vmem>>) dst(%dma_wait3A_72 : memref<16x128xf32, #tpu.memory_space<vmem_shared>>)
        tpu.yield
      }) : () -> ()
    } else {
    }
    %dma_wait3A = tpu.memref_slice %arg3[%mul3A_4] : memref<320000xi32, #tpu.memory_space<hbm>> -> memref<9984xi32, #tpu.memory_space<hbm>>
    %dma_wait3A_27 = tpu.memref_slice %arg3[%mul3A_4] : memref<320000xi32, #tpu.memory_space<hbm>> -> memref<9984xi32, #tpu.memory_space<hbm>>
    tpu.wait_dma2 semaphore(%arg14 : memref<!tpu.dma_semaphore, #tpu.memory_space<semaphore_mem>>) src(%dma_wait3A_27 : memref<9984xi32, #tpu.memory_space<hbm>>) dst(%arg8 : memref<9984xi32, #tpu.memory_space<vmem>>)
    %dma_start3A_28 = arith.constant 0 : i32
    %dma_start3A_29 = tpu.memref_slice %arg8[%dma_start3A_28] : memref<9984xi32, #tpu.memory_space<vmem>> -> memref<128xi32, #tpu.memory_space<vmem>>
    %dma_start3A_30 = arith.constant 0 : i32
    %dma_start3A_31 = arith.constant 0 : i32
    %dma_start3A_32 = tpu.memref_slice %arg2[%dma_start3A_30, %dma_start3A_31] : memref<10000x128xf32, #tpu.memory_space<hbm>> -> memref<10000x128xf32, #tpu.memory_space<hbm>>
    tpu.enqueue_indirect_dma source(%dma_start3A_32 : memref<10000x128xf32, #tpu.memory_space<hbm>>) target(%arg6 : memref<128x128xf32, #tpu.memory_space<vmem>>) offsets(%dma_start3A_29 : memref<128xi32, #tpu.memory_space<vmem>>) semaphore(%arg15 : memref<!tpu.dma_semaphore, #tpu.memory_space<semaphore_mem>>)
    %dma_start3A_33 = tpu.memref_slice %arg4[%mul3A_4] : memref<320000xi32, #tpu.memory_space<hbm>> -> memref<128xi32, #tpu.memory_space<hbm>>
    %dma_start3A_34 = tpu.memref_slice %arg4[%mul3A_4] : memref<320000xi32, #tpu.memory_space<hbm>> -> memref<128xi32, #tpu.memory_space<hbm>>
    tpu.enqueue_dma source(%dma_start3A_34 : memref<128xi32, #tpu.memory_space<hbm>>) target(%arg9 : memref<128xi32, #tpu.memory_space<vmem>>) target_semaphore(%arg17 : memref<!tpu.dma_semaphore, #tpu.memory_space<semaphore_mem>>)
    %barrier3A = arith.constant 0 : index
    tpu.barrier barrier_id(%barrier3A)
    %scan3A_35 = arith.constant 0 : i32
    %scan3A_36 = arith.constant 0 : i32
    %scan3A_37 = arith.constant 39 : i32
    %scan3A_38 = arith.addi %scan3A_36, %scan3A_37 : i32
    %scan3A_39 = arith.constant 1 : i32
    %scan3A_40 = scf.for %scan3A_52 = %scan3A_36 to %scan3A_38 step %scan3A_39 iter_args(%scan3A_53 = %scan3A_35) -> (i32)  : i32 {
      %mul3A_54 = arith.constant 2 : i32
      %mul3A_55 = arith.muli %mul3A_54, %scan3A_52 : i32
      %mul3A_56 = arith.constant 128 : i32
      %mul3A_57 = arith.muli %mul3A_55, %mul3A_56 : i32
      %add3A_58 = arith.addi %mul3A_4, %mul3A_57 : i32
      %mul3A_59 = arith.constant 2 : i32
      %mul3A_60 = arith.muli %mul3A_59, %scan3A_52 : i32
      %add3A_61 = arith.constant 1 : i32
      %add3A_62 = arith.addi %mul3A_60, %add3A_61 : i32
      %mul3A_63 = arith.constant 128 : i32
      %mul3A_64 = arith.muli %add3A_62, %mul3A_63 : i32
      %dma_start3A_65 = tpu.memref_slice %arg8[%mul3A_64] : memref<9984xi32, #tpu.memory_space<vmem>> -> memref<128xi32, #tpu.memory_space<vmem>>
      %dma_start3A_66 = arith.constant 0 : i32
      %dma_start3A_67 = arith.constant 0 : i32
      %dma_start3A_68 = tpu.memref_slice %arg2[%dma_start3A_66, %dma_start3A_67] : memref<10000x128xf32, #tpu.memory_space<hbm>> -> memref<10000x128xf32, #tpu.memory_space<hbm>>
      tpu.enqueue_indirect_dma source(%dma_start3A_68 : memref<10000x128xf32, #tpu.memory_space<hbm>>) target(%arg7 : memref<128x128xf32, #tpu.memory_space<vmem>>) offsets(%dma_start3A_65 : memref<128xi32, #tpu.memory_space<vmem>>) semaphore(%arg16 : memref<!tpu.dma_semaphore, #tpu.memory_space<semaphore_mem>>)
      %add3A_69 = arith.constant 128 : i32
      %add3A_70 = arith.addi %add3A_58, %add3A_69 : i32
      %dma_start3A_71 = tpu.memref_slice %arg4[%add3A_70] : memref<320000xi32, #tpu.memory_space<hbm>> -> memref<128xi32, #tpu.memory_space<hbm>>
      %dma_start3A_72 = tpu.memref_slice %arg4[%add3A_70] : memref<320000xi32, #tpu.memory_space<hbm>> -> memref<128xi32, #tpu.memory_space<hbm>>
      tpu.enqueue_dma source(%dma_start3A_72 : memref<128xi32, #tpu.memory_space<hbm>>) target(%arg10 : memref<128xi32, #tpu.memory_space<vmem>>) target_semaphore(%arg18 : memref<!tpu.dma_semaphore, #tpu.memory_space<semaphore_mem>>)
      %dma_wait3A_73 = arith.constant 0 : i32
      %dma_wait3A_74 = tpu.memref_slice %arg8[%dma_wait3A_73] : memref<9984xi32, #tpu.memory_space<vmem>> -> memref<128xi32, #tpu.memory_space<vmem>>
      %dma_wait3A_75 = arith.constant 0 : i32
      %dma_wait3A_76 = arith.constant 0 : i32
      %dma_wait3A_77 = tpu.memref_slice %arg2[%dma_wait3A_75, %dma_wait3A_76] : memref<10000x128xf32, #tpu.memory_space<hbm>> -> memref<10000x128xf32, #tpu.memory_space<hbm>>
      tpu.wait_indirect_dma semaphore(%arg15 : memref<!tpu.dma_semaphore, #tpu.memory_space<semaphore_mem>>) src(%dma_wait3A_77 : memref<10000x128xf32, #tpu.memory_space<hbm>>) dst(%arg6 : memref<128x128xf32, #tpu.memory_space<vmem>>)
      %dma_wait3A_78 = arith.constant 0 : i32
      %dma_wait3A_79 = tpu.memref_slice %arg4[%dma_wait3A_78] : memref<320000xi32, #tpu.memory_space<hbm>> -> memref<128xi32, #tpu.memory_space<hbm>>
      %dma_wait3A_80 = arith.constant 0 : i32
      %dma_wait3A_81 = tpu.memref_slice %arg4[%dma_wait3A_80] : memref<320000xi32, #tpu.memory_space<hbm>> -> memref<128xi32, #tpu.memory_space<hbm>>
      tpu.wait_dma2 semaphore(%arg17 : memref<!tpu.dma_semaphore, #tpu.memory_space<semaphore_mem>>) src(%dma_wait3A_81 : memref<128xi32, #tpu.memory_space<hbm>>) dst(%arg9 : memref<128xi32, #tpu.memory_space<vmem>>)
      "tpu.region"() ({
        %run_scoped3A = tpu.sem_alloc : memref<!tpu.dma_semaphore, #tpu.memory_space<semaphore_mem>>
        %dma_start3A_96 = arith.constant 0 : i32
        %dma_start3A_97 = arith.constant 0 : i32
        %dma_start3A_98 = tpu.memref_slice %arg13[%dma_start3A_96, %dma_start3A_97] : memref<10000x128xf32, #tpu.memory_space<vmem_shared>> -> memref<10000x128xf32, #tpu.memory_space<vmem_shared>>
        tpu.enqueue_indirect_dma source(%arg6 : memref<128x128xf32, #tpu.memory_space<vmem>>) target(%dma_start3A_98 : memref<10000x128xf32, #tpu.memory_space<vmem_shared>>) offsets(%arg9 : memref<128xi32, #tpu.memory_space<vmem>>) semaphore(%run_scoped3A : memref<!tpu.dma_semaphore, #tpu.memory_space<semaphore_mem>>) {add = true}
        %dma_wait3A_99 = arith.constant 0 : i32
        %dma_wait3A_100 = arith.constant 0 : i32
        %dma_wait3A_101 = tpu.memref_slice %arg13[%dma_wait3A_99, %dma_wait3A_100] : memref<10000x128xf32, #tpu.memory_space<vmem_shared>> -> memref<10000x128xf32, #tpu.memory_space<vmem_shared>>
        tpu.wait_indirect_dma semaphore(%run_scoped3A : memref<!tpu.dma_semaphore, #tpu.memory_space<semaphore_mem>>) src(%arg6 : memref<128x128xf32, #tpu.memory_space<vmem>>) dst(%dma_wait3A_101 : memref<10000x128xf32, #tpu.memory_space<vmem_shared>>)
        tpu.yield
      }) : () -> ()
      %add3A_82 = arith.constant 1 : i32
      %add3A_83 = arith.addi %scan3A_52, %add3A_82 : i32
      %lt3A_84 = arith.constant 39 : i32
      %lt3A_85 = arith.cmpi slt, %add3A_83, %lt3A_84 : i32
      %convert_element_type3A_86 = arith.extui %lt3A_85 : i1 to i32
      %cond3A_87 = arith.constant 0 : i32
      %cond3A_88 = arith.cmpi ne, %convert_element_type3A_86, %cond3A_87 : i32
      scf.if %cond3A_88 {
        %mul3A_96 = arith.constant 2 : i32
        %mul3A_97 = arith.muli %mul3A_96, %scan3A_52 : i32
        %add3A_98 = arith.constant 2 : i32
        %add3A_99 = arith.addi %mul3A_97, %add3A_98 : i32
        %mul3A_100 = arith.constant 128 : i32
        %mul3A_101 = arith.muli %add3A_99, %mul3A_100 : i32
        %dma_start3A_102 = tpu.memref_slice %arg8[%mul3A_101] : memref<9984xi32, #tpu.memory_space<vmem>> -> memref<128xi32, #tpu.memory_space<vmem>>
        %dma_start3A_103 = arith.constant 0 : i32
        %dma_start3A_104 = arith.constant 0 : i32
        %dma_start3A_105 = tpu.memref_slice %arg2[%dma_start3A_103, %dma_start3A_104] : memref<10000x128xf32, #tpu.memory_space<hbm>> -> memref<10000x128xf32, #tpu.memory_space<hbm>>
        tpu.enqueue_indirect_dma source(%dma_start3A_105 : memref<10000x128xf32, #tpu.memory_space<hbm>>) target(%arg6 : memref<128x128xf32, #tpu.memory_space<vmem>>) offsets(%dma_start3A_102 : memref<128xi32, #tpu.memory_space<vmem>>) semaphore(%arg15 : memref<!tpu.dma_semaphore, #tpu.memory_space<semaphore_mem>>)
        %add3A_106 = arith.constant 256 : i32
        %add3A_107 = arith.addi %add3A_58, %add3A_106 : i32
        %dma_start3A_108 = tpu.memref_slice %arg4[%add3A_107] : memref<320000xi32, #tpu.memory_space<hbm>> -> memref<128xi32, #tpu.memory_space<hbm>>
        %dma_start3A_109 = tpu.memref_slice %arg4[%add3A_107] : memref<320000xi32, #tpu.memory_space<hbm>> -> memref<128xi32, #tpu.memory_space<hbm>>
        tpu.enqueue_dma source(%dma_start3A_109 : memref<128xi32, #tpu.memory_space<hbm>>) target(%arg9 : memref<128xi32, #tpu.memory_space<vmem>>) target_semaphore(%arg17 : memref<!tpu.dma_semaphore, #tpu.memory_space<semaphore_mem>>)
      } else {
      }
      %dma_wait3A_89 = tpu.memref_slice %arg8[%mul3A_64] : memref<9984xi32, #tpu.memory_space<vmem>> -> memref<128xi32, #tpu.memory_space<vmem>>
      %dma_wait3A_90 = arith.constant 0 : i32
      %dma_wait3A_91 = arith.constant 0 : i32
      %dma_wait3A_92 = tpu.memref_slice %arg2[%dma_wait3A_90, %dma_wait3A_91] : memref<10000x128xf32, #tpu.memory_space<hbm>> -> memref<10000x128xf32, #tpu.memory_space<hbm>>
      tpu.wait_indirect_dma semaphore(%arg16 : memref<!tpu.dma_semaphore, #tpu.memory_space<semaphore_mem>>) src(%dma_wait3A_92 : memref<10000x128xf32, #tpu.memory_space<hbm>>) dst(%arg7 : memref<128x128xf32, #tpu.memory_space<vmem>>)
      %dma_wait3A_93 = tpu.memref_slice %arg4[%add3A_70] : memref<320000xi32, #tpu.memory_space<hbm>> -> memref<128xi32, #tpu.memory_space<hbm>>
      %dma_wait3A_94 = tpu.memref_slice %arg4[%add3A_70] : memref<320000xi32, #tpu.memory_space<hbm>> -> memref<128xi32, #tpu.memory_space<hbm>>
      tpu.wait_dma2 semaphore(%arg18 : memref<!tpu.dma_semaphore, #tpu.memory_space<semaphore_mem>>) src(%dma_wait3A_94 : memref<128xi32, #tpu.memory_space<hbm>>) dst(%arg10 : memref<128xi32, #tpu.memory_space<vmem>>)
      "tpu.region"() ({
        %run_scoped3A = tpu.sem_alloc : memref<!tpu.dma_semaphore, #tpu.memory_space<semaphore_mem>>
        %dma_start3A_96 = arith.constant 0 : i32
        %dma_start3A_97 = arith.constant 0 : i32
        %dma_start3A_98 = tpu.memref_slice %arg13[%dma_start3A_96, %dma_start3A_97] : memref<10000x128xf32, #tpu.memory_space<vmem_shared>> -> memref<10000x128xf32, #tpu.memory_space<vmem_shared>>
        tpu.enqueue_indirect_dma source(%arg7 : memref<128x128xf32, #tpu.memory_space<vmem>>) target(%dma_start3A_98 : memref<10000x128xf32, #tpu.memory_space<vmem_shared>>) offsets(%arg10 : memref<128xi32, #tpu.memory_space<vmem>>) semaphore(%run_scoped3A : memref<!tpu.dma_semaphore, #tpu.memory_space<semaphore_mem>>) {add = true}
        %dma_wait3A_99 = arith.constant 0 : i32
        %dma_wait3A_100 = arith.constant 0 : i32
        %dma_wait3A_101 = tpu.memref_slice %arg13[%dma_wait3A_99, %dma_wait3A_100] : memref<10000x128xf32, #tpu.memory_space<vmem_shared>> -> memref<10000x128xf32, #tpu.memory_space<vmem_shared>>
        tpu.wait_indirect_dma semaphore(%run_scoped3A : memref<!tpu.dma_semaphore, #tpu.memory_space<semaphore_mem>>) src(%arg7 : memref<128x128xf32, #tpu.memory_space<vmem>>) dst(%dma_wait3A_101 : memref<10000x128xf32, #tpu.memory_space<vmem_shared>>)
        tpu.yield
      }) : () -> ()
      %scan3A_95 = arith.constant 0 : i32
      scf.yield %scan3A_95 : i32
    }
    %scan3A_41 = arith.constant 39 : i32
    %lt3A = arith.constant 4 : i32
    %lt3A_42 = arith.cmpi slt, %add3A, %lt3A : i32
    %convert_element_type3A_43 = arith.extui %lt3A_42 : i1 to i32
    %cond3A_44 = arith.constant 0 : i32
    %cond3A_45 = arith.cmpi ne, %convert_element_type3A_43, %cond3A_44 : i32
    scf.if %cond3A_45 {
      %add3A_52 = arith.constant 2496 : i32
      %add3A_53 = arith.addi %add3A_52, %add3A : i32
      %mul3A_54 = arith.constant 128 : i32
      %mul3A_55 = arith.muli %add3A_53, %mul3A_54 : i32
      "tpu.region"() ({
        %run_scoped3A = tpu.sem_alloc : memref<!tpu.dma_semaphore, #tpu.memory_space<semaphore_mem>>
        %dma_start3A_62 = tpu.memref_slice %arg3[%mul3A_55] : memref<320000xi32, #tpu.memory_space<hbm>> -> memref<128xi32, #tpu.memory_space<hbm>>
        %dma_start3A_63 = tpu.memref_slice %arg3[%mul3A_55] : memref<320000xi32, #tpu.memory_space<hbm>> -> memref<128xi32, #tpu.memory_space<hbm>>
        tpu.enqueue_dma source(%dma_start3A_63 : memref<128xi32, #tpu.memory_space<hbm>>) target(%arg11 : memref<128xi32, #tpu.memory_space<vmem>>) target_semaphore(%run_scoped3A : memref<!tpu.dma_semaphore, #tpu.memory_space<semaphore_mem>>)
        %dma_wait3A_64 = tpu.memref_slice %arg3[%mul3A_55] : memref<320000xi32, #tpu.memory_space<hbm>> -> memref<128xi32, #tpu.memory_space<hbm>>
        %dma_wait3A_65 = tpu.memref_slice %arg3[%mul3A_55] : memref<320000xi32, #tpu.memory_space<hbm>> -> memref<128xi32, #tpu.memory_space<hbm>>
        tpu.wait_dma2 semaphore(%run_scoped3A : memref<!tpu.dma_semaphore, #tpu.memory_space<semaphore_mem>>) src(%dma_wait3A_65 : memref<128xi32, #tpu.memory_space<hbm>>) dst(%arg11 : memref<128xi32, #tpu.memory_space<vmem>>)
        tpu.yield
      }) : () -> ()
      "tpu.region"() ({
        %run_scoped3A = tpu.sem_alloc : memref<!tpu.dma_semaphore, #tpu.memory_space<semaphore_mem>>
        %dma_start3A_62 = tpu.memref_slice %arg4[%mul3A_55] : memref<320000xi32, #tpu.memory_space<hbm>> -> memref<128xi32, #tpu.memory_space<hbm>>
        %dma_start3A_63 = tpu.memref_slice %arg4[%mul3A_55] : memref<320000xi32, #tpu.memory_space<hbm>> -> memref<128xi32, #tpu.memory_space<hbm>>
        tpu.enqueue_dma source(%dma_start3A_63 : memref<128xi32, #tpu.memory_space<hbm>>) target(%arg12 : memref<128xi32, #tpu.memory_space<vmem>>) target_semaphore(%run_scoped3A : memref<!tpu.dma_semaphore, #tpu.memory_space<semaphore_mem>>)
        %dma_wait3A_64 = tpu.memref_slice %arg4[%mul3A_55] : memref<320000xi32, #tpu.memory_space<hbm>> -> memref<128xi32, #tpu.memory_space<hbm>>
        %dma_wait3A_65 = tpu.memref_slice %arg4[%mul3A_55] : memref<320000xi32, #tpu.memory_space<hbm>> -> memref<128xi32, #tpu.memory_space<hbm>>
        tpu.wait_dma2 semaphore(%run_scoped3A : memref<!tpu.dma_semaphore, #tpu.memory_space<semaphore_mem>>) src(%dma_wait3A_65 : memref<128xi32, #tpu.memory_space<hbm>>) dst(%arg12 : memref<128xi32, #tpu.memory_space<vmem>>)
        tpu.yield
      }) : () -> ()
      %dma_start3A_56 = arith.constant 0 : i32
      %dma_start3A_57 = arith.constant 0 : i32
      %dma_start3A_58 = tpu.memref_slice %arg2[%dma_start3A_56, %dma_start3A_57] : memref<10000x128xf32, #tpu.memory_space<hbm>> -> memref<10000x128xf32, #tpu.memory_space<hbm>>
      tpu.enqueue_indirect_dma source(%dma_start3A_58 : memref<10000x128xf32, #tpu.memory_space<hbm>>) target(%arg6 : memref<128x128xf32, #tpu.memory_space<vmem>>) offsets(%arg11 : memref<128xi32, #tpu.memory_space<vmem>>) semaphore(%arg15 : memref<!tpu.dma_semaphore, #tpu.memory_space<semaphore_mem>>)
      %dma_wait3A_59 = arith.constant 0 : i32
      %dma_wait3A_60 = arith.constant 0 : i32
      %dma_wait3A_61 = tpu.memref_slice %arg2[%dma_wait3A_59, %dma_wait3A_60] : memref<10000x128xf32, #tpu.memory_space<hbm>> -> memref<10000x128xf32, #tpu.memory_space<hbm>>
      tpu.wait_indirect_dma semaphore(%arg15 : memref<!tpu.dma_semaphore, #tpu.memory_space<semaphore_mem>>) src(%dma_wait3A_61 : memref<10000x128xf32, #tpu.memory_space<hbm>>) dst(%arg6 : memref<128x128xf32, #tpu.memory_space<vmem>>)
      "tpu.region"() ({
        %run_scoped3A = tpu.sem_alloc : memref<!tpu.dma_semaphore, #tpu.memory_space<semaphore_mem>>
        %dma_start3A_62 = arith.constant 0 : i32
        %dma_start3A_63 = arith.constant 0 : i32
        %dma_start3A_64 = tpu.memref_slice %arg13[%dma_start3A_62, %dma_start3A_63] : memref<10000x128xf32, #tpu.memory_space<vmem_shared>> -> memref<10000x128xf32, #tpu.memory_space<vmem_shared>>
        tpu.enqueue_indirect_dma source(%arg6 : memref<128x128xf32, #tpu.memory_space<vmem>>) target(%dma_start3A_64 : memref<10000x128xf32, #tpu.memory_space<vmem_shared>>) offsets(%arg12 : memref<128xi32, #tpu.memory_space<vmem>>) semaphore(%run_scoped3A : memref<!tpu.dma_semaphore, #tpu.memory_space<semaphore_mem>>) {add = true}
        %dma_wait3A_65 = arith.constant 0 : i32
        %dma_wait3A_66 = arith.constant 0 : i32
        %dma_wait3A_67 = tpu.memref_slice %arg13[%dma_wait3A_65, %dma_wait3A_66] : memref<10000x128xf32, #tpu.memory_space<vmem_shared>> -> memref<10000x128xf32, #tpu.memory_space<vmem_shared>>
        tpu.wait_indirect_dma semaphore(%run_scoped3A : memref<!tpu.dma_semaphore, #tpu.memory_space<semaphore_mem>>) src(%arg6 : memref<128x128xf32, #tpu.memory_space<vmem>>) dst(%dma_wait3A_67 : memref<10000x128xf32, #tpu.memory_space<vmem_shared>>)
        tpu.yield
      }) : () -> ()
    } else {
    }
    %barrier3A_46 = arith.constant 0 : index
    tpu.barrier barrier_id(%barrier3A_46)
    "tpu.region"() ({
      %run_scoped3A = tpu.sem_alloc : memref<!tpu.dma_semaphore, #tpu.memory_space<semaphore_mem>>
      %dma_start3A_52 = arith.constant 0 : i32
      %dma_start3A_53 = tpu.memref_slice %arg5[%arg0, %mul3A_14, %dma_start3A_52] : memref<2x10000x128xf32, #tpu.memory_space<hbm>> -> memref<1x624x128xf32, #tpu.memory_space<hbm>>
      %dma_start3A_54 = tpu.memref_squeeze %dma_start3A_53 : memref<1x624x128xf32, #tpu.memory_space<hbm>> -> memref<624x128xf32, #tpu.memory_space<hbm>>
      %dma_start3A_55 = arith.constant 0 : i32
      %dma_start3A_56 = tpu.memref_slice %arg13[%mul3A_14, %dma_start3A_55] : memref<10000x128xf32, #tpu.memory_space<vmem_shared>> -> memref<624x128xf32, #tpu.memory_space<vmem_shared>>
      tpu.enqueue_dma source(%dma_start3A_56 : memref<624x128xf32, #tpu.memory_space<vmem_shared>>) target(%dma_start3A_54 : memref<624x128xf32, #tpu.memory_space<hbm>>) target_semaphore(%run_scoped3A : memref<!tpu.dma_semaphore, #tpu.memory_space<semaphore_mem>>)
      %dma_wait3A_57 = arith.constant 0 : i32
      %dma_wait3A_58 = tpu.memref_slice %arg5[%arg0, %mul3A_14, %dma_wait3A_57] : memref<2x10000x128xf32, #tpu.memory_space<hbm>> -> memref<1x624x128xf32, #tpu.memory_space<hbm>>
      %dma_wait3A_59 = tpu.memref_squeeze %dma_wait3A_58 : memref<1x624x128xf32, #tpu.memory_space<hbm>> -> memref<624x128xf32, #tpu.memory_space<hbm>>
      %dma_wait3A_60 = arith.constant 0 : i32
      %dma_wait3A_61 = tpu.memref_slice %arg13[%mul3A_14, %dma_wait3A_60] : memref<10000x128xf32, #tpu.memory_space<vmem_shared>> -> memref<624x128xf32, #tpu.memory_space<vmem_shared>>
      tpu.wait_dma2 semaphore(%run_scoped3A : memref<!tpu.dma_semaphore, #tpu.memory_space<semaphore_mem>>) src(%dma_wait3A_61 : memref<624x128xf32, #tpu.memory_space<vmem_shared>>) dst(%dma_wait3A_59 : memref<624x128xf32, #tpu.memory_space<hbm>>)
      tpu.yield
    }) : () -> ()
    %eq3A_47 = arith.constant 15 : i32
    %eq3A_48 = arith.cmpi eq, %arg1, %eq3A_47 : i32
    %convert_element_type3A_49 = arith.extui %eq3A_48 : i1 to i32
    %cond3A_50 = arith.constant 0 : i32
    %cond3A_51 = arith.cmpi ne, %convert_element_type3A_49, %cond3A_50 : i32
    scf.if %cond3A_51 {
      "tpu.region"() ({
        %run_scoped3A = tpu.sem_alloc : memref<!tpu.dma_semaphore, #tpu.memory_space<semaphore_mem>>
        %dma_start3A_52 = arith.constant 9984 : i32
        %dma_start3A_53 = arith.constant 0 : i32
        %dma_start3A_54 = tpu.memref_slice %arg5[%arg0, %dma_start3A_52, %dma_start3A_53] : memref<2x10000x128xf32, #tpu.memory_space<hbm>> -> memref<1x16x128xf32, #tpu.memory_space<hbm>>
        %dma_start3A_55 = tpu.memref_squeeze %dma_start3A_54 : memref<1x16x128xf32, #tpu.memory_space<hbm>> -> memref<16x128xf32, #tpu.memory_space<hbm>>
        %dma_start3A_56 = arith.constant 9984 : i32
        %dma_start3A_57 = arith.constant 0 : i32
        %dma_start3A_58 = tpu.memref_slice %arg13[%dma_start3A_56, %dma_start3A_57] : memref<10000x128xf32, #tpu.memory_space<vmem_shared>> -> memref<16x128xf32, #tpu.memory_space<vmem_shared>>
        tpu.enqueue_dma source(%dma_start3A_58 : memref<16x128xf32, #tpu.memory_space<vmem_shared>>) target(%dma_start3A_55 : memref<16x128xf32, #tpu.memory_space<hbm>>) target_semaphore(%run_scoped3A : memref<!tpu.dma_semaphore, #tpu.memory_space<semaphore_mem>>)
        %dma_wait3A_59 = arith.constant 9984 : i32
        %dma_wait3A_60 = arith.constant 0 : i32
        %dma_wait3A_61 = tpu.memref_slice %arg5[%arg0, %dma_wait3A_59, %dma_wait3A_60] : memref<2x10000x128xf32, #tpu.memory_space<hbm>> -> memref<1x16x128xf32, #tpu.memory_space<hbm>>
        %dma_wait3A_62 = tpu.memref_squeeze %dma_wait3A_61 : memref<1x16x128xf32, #tpu.memory_space<hbm>> -> memref<16x128xf32, #tpu.memory_space<hbm>>
        %dma_wait3A_63 = arith.constant 9984 : i32
        %dma_wait3A_64 = arith.constant 0 : i32
        %dma_wait3A_65 = tpu.memref_slice %arg13[%dma_wait3A_63, %dma_wait3A_64] : memref<10000x128xf32, #tpu.memory_space<vmem_shared>> -> memref<16x128xf32, #tpu.memory_space<vmem_shared>>
        tpu.wait_dma2 semaphore(%run_scoped3A : memref<!tpu.dma_semaphore, #tpu.memory_space<semaphore_mem>>) src(%dma_wait3A_65 : memref<16x128xf32, #tpu.memory_space<vmem_shared>>) dst(%dma_wait3A_62 : memref<16x128xf32, #tpu.memory_space<hbm>>)
        tpu.yield
      }) : () -> ()
    } else {
    }
    return
  }
}

#map = affine_map<(d0, d1) -> (0, 0)>
#map1 = affine_map<(d0, d1) -> (0)>
#map2 = affine_map<(d0, d1) -> (0, 0, 0)>
module attributes {stable_mosaic.version = 14 : i64} {
  func.func @_agg_body(%arg0: i32, %arg1: i32, %arg2: memref<10000x128xf32, #tpu.memory_space<hbm>>, %arg3: memref<320000xi32, #tpu.memory_space<hbm>>, %arg4: memref<320000xi32, #tpu.memory_space<hbm>>, %arg5: memref<2x10000x128xf32, #tpu.memory_space<hbm>>, %arg6: memref<128x128xf32, #tpu.memory_space<vmem>>, %arg7: memref<128x128xf32, #tpu.memory_space<vmem>>, %arg8: memref<9984xi32, #tpu.memory_space<vmem>>, %arg9: memref<128xi32, #tpu.memory_space<vmem>>, %arg10: memref<128xi32, #tpu.memory_space<vmem>>, %arg11: memref<128xi32, #tpu.memory_space<vmem>>, %arg12: memref<128xi32, #tpu.memory_space<vmem>>, %arg13: memref<10000x128xf32, #tpu.memory_space<vmem_shared>>, %arg14: memref<!tpu.dma_semaphore, #tpu.memory_space<semaphore_mem>>, %arg15: memref<!tpu.dma_semaphore, #tpu.memory_space<semaphore_mem>>, %arg16: memref<!tpu.dma_semaphore, #tpu.memory_space<semaphore_mem>>, %arg17: memref<!tpu.dma_semaphore, #tpu.memory_space<semaphore_mem>>, %arg18: memref<!tpu.dma_semaphore, #tpu.memory_space<semaphore_mem>>) attributes {dimension_semantics = [#tpu.dimension_semantics<core_parallel>, #tpu.dimension_semantics<subcore_parallel>], iteration_bounds = array<i64: 2, 16>, scalar_prefetch = 0 : i64, scratch_operands = 13 : i64, tpu.core_type = #tpu.core_type<sc_vector_subcore>, window_params = [{transform_indices = #map}, {transform_indices = #map1}, {transform_indices = #map1}, {transform_indices = #map2}]} {
    %mul3A = arith.constant 16 : i32
    %mul3A_0 = arith.muli %arg0, %mul3A : i32
    %add3A = arith.addi %mul3A_0, %arg1 : i32
    %mul3A_1 = arith.constant 78 : i32
    %mul3A_2 = arith.muli %add3A, %mul3A_1 : i32
    %mul3A_3 = arith.constant 128 : i32
    %mul3A_4 = arith.muli %mul3A_2, %mul3A_3 : i32
    %dma_start3A = tpu.memref_slice %arg3[%mul3A_4] : memref<320000xi32, #tpu.memory_space<hbm>> -> memref<9984xi32, #tpu.memory_space<hbm>>
    %dma_start3A_5 = tpu.memref_slice %arg3[%mul3A_4] : memref<320000xi32, #tpu.memory_space<hbm>> -> memref<9984xi32, #tpu.memory_space<hbm>>
    tpu.enqueue_dma source(%dma_start3A_5 : memref<9984xi32, #tpu.memory_space<hbm>>) target(%arg8 : memref<9984xi32, #tpu.memory_space<vmem>>) target_semaphore(%arg14 : memref<!tpu.dma_semaphore, #tpu.memory_space<semaphore_mem>>)
    %broadcast_in_dim3A = arith.constant 0.000000e+00 : f32
    %broadcast_in_dim3A_6 = vector.broadcast %broadcast_in_dim3A : f32 to vector<16xf32>
    %scan3A = arith.constant 0 : i32
    %scan3A_7 = arith.constant 0 : i32
    %scan3A_8 = arith.constant 128 : i32
    %scan3A_9 = arith.addi %scan3A_7, %scan3A_8 : i32
    %scan3A_10 = arith.constant 1 : i32
    %scan3A_11 = scf.for %scan3A_52 = %scan3A_7 to %scan3A_9 step %scan3A_10 iter_args(%scan3A_53 = %scan3A) -> (i32)  : i32 {
      %swap3A = arith.index_cast %scan3A_52 : i32 to index
      %swap3A_54 = arith.constant 0 : index
      %swap3A_55 = tpu.vector_load %arg6[%swap3A, %swap3A_54] {strides = array<i32>} : memref<128x128xf32, #tpu.memory_space<vmem>>, vector<1x16xf32>,
      %swap3A_56 = vector.shape_cast %swap3A_55 : vector<1x16xf32> to vector<16xf32>
      %swap3A_57 = vector.shape_cast %broadcast_in_dim3A_6 : vector<16xf32> to vector<1x16xf32>
      tpu.vector_store %arg6[%swap3A, %swap3A_54], %swap3A_57 {strides = array<i32>} : memref<128x128xf32, #tpu.memory_space<vmem>>, vector<1x16xf32>,
      %swap3A_58 = arith.index_cast %scan3A_52 : i32 to index
      %swap3A_59 = arith.constant 16 : index
      %swap3A_60 = tpu.vector_load %arg6[%swap3A_58, %swap3A_59] {strides = array<i32>} : memref<128x128xf32, #tpu.memory_space<vmem>>, vector<1x16xf32>,
      %swap3A_61 = vector.shape_cast %swap3A_60 : vector<1x16xf32> to vector<16xf32>
      %swap3A_62 = vector.shape_cast %broadcast_in_dim3A_6 : vector<16xf32> to vector<1x16xf32>
      tpu.vector_store %arg6[%swap3A_58, %swap3A_59], %swap3A_62 {strides = array<i32>} : memref<128x128xf32, #tpu.memory_space<vmem>>, vector<1x16xf32>,
      %swap3A_63 = arith.index_cast %scan3A_52 : i32 to index
      %swap3A_64 = arith.constant 32 : index
      %swap3A_65 = tpu.vector_load %arg6[%swap3A_63, %swap3A_64] {strides = array<i32>} : memref<128x128xf32, #tpu.memory_space<vmem>>, vector<1x16xf32>,
      %swap3A_66 = vector.shape_cast %swap3A_65 : vector<1x16xf32> to vector<16xf32>
      %swap3A_67 = vector.shape_cast %broadcast_in_dim3A_6 : vector<16xf32> to vector<1x16xf32>
      tpu.vector_store %arg6[%swap3A_63, %swap3A_64], %swap3A_67 {strides = array<i32>} : memref<128x128xf32, #tpu.memory_space<vmem>>, vector<1x16xf32>,
      %swap3A_68 = arith.index_cast %scan3A_52 : i32 to index
      %swap3A_69 = arith.constant 48 : index
      %swap3A_70 = tpu.vector_load %arg6[%swap3A_68, %swap3A_69] {strides = array<i32>} : memref<128x128xf32, #tpu.memory_space<vmem>>, vector<1x16xf32>,
      %swap3A_71 = vector.shape_cast %swap3A_70 : vector<1x16xf32> to vector<16xf32>
      %swap3A_72 = vector.shape_cast %broadcast_in_dim3A_6 : vector<16xf32> to vector<1x16xf32>
      tpu.vector_store %arg6[%swap3A_68, %swap3A_69], %swap3A_72 {strides = array<i32>} : memref<128x128xf32, #tpu.memory_space<vmem>>, vector<1x16xf32>,
      %swap3A_73 = arith.index_cast %scan3A_52 : i32 to index
      %swap3A_74 = arith.constant 64 : index
      %swap3A_75 = tpu.vector_load %arg6[%swap3A_73, %swap3A_74] {strides = array<i32>} : memref<128x128xf32, #tpu.memory_space<vmem>>, vector<1x16xf32>,
      %swap3A_76 = vector.shape_cast %swap3A_75 : vector<1x16xf32> to vector<16xf32>
      %swap3A_77 = vector.shape_cast %broadcast_in_dim3A_6 : vector<16xf32> to vector<1x16xf32>
      tpu.vector_store %arg6[%swap3A_73, %swap3A_74], %swap3A_77 {strides = array<i32>} : memref<128x128xf32, #tpu.memory_space<vmem>>, vector<1x16xf32>,
      %swap3A_78 = arith.index_cast %scan3A_52 : i32 to index
      %swap3A_79 = arith.constant 80 : index
      %swap3A_80 = tpu.vector_load %arg6[%swap3A_78, %swap3A_79] {strides = array<i32>} : memref<128x128xf32, #tpu.memory_space<vmem>>, vector<1x16xf32>,
      %swap3A_81 = vector.shape_cast %swap3A_80 : vector<1x16xf32> to vector<16xf32>
      %swap3A_82 = vector.shape_cast %broadcast_in_dim3A_6 : vector<16xf32> to vector<1x16xf32>
      tpu.vector_store %arg6[%swap3A_78, %swap3A_79], %swap3A_82 {strides = array<i32>} : memref<128x128xf32, #tpu.memory_space<vmem>>, vector<1x16xf32>,
      %swap3A_83 = arith.index_cast %scan3A_52 : i32 to index
      %swap3A_84 = arith.constant 96 : index
      %swap3A_85 = tpu.vector_load %arg6[%swap3A_83, %swap3A_84] {strides = array<i32>} : memref<128x128xf32, #tpu.memory_space<vmem>>, vector<1x16xf32>,
      %swap3A_86 = vector.shape_cast %swap3A_85 : vector<1x16xf32> to vector<16xf32>
      %swap3A_87 = vector.shape_cast %broadcast_in_dim3A_6 : vector<16xf32> to vector<1x16xf32>
      tpu.vector_store %arg6[%swap3A_83, %swap3A_84], %swap3A_87 {strides = array<i32>} : memref<128x128xf32, #tpu.memory_space<vmem>>, vector<1x16xf32>,
      %swap3A_88 = arith.index_cast %scan3A_52 : i32 to index
      %swap3A_89 = arith.constant 112 : index
      %swap3A_90 = tpu.vector_load %arg6[%swap3A_88, %swap3A_89] {strides = array<i32>} : memref<128x128xf32, #tpu.memory_space<vmem>>, vector<1x16xf32>,
      %swap3A_91 = vector.shape_cast %swap3A_90 : vector<1x16xf32> to vector<16xf32>
      %swap3A_92 = vector.shape_cast %broadcast_in_dim3A_6 : vector<16xf32> to vector<1x16xf32>
      tpu.vector_store %arg6[%swap3A_88, %swap3A_89], %swap3A_92 {strides = array<i32>} : memref<128x128xf32, #tpu.memory_space<vmem>>, vector<1x16xf32>,
      %scan3A_93 = arith.constant 0 : i32
      scf.yield %scan3A_93 : i32
    }
    %scan3A_12 = arith.constant 128 : i32
    %mul3A_13 = arith.constant 624 : i32
    %mul3A_14 = arith.muli %arg1, %mul3A_13 : i32
    %add3A_15 = arith.constant 0 : i32
    %add3A_16 = arith.addi %mul3A_14, %add3A_15 : i32
    "tpu.region"() ({
      %run_scoped3A = tpu.sem_alloc : memref<!tpu.dma_semaphore, #tpu.memory_space<semaphore_mem>>
      %dma_start3A_52 = arith.constant 0 : i32
      %dma_start3A_53 = tpu.memref_slice %arg13[%add3A_16, %dma_start3A_52] : memref<10000x128xf32, #tpu.memory_space<vmem_shared>> -> memref<128x128xf32, #tpu.memory_space<vmem_shared>>
      %dma_start3A_54 = arith.constant 0 : i32
      %dma_start3A_55 = tpu.memref_slice %arg13[%add3A_16, %dma_start3A_54] : memref<10000x128xf32, #tpu.memory_space<vmem_shared>> -> memref<128x128xf32, #tpu.memory_space<vmem_shared>>
      tpu.enqueue_dma source(%arg6 : memref<128x128xf32, #tpu.memory_space<vmem>>) target(%dma_start3A_55 : memref<128x128xf32, #tpu.memory_space<vmem_shared>>) target_semaphore(%run_scoped3A : memref<!tpu.dma_semaphore, #tpu.memory_space<semaphore_mem>>)
      %dma_wait3A_56 = arith.constant 0 : i32
      %dma_wait3A_57 = tpu.memref_slice %arg13[%add3A_16, %dma_wait3A_56] : memref<10000x128xf32, #tpu.memory_space<vmem_shared>> -> memref<128x128xf32, #tpu.memory_space<vmem_shared>>
      %dma_wait3A_58 = arith.constant 0 : i32
      %dma_wait3A_59 = tpu.memref_slice %arg13[%add3A_16, %dma_wait3A_58] : memref<10000x128xf32, #tpu.memory_space<vmem_shared>> -> memref<128x128xf32, #tpu.memory_space<vmem_shared>>
      tpu.wait_dma2 semaphore(%run_scoped3A : memref<!tpu.dma_semaphore, #tpu.memory_space<semaphore_mem>>) src(%arg6 : memref<128x128xf32, #tpu.memory_space<vmem>>) dst(%dma_wait3A_59 : memref<128x128xf32, #tpu.memory_space<vmem_shared>>)
      tpu.yield
    }) : () -> ()
    %add3A_17 = arith.constant 128 : i32
    %add3A_18 = arith.addi %mul3A_14, %add3A_17 : i32
    "tpu.region"() ({
      %run_scoped3A = tpu.sem_alloc : memref<!tpu.dma_semaphore, #tpu.memory_space<semaphore_mem>>
      %dma_start3A_52 = arith.constant 0 : i32
      %dma_start3A_53 = tpu.memref_slice %arg13[%add3A_18, %dma_start3A_52] : memref<10000x128xf32, #tpu.memory_space<vmem_shared>> -> memref<128x128xf32, #tpu.memory_space<vmem_shared>>
      %dma_start3A_54 = arith.constant 0 : i32
      %dma_start3A_55 = tpu.memref_slice %arg13[%add3A_18, %dma_start3A_54] : memref<10000x128xf32, #tpu.memory_space<vmem_shared>> -> memref<128x128xf32, #tpu.memory_space<vmem_shared>>
      tpu.enqueue_dma source(%arg6 : memref<128x128xf32, #tpu.memory_space<vmem>>) target(%dma_start3A_55 : memref<128x128xf32, #tpu.memory_space<vmem_shared>>) target_semaphore(%run_scoped3A : memref<!tpu.dma_semaphore, #tpu.memory_space<semaphore_mem>>)
      %dma_wait3A_56 = arith.constant 0 : i32
      %dma_wait3A_57 = tpu.memref_slice %arg13[%add3A_18, %dma_wait3A_56] : memref<10000x128xf32, #tpu.memory_space<vmem_shared>> -> memref<128x128xf32, #tpu.memory_space<vmem_shared>>
      %dma_wait3A_58 = arith.constant 0 : i32
      %dma_wait3A_59 = tpu.memref_slice %arg13[%add3A_18, %dma_wait3A_58] : memref<10000x128xf32, #tpu.memory_space<vmem_shared>> -> memref<128x128xf32, #tpu.memory_space<vmem_shared>>
      tpu.wait_dma2 semaphore(%run_scoped3A : memref<!tpu.dma_semaphore, #tpu.memory_space<semaphore_mem>>) src(%arg6 : memref<128x128xf32, #tpu.memory_space<vmem>>) dst(%dma_wait3A_59 : memref<128x128xf32, #tpu.memory_space<vmem_shared>>)
      tpu.yield
    }) : () -> ()
    %add3A_19 = arith.constant 256 : i32
    %add3A_20 = arith.addi %mul3A_14, %add3A_19 : i32
    "tpu.region"() ({
      %run_scoped3A = tpu.sem_alloc : memref<!tpu.dma_semaphore, #tpu.memory_space<semaphore_mem>>
      %dma_start3A_52 = arith.constant 0 : i32
      %dma_start3A_53 = tpu.memref_slice %arg13[%add3A_20, %dma_start3A_52] : memref<10000x128xf32, #tpu.memory_space<vmem_shared>> -> memref<128x128xf32, #tpu.memory_space<vmem_shared>>
      %dma_start3A_54 = arith.constant 0 : i32
      %dma_start3A_55 = tpu.memref_slice %arg13[%add3A_20, %dma_start3A_54] : memref<10000x128xf32, #tpu.memory_space<vmem_shared>> -> memref<128x128xf32, #tpu.memory_space<vmem_shared>>
      tpu.enqueue_dma source(%arg6 : memref<128x128xf32, #tpu.memory_space<vmem>>) target(%dma_start3A_55 : memref<128x128xf32, #tpu.memory_space<vmem_shared>>) target_semaphore(%run_scoped3A : memref<!tpu.dma_semaphore, #tpu.memory_space<semaphore_mem>>)
      %dma_wait3A_56 = arith.constant 0 : i32
      %dma_wait3A_57 = tpu.memref_slice %arg13[%add3A_20, %dma_wait3A_56] : memref<10000x128xf32, #tpu.memory_space<vmem_shared>> -> memref<128x128xf32, #tpu.memory_space<vmem_shared>>
      %dma_wait3A_58 = arith.constant 0 : i32
      %dma_wait3A_59 = tpu.memref_slice %arg13[%add3A_20, %dma_wait3A_58] : memref<10000x128xf32, #tpu.memory_space<vmem_shared>> -> memref<128x128xf32, #tpu.memory_space<vmem_shared>>
      tpu.wait_dma2 semaphore(%run_scoped3A : memref<!tpu.dma_semaphore, #tpu.memory_space<semaphore_mem>>) src(%arg6 : memref<128x128xf32, #tpu.memory_space<vmem>>) dst(%dma_wait3A_59 : memref<128x128xf32, #tpu.memory_space<vmem_shared>>)
      tpu.yield
    }) : () -> ()
    %add3A_21 = arith.constant 384 : i32
    %add3A_22 = arith.addi %mul3A_14, %add3A_21 : i32
    "tpu.region"() ({
      %run_scoped3A = tpu.sem_alloc : memref<!tpu.dma_semaphore, #tpu.memory_space<semaphore_mem>>
      %dma_start3A_52 = arith.constant 0 : i32
      %dma_start3A_53 = tpu.memref_slice %arg13[%add3A_22, %dma_start3A_52] : memref<10000x128xf32, #tpu.memory_space<vmem_shared>> -> memref<128x128xf32, #tpu.memory_space<vmem_shared>>
      %dma_start3A_54 = arith.constant 0 : i32
      %dma_start3A_55 = tpu.memref_slice %arg13[%add3A_22, %dma_start3A_54] : memref<10000x128xf32, #tpu.memory_space<vmem_shared>> -> memref<128x128xf32, #tpu.memory_space<vmem_shared>>
      tpu.enqueue_dma source(%arg6 : memref<128x128xf32, #tpu.memory_space<vmem>>) target(%dma_start3A_55 : memref<128x128xf32, #tpu.memory_space<vmem_shared>>) target_semaphore(%run_scoped3A : memref<!tpu.dma_semaphore, #tpu.memory_space<semaphore_mem>>)
      %dma_wait3A_56 = arith.constant 0 : i32
      %dma_wait3A_57 = tpu.memref_slice %arg13[%add3A_22, %dma_wait3A_56] : memref<10000x128xf32, #tpu.memory_space<vmem_shared>> -> memref<128x128xf32, #tpu.memory_space<vmem_shared>>
      %dma_wait3A_58 = arith.constant 0 : i32
      %dma_wait3A_59 = tpu.memref_slice %arg13[%add3A_22, %dma_wait3A_58] : memref<10000x128xf32, #tpu.memory_space<vmem_shared>> -> memref<128x128xf32, #tpu.memory_space<vmem_shared>>
      tpu.wait_dma2 semaphore(%run_scoped3A : memref<!tpu.dma_semaphore, #tpu.memory_space<semaphore_mem>>) src(%arg6 : memref<128x128xf32, #tpu.memory_space<vmem>>) dst(%dma_wait3A_59 : memref<128x128xf32, #tpu.memory_space<vmem_shared>>)
      tpu.yield
    }) : () -> ()
    %add3A_23 = arith.constant 512 : i32
    %add3A_24 = arith.addi %mul3A_14, %add3A_23 : i32
    "tpu.region"() ({
      %run_scoped3A = tpu.sem_alloc : memref<!tpu.dma_semaphore, #tpu.memory_space<semaphore_mem>>
      %dma_start3A_52 = arith.constant 0 : i32
      %dma_start3A_53 = arith.constant 0 : i32
      %dma_start3A_54 = tpu.memref_slice %arg6[%dma_start3A_52, %dma_start3A_53] : memref<128x128xf32, #tpu.memory_space<vmem>> -> memref<112x128xf32, #tpu.memory_space<vmem>>
      %dma_start3A_55 = arith.constant 0 : i32
      %dma_start3A_56 = tpu.memref_slice %arg13[%add3A_24, %dma_start3A_55] : memref<10000x128xf32, #tpu.memory_space<vmem_shared>> -> memref<112x128xf32, #tpu.memory_space<vmem_shared>>
      %dma_start3A_57 = arith.constant 0 : i32
      %dma_start3A_58 = tpu.memref_slice %arg13[%add3A_24, %dma_start3A_57] : memref<10000x128xf32, #tpu.memory_space<vmem_shared>> -> memref<112x128xf32, #tpu.memory_space<vmem_shared>>
      %dma_start3A_59 = arith.constant 0 : i32
      %dma_start3A_60 = arith.constant 0 : i32
      %dma_start3A_61 = tpu.memref_slice %arg6[%dma_start3A_59, %dma_start3A_60] : memref<128x128xf32, #tpu.memory_space<vmem>> -> memref<112x128xf32, #tpu.memory_space<vmem>>
      tpu.enqueue_dma source(%dma_start3A_61 : memref<112x128xf32, #tpu.memory_space<vmem>>) target(%dma_start3A_58 : memref<112x128xf32, #tpu.memory_space<vmem_shared>>) target_semaphore(%run_scoped3A : memref<!tpu.dma_semaphore, #tpu.memory_space<semaphore_mem>>)
      %dma_wait3A_62 = arith.constant 0 : i32
      %dma_wait3A_63 = arith.constant 0 : i32
      %dma_wait3A_64 = tpu.memref_slice %arg6[%dma_wait3A_62, %dma_wait3A_63] : memref<128x128xf32, #tpu.memory_space<vmem>> -> memref<112x128xf32, #tpu.memory_space<vmem>>
      %dma_wait3A_65 = arith.constant 0 : i32
      %dma_wait3A_66 = tpu.memref_slice %arg13[%add3A_24, %dma_wait3A_65] : memref<10000x128xf32, #tpu.memory_space<vmem_shared>> -> memref<112x128xf32, #tpu.memory_space<vmem_shared>>
      %dma_wait3A_67 = arith.constant 0 : i32
      %dma_wait3A_68 = tpu.memref_slice %arg13[%add3A_24, %dma_wait3A_67] : memref<10000x128xf32, #tpu.memory_space<vmem_shared>> -> memref<112x128xf32, #tpu.memory_space<vmem_shared>>
      %dma_wait3A_69 = arith.constant 0 : i32
      %dma_wait3A_70 = arith.constant 0 : i32
      %dma_wait3A_71 = tpu.memref_slice %arg6[%dma_wait3A_69, %dma_wait3A_70] : memref<128x128xf32, #tpu.memory_space<vmem>> -> memref<112x128xf32, #tpu.memory_space<vmem>>
      tpu.wait_dma2 semaphore(%run_scoped3A : memref<!tpu.dma_semaphore, #tpu.memory_space<semaphore_mem>>) src(%dma_wait3A_71 : memref<112x128xf32, #tpu.memory_space<vmem>>) dst(%dma_wait3A_68 : memref<112x128xf32, #tpu.memory_space<vmem_shared>>)
      tpu.yield
    }) : () -> ()
    %eq3A = arith.constant 15 : i32
    %eq3A_25 = arith.cmpi eq, %arg1, %eq3A : i32
    %convert_element_type3A = arith.extui %eq3A_25 : i1 to i32
    %cond3A = arith.constant 0 : i32
    %cond3A_26 = arith.cmpi ne, %convert_element_type3A, %cond3A : i32
    scf.if %cond3A_26 {
      "tpu.region"() ({
        %run_scoped3A = tpu.sem_alloc : memref<!tpu.dma_semaphore, #tpu.memory_space<semaphore_mem>>
        %dma_start3A_52 = arith.constant 0 : i32
        %dma_start3A_53 = arith.constant 0 : i32
        %dma_start3A_54 = tpu.memref_slice %arg6[%dma_start3A_52, %dma_start3A_53] : memref<128x128xf32, #tpu.memory_space<vmem>> -> memref<16x128xf32, #tpu.memory_space<vmem>>
        %dma_start3A_55 = arith.constant 9984 : i32
        %dma_start3A_56 = arith.constant 0 : i32
        %dma_start3A_57 = tpu.memref_slice %arg13[%dma_start3A_55, %dma_start3A_56] : memref<10000x128xf32, #tpu.memory_space<vmem_shared>> -> memref<16x128xf32, #tpu.memory_space<vmem_shared>>
        %dma_start3A_58 = arith.constant 9984 : i32
        %dma_start3A_59 = arith.constant 0 : i32
        %dma_start3A_60 = tpu.memref_slice %arg13[%dma_start3A_58, %dma_start3A_59] : memref<10000x128xf32, #tpu.memory_space<vmem_shared>> -> memref<16x128xf32, #tpu.memory_space<vmem_shared>>
        %dma_start3A_61 = arith.constant 0 : i32
        %dma_start3A_62 = arith.constant 0 : i32
        %dma_start3A_63 = tpu.memref_slice %arg6[%dma_start3A_61, %dma_start3A_62] : memref<128x128xf32, #tpu.memory_space<vmem>> -> memref<16x128xf32, #tpu.memory_space<vmem>>
        tpu.enqueue_dma source(%dma_start3A_63 : memref<16x128xf32, #tpu.memory_space<vmem>>) target(%dma_start3A_60 : memref<16x128xf32, #tpu.memory_space<vmem_shared>>) target_semaphore(%run_scoped3A : memref<!tpu.dma_semaphore, #tpu.memory_space<semaphore_mem>>)
        %dma_wait3A_64 = arith.constant 0 : i32
        %dma_wait3A_65 = arith.constant 0 : i32
        %dma_wait3A_66 = tpu.memref_slice %arg6[%dma_wait3A_64, %dma_wait3A_65] : memref<128x128xf32, #tpu.memory_space<vmem>> -> memref<16x128xf32, #tpu.memory_space<vmem>>
        %dma_wait3A_67 = arith.constant 9984 : i32
        %dma_wait3A_68 = arith.constant 0 : i32
        %dma_wait3A_69 = tpu.memref_slice %arg13[%dma_wait3A_67, %dma_wait3A_68] : memref<10000x128xf32, #tpu.memory_space<vmem_shared>> -> memref<16x128xf32, #tpu.memory_space<vmem_shared>>
        %dma_wait3A_70 = arith.constant 9984 : i32
        %dma_wait3A_71 = arith.constant 0 : i32
        %dma_wait3A_72 = tpu.memref_slice %arg13[%dma_wait3A_70, %dma_wait3A_71] : memref<10000x128xf32, #tpu.memory_space<vmem_shared>> -> memref<16x128xf32, #tpu.memory_space<vmem_shared>>
        %dma_wait3A_73 = arith.constant 0 : i32
        %dma_wait3A_74 = arith.constant 0 : i32
        %dma_wait3A_75 = tpu.memref_slice %arg6[%dma_wait3A_73, %dma_wait3A_74] : memref<128x128xf32, #tpu.memory_space<vmem>> -> memref<16x128xf32, #tpu.memory_space<vmem>>
        tpu.wait_dma2 semaphore(%run_scoped3A : memref<!tpu.dma_semaphore, #tpu.memory_space<semaphore_mem>>) src(%dma_wait3A_75 : memref<16x128xf32, #tpu.memory_space<vmem>>) dst(%dma_wait3A_72 : memref<16x128xf32, #tpu.memory_space<vmem_shared>>)
        tpu.yield
      }) : () -> ()
    } else {
    }
    %dma_wait3A = tpu.memref_slice %arg3[%mul3A_4] : memref<320000xi32, #tpu.memory_space<hbm>> -> memref<9984xi32, #tpu.memory_space<hbm>>
    %dma_wait3A_27 = tpu.memref_slice %arg3[%mul3A_4] : memref<320000xi32, #tpu.memory_space<hbm>> -> memref<9984xi32, #tpu.memory_space<hbm>>
    tpu.wait_dma2 semaphore(%arg14 : memref<!tpu.dma_semaphore, #tpu.memory_space<semaphore_mem>>) src(%dma_wait3A_27 : memref<9984xi32, #tpu.memory_space<hbm>>) dst(%arg8 : memref<9984xi32, #tpu.memory_space<vmem>>)
    %dma_start3A_28 = arith.constant 0 : i32
    %dma_start3A_29 = tpu.memref_slice %arg8[%dma_start3A_28] : memref<9984xi32, #tpu.memory_space<vmem>> -> memref<128xi32, #tpu.memory_space<vmem>>
    %dma_start3A_30 = arith.constant 0 : i32
    %dma_start3A_31 = arith.constant 0 : i32
    %dma_start3A_32 = tpu.memref_slice %arg2[%dma_start3A_30, %dma_start3A_31] : memref<10000x128xf32, #tpu.memory_space<hbm>> -> memref<10000x128xf32, #tpu.memory_space<hbm>>
    tpu.enqueue_indirect_dma source(%dma_start3A_32 : memref<10000x128xf32, #tpu.memory_space<hbm>>) target(%arg6 : memref<128x128xf32, #tpu.memory_space<vmem>>) offsets(%dma_start3A_29 : memref<128xi32, #tpu.memory_space<vmem>>) semaphore(%arg15 : memref<!tpu.dma_semaphore, #tpu.memory_space<semaphore_mem>>)
    %dma_start3A_33 = tpu.memref_slice %arg4[%mul3A_4] : memref<320000xi32, #tpu.memory_space<hbm>> -> memref<128xi32, #tpu.memory_space<hbm>>
    %dma_start3A_34 = tpu.memref_slice %arg4[%mul3A_4] : memref<320000xi32, #tpu.memory_space<hbm>> -> memref<128xi32, #tpu.memory_space<hbm>>
    tpu.enqueue_dma source(%dma_start3A_34 : memref<128xi32, #tpu.memory_space<hbm>>) target(%arg9 : memref<128xi32, #tpu.memory_space<vmem>>) target_semaphore(%arg17 : memref<!tpu.dma_semaphore, #tpu.memory_space<semaphore_mem>>)
    %barrier3A = arith.constant 0 : index
    tpu.barrier barrier_id(%barrier3A)
    %scan3A_35 = arith.constant 0 : i32
    %scan3A_36 = arith.constant 0 : i32
    %scan3A_37 = arith.constant 39 : i32
    %scan3A_38 = arith.addi %scan3A_36, %scan3A_37 : i32
    %scan3A_39 = arith.constant 1 : i32
    %scan3A_40 = scf.for %scan3A_52 = %scan3A_36 to %scan3A_38 step %scan3A_39 iter_args(%scan3A_53 = %scan3A_35) -> (i32)  : i32 {
      %mul3A_54 = arith.constant 2 : i32
      %mul3A_55 = arith.muli %mul3A_54, %scan3A_52 : i32
      %mul3A_56 = arith.constant 128 : i32
      %mul3A_57 = arith.muli %mul3A_55, %mul3A_56 : i32
      %add3A_58 = arith.addi %mul3A_4, %mul3A_57 : i32
      %mul3A_59 = arith.constant 2 : i32
      %mul3A_60 = arith.muli %mul3A_59, %scan3A_52 : i32
      %add3A_61 = arith.constant 1 : i32
      %add3A_62 = arith.addi %mul3A_60, %add3A_61 : i32
      %mul3A_63 = arith.constant 128 : i32
      %mul3A_64 = arith.muli %add3A_62, %mul3A_63 : i32
      %dma_start3A_65 = tpu.memref_slice %arg8[%mul3A_64] : memref<9984xi32, #tpu.memory_space<vmem>> -> memref<128xi32, #tpu.memory_space<vmem>>
      %dma_start3A_66 = arith.constant 0 : i32
      %dma_start3A_67 = arith.constant 0 : i32
      %dma_start3A_68 = tpu.memref_slice %arg2[%dma_start3A_66, %dma_start3A_67] : memref<10000x128xf32, #tpu.memory_space<hbm>> -> memref<10000x128xf32, #tpu.memory_space<hbm>>
      tpu.enqueue_indirect_dma source(%dma_start3A_68 : memref<10000x128xf32, #tpu.memory_space<hbm>>) target(%arg7 : memref<128x128xf32, #tpu.memory_space<vmem>>) offsets(%dma_start3A_65 : memref<128xi32, #tpu.memory_space<vmem>>) semaphore(%arg16 : memref<!tpu.dma_semaphore, #tpu.memory_space<semaphore_mem>>)
      %add3A_69 = arith.constant 128 : i32
      %add3A_70 = arith.addi %add3A_58, %add3A_69 : i32
      %dma_start3A_71 = tpu.memref_slice %arg4[%add3A_70] : memref<320000xi32, #tpu.memory_space<hbm>> -> memref<128xi32, #tpu.memory_space<hbm>>
      %dma_start3A_72 = tpu.memref_slice %arg4[%add3A_70] : memref<320000xi32, #tpu.memory_space<hbm>> -> memref<128xi32, #tpu.memory_space<hbm>>
      tpu.enqueue_dma source(%dma_start3A_72 : memref<128xi32, #tpu.memory_space<hbm>>) target(%arg10 : memref<128xi32, #tpu.memory_space<vmem>>) target_semaphore(%arg18 : memref<!tpu.dma_semaphore, #tpu.memory_space<semaphore_mem>>)
      %dma_wait3A_73 = arith.constant 0 : i32
      %dma_wait3A_74 = tpu.memref_slice %arg8[%dma_wait3A_73] : memref<9984xi32, #tpu.memory_space<vmem>> -> memref<128xi32, #tpu.memory_space<vmem>>
      %dma_wait3A_75 = arith.constant 0 : i32
      %dma_wait3A_76 = arith.constant 0 : i32
      %dma_wait3A_77 = tpu.memref_slice %arg2[%dma_wait3A_75, %dma_wait3A_76] : memref<10000x128xf32, #tpu.memory_space<hbm>> -> memref<10000x128xf32, #tpu.memory_space<hbm>>
      tpu.wait_indirect_dma semaphore(%arg15 : memref<!tpu.dma_semaphore, #tpu.memory_space<semaphore_mem>>) src(%dma_wait3A_77 : memref<10000x128xf32, #tpu.memory_space<hbm>>) dst(%arg6 : memref<128x128xf32, #tpu.memory_space<vmem>>)
      %dma_wait3A_78 = arith.constant 0 : i32
      %dma_wait3A_79 = tpu.memref_slice %arg4[%dma_wait3A_78] : memref<320000xi32, #tpu.memory_space<hbm>> -> memref<128xi32, #tpu.memory_space<hbm>>
      %dma_wait3A_80 = arith.constant 0 : i32
      %dma_wait3A_81 = tpu.memref_slice %arg4[%dma_wait3A_80] : memref<320000xi32, #tpu.memory_space<hbm>> -> memref<128xi32, #tpu.memory_space<hbm>>
      tpu.wait_dma2 semaphore(%arg17 : memref<!tpu.dma_semaphore, #tpu.memory_space<semaphore_mem>>) src(%dma_wait3A_81 : memref<128xi32, #tpu.memory_space<hbm>>) dst(%arg9 : memref<128xi32, #tpu.memory_space<vmem>>)
      "tpu.region"() ({
        %run_scoped3A = tpu.sem_alloc : memref<!tpu.dma_semaphore, #tpu.memory_space<semaphore_mem>>
        %dma_start3A_96 = arith.constant 0 : i32
        %dma_start3A_97 = arith.constant 0 : i32
        %dma_start3A_98 = tpu.memref_slice %arg13[%dma_start3A_96, %dma_start3A_97] : memref<10000x128xf32, #tpu.memory_space<vmem_shared>> -> memref<10000x128xf32, #tpu.memory_space<vmem_shared>>
        tpu.enqueue_indirect_dma source(%arg6 : memref<128x128xf32, #tpu.memory_space<vmem>>) target(%dma_start3A_98 : memref<10000x128xf32, #tpu.memory_space<vmem_shared>>) offsets(%arg9 : memref<128xi32, #tpu.memory_space<vmem>>) semaphore(%run_scoped3A : memref<!tpu.dma_semaphore, #tpu.memory_space<semaphore_mem>>) {add = true}
        %dma_wait3A_99 = arith.constant 0 : i32
        %dma_wait3A_100 = arith.constant 0 : i32
        %dma_wait3A_101 = tpu.memref_slice %arg13[%dma_wait3A_99, %dma_wait3A_100] : memref<10000x128xf32, #tpu.memory_space<vmem_shared>> -> memref<10000x128xf32, #tpu.memory_space<vmem_shared>>
        tpu.wait_indirect_dma semaphore(%run_scoped3A : memref<!tpu.dma_semaphore, #tpu.memory_space<semaphore_mem>>) src(%arg6 : memref<128x128xf32, #tpu.memory_space<vmem>>) dst(%dma_wait3A_101 : memref<10000x128xf32, #tpu.memory_space<vmem_shared>>)
        tpu.yield
      }) : () -> ()
      %add3A_82 = arith.constant 1 : i32
      %add3A_83 = arith.addi %scan3A_52, %add3A_82 : i32
      %lt3A_84 = arith.constant 39 : i32
      %lt3A_85 = arith.cmpi slt, %add3A_83, %lt3A_84 : i32
      %convert_element_type3A_86 = arith.extui %lt3A_85 : i1 to i32
      %cond3A_87 = arith.constant 0 : i32
      %cond3A_88 = arith.cmpi ne, %convert_element_type3A_86, %cond3A_87 : i32
      scf.if %cond3A_88 {
        %mul3A_96 = arith.constant 2 : i32
        %mul3A_97 = arith.muli %mul3A_96, %scan3A_52 : i32
        %add3A_98 = arith.constant 2 : i32
        %add3A_99 = arith.addi %mul3A_97, %add3A_98 : i32
        %mul3A_100 = arith.constant 128 : i32
        %mul3A_101 = arith.muli %add3A_99, %mul3A_100 : i32
        %dma_start3A_102 = tpu.memref_slice %arg8[%mul3A_101] : memref<9984xi32, #tpu.memory_space<vmem>> -> memref<128xi32, #tpu.memory_space<vmem>>
        %dma_start3A_103 = arith.constant 0 : i32
        %dma_start3A_104 = arith.constant 0 : i32
        %dma_start3A_105 = tpu.memref_slice %arg2[%dma_start3A_103, %dma_start3A_104] : memref<10000x128xf32, #tpu.memory_space<hbm>> -> memref<10000x128xf32, #tpu.memory_space<hbm>>
        tpu.enqueue_indirect_dma source(%dma_start3A_105 : memref<10000x128xf32, #tpu.memory_space<hbm>>) target(%arg6 : memref<128x128xf32, #tpu.memory_space<vmem>>) offsets(%dma_start3A_102 : memref<128xi32, #tpu.memory_space<vmem>>) semaphore(%arg15 : memref<!tpu.dma_semaphore, #tpu.memory_space<semaphore_mem>>)
        %add3A_106 = arith.constant 256 : i32
        %add3A_107 = arith.addi %add3A_58, %add3A_106 : i32
        %dma_start3A_108 = tpu.memref_slice %arg4[%add3A_107] : memref<320000xi32, #tpu.memory_space<hbm>> -> memref<128xi32, #tpu.memory_space<hbm>>
        %dma_start3A_109 = tpu.memref_slice %arg4[%add3A_107] : memref<320000xi32, #tpu.memory_space<hbm>> -> memref<128xi32, #tpu.memory_space<hbm>>
        tpu.enqueue_dma source(%dma_start3A_109 : memref<128xi32, #tpu.memory_space<hbm>>) target(%arg9 : memref<128xi32, #tpu.memory_space<vmem>>) target_semaphore(%arg17 : memref<!tpu.dma_semaphore, #tpu.memory_space<semaphore_mem>>)
      } else {
      }
      %dma_wait3A_89 = tpu.memref_slice %arg8[%mul3A_64] : memref<9984xi32, #tpu.memory_space<vmem>> -> memref<128xi32, #tpu.memory_space<vmem>>
      %dma_wait3A_90 = arith.constant 0 : i32
      %dma_wait3A_91 = arith.constant 0 : i32
      %dma_wait3A_92 = tpu.memref_slice %arg2[%dma_wait3A_90, %dma_wait3A_91] : memref<10000x128xf32, #tpu.memory_space<hbm>> -> memref<10000x128xf32, #tpu.memory_space<hbm>>
      tpu.wait_indirect_dma semaphore(%arg16 : memref<!tpu.dma_semaphore, #tpu.memory_space<semaphore_mem>>) src(%dma_wait3A_92 : memref<10000x128xf32, #tpu.memory_space<hbm>>) dst(%arg7 : memref<128x128xf32, #tpu.memory_space<vmem>>)
      %dma_wait3A_93 = tpu.memref_slice %arg4[%add3A_70] : memref<320000xi32, #tpu.memory_space<hbm>> -> memref<128xi32, #tpu.memory_space<hbm>>
      %dma_wait3A_94 = tpu.memref_slice %arg4[%add3A_70] : memref<320000xi32, #tpu.memory_space<hbm>> -> memref<128xi32, #tpu.memory_space<hbm>>
      tpu.wait_dma2 semaphore(%arg18 : memref<!tpu.dma_semaphore, #tpu.memory_space<semaphore_mem>>) src(%dma_wait3A_94 : memref<128xi32, #tpu.memory_space<hbm>>) dst(%arg10 : memref<128xi32, #tpu.memory_space<vmem>>)
      "tpu.region"() ({
        %run_scoped3A = tpu.sem_alloc : memref<!tpu.dma_semaphore, #tpu.memory_space<semaphore_mem>>
        %dma_start3A_96 = arith.constant 0 : i32
        %dma_start3A_97 = arith.constant 0 : i32
        %dma_start3A_98 = tpu.memref_slice %arg13[%dma_start3A_96, %dma_start3A_97] : memref<10000x128xf32, #tpu.memory_space<vmem_shared>> -> memref<10000x128xf32, #tpu.memory_space<vmem_shared>>
        tpu.enqueue_indirect_dma source(%arg7 : memref<128x128xf32, #tpu.memory_space<vmem>>) target(%dma_start3A_98 : memref<10000x128xf32, #tpu.memory_space<vmem_shared>>) offsets(%arg10 : memref<128xi32, #tpu.memory_space<vmem>>) semaphore(%run_scoped3A : memref<!tpu.dma_semaphore, #tpu.memory_space<semaphore_mem>>) {add = true}
        %dma_wait3A_99 = arith.constant 0 : i32
        %dma_wait3A_100 = arith.constant 0 : i32
        %dma_wait3A_101 = tpu.memref_slice %arg13[%dma_wait3A_99, %dma_wait3A_100] : memref<10000x128xf32, #tpu.memory_space<vmem_shared>> -> memref<10000x128xf32, #tpu.memory_space<vmem_shared>>
        tpu.wait_indirect_dma semaphore(%run_scoped3A : memref<!tpu.dma_semaphore, #tpu.memory_space<semaphore_mem>>) src(%arg7 : memref<128x128xf32, #tpu.memory_space<vmem>>) dst(%dma_wait3A_101 : memref<10000x128xf32, #tpu.memory_space<vmem_shared>>)
        tpu.yield
      }) : () -> ()
      %scan3A_95 = arith.constant 0 : i32
      scf.yield %scan3A_95 : i32
    }
    %scan3A_41 = arith.constant 39 : i32
    %lt3A = arith.constant 4 : i32
    %lt3A_42 = arith.cmpi slt, %add3A, %lt3A : i32
    %convert_element_type3A_43 = arith.extui %lt3A_42 : i1 to i32
    %cond3A_44 = arith.constant 0 : i32
    %cond3A_45 = arith.cmpi ne, %convert_element_type3A_43, %cond3A_44 : i32
    scf.if %cond3A_45 {
      %add3A_52 = arith.constant 2496 : i32
      %add3A_53 = arith.addi %add3A_52, %add3A : i32
      %mul3A_54 = arith.constant 128 : i32
      %mul3A_55 = arith.muli %add3A_53, %mul3A_54 : i32
      "tpu.region"() ({
        %run_scoped3A = tpu.sem_alloc : memref<!tpu.dma_semaphore, #tpu.memory_space<semaphore_mem>>
        %dma_start3A_62 = tpu.memref_slice %arg3[%mul3A_55] : memref<320000xi32, #tpu.memory_space<hbm>> -> memref<128xi32, #tpu.memory_space<hbm>>
        %dma_start3A_63 = tpu.memref_slice %arg3[%mul3A_55] : memref<320000xi32, #tpu.memory_space<hbm>> -> memref<128xi32, #tpu.memory_space<hbm>>
        tpu.enqueue_dma source(%dma_start3A_63 : memref<128xi32, #tpu.memory_space<hbm>>) target(%arg11 : memref<128xi32, #tpu.memory_space<vmem>>) target_semaphore(%run_scoped3A : memref<!tpu.dma_semaphore, #tpu.memory_space<semaphore_mem>>)
        %dma_wait3A_64 = tpu.memref_slice %arg3[%mul3A_55] : memref<320000xi32, #tpu.memory_space<hbm>> -> memref<128xi32, #tpu.memory_space<hbm>>
        %dma_wait3A_65 = tpu.memref_slice %arg3[%mul3A_55] : memref<320000xi32, #tpu.memory_space<hbm>> -> memref<128xi32, #tpu.memory_space<hbm>>
        tpu.wait_dma2 semaphore(%run_scoped3A : memref<!tpu.dma_semaphore, #tpu.memory_space<semaphore_mem>>) src(%dma_wait3A_65 : memref<128xi32, #tpu.memory_space<hbm>>) dst(%arg11 : memref<128xi32, #tpu.memory_space<vmem>>)
        tpu.yield
      }) : () -> ()
      "tpu.region"() ({
        %run_scoped3A = tpu.sem_alloc : memref<!tpu.dma_semaphore, #tpu.memory_space<semaphore_mem>>
        %dma_start3A_62 = tpu.memref_slice %arg4[%mul3A_55] : memref<320000xi32, #tpu.memory_space<hbm>> -> memref<128xi32, #tpu.memory_space<hbm>>
        %dma_start3A_63 = tpu.memref_slice %arg4[%mul3A_55] : memref<320000xi32, #tpu.memory_space<hbm>> -> memref<128xi32, #tpu.memory_space<hbm>>
        tpu.enqueue_dma source(%dma_start3A_63 : memref<128xi32, #tpu.memory_space<hbm>>) target(%arg12 : memref<128xi32, #tpu.memory_space<vmem>>) target_semaphore(%run_scoped3A : memref<!tpu.dma_semaphore, #tpu.memory_space<semaphore_mem>>)
        %dma_wait3A_64 = tpu.memref_slice %arg4[%mul3A_55] : memref<320000xi32, #tpu.memory_space<hbm>> -> memref<128xi32, #tpu.memory_space<hbm>>
        %dma_wait3A_65 = tpu.memref_slice %arg4[%mul3A_55] : memref<320000xi32, #tpu.memory_space<hbm>> -> memref<128xi32, #tpu.memory_space<hbm>>
        tpu.wait_dma2 semaphore(%run_scoped3A : memref<!tpu.dma_semaphore, #tpu.memory_space<semaphore_mem>>) src(%dma_wait3A_65 : memref<128xi32, #tpu.memory_space<hbm>>) dst(%arg12 : memref<128xi32, #tpu.memory_space<vmem>>)
        tpu.yield
      }) : () -> ()
      %dma_start3A_56 = arith.constant 0 : i32
      %dma_start3A_57 = arith.constant 0 : i32
      %dma_start3A_58 = tpu.memref_slice %arg2[%dma_start3A_56, %dma_start3A_57] : memref<10000x128xf32, #tpu.memory_space<hbm>> -> memref<10000x128xf32, #tpu.memory_space<hbm>>
      tpu.enqueue_indirect_dma source(%dma_start3A_58 : memref<10000x128xf32, #tpu.memory_space<hbm>>) target(%arg6 : memref<128x128xf32, #tpu.memory_space<vmem>>) offsets(%arg11 : memref<128xi32, #tpu.memory_space<vmem>>) semaphore(%arg15 : memref<!tpu.dma_semaphore, #tpu.memory_space<semaphore_mem>>)
      %dma_wait3A_59 = arith.constant 0 : i32
      %dma_wait3A_60 = arith.constant 0 : i32
      %dma_wait3A_61 = tpu.memref_slice %arg2[%dma_wait3A_59, %dma_wait3A_60] : memref<10000x128xf32, #tpu.memory_space<hbm>> -> memref<10000x128xf32, #tpu.memory_space<hbm>>
      tpu.wait_indirect_dma semaphore(%arg15 : memref<!tpu.dma_semaphore, #tpu.memory_space<semaphore_mem>>) src(%dma_wait3A_61 : memref<10000x128xf32, #tpu.memory_space<hbm>>) dst(%arg6 : memref<128x128xf32, #tpu.memory_space<vmem>>)
      "tpu.region"() ({
        %run_scoped3A = tpu.sem_alloc : memref<!tpu.dma_semaphore, #tpu.memory_space<semaphore_mem>>
        %dma_start3A_62 = arith.constant 0 : i32
        %dma_start3A_63 = arith.constant 0 : i32
        %dma_start3A_64 = tpu.memref_slice %arg13[%dma_start3A_62, %dma_start3A_63] : memref<10000x128xf32, #tpu.memory_space<vmem_shared>> -> memref<10000x128xf32, #tpu.memory_space<vmem_shared>>
        tpu.enqueue_indirect_dma source(%arg6 : memref<128x128xf32, #tpu.memory_space<vmem>>) target(%dma_start3A_64 : memref<10000x128xf32, #tpu.memory_space<vmem_shared>>) offsets(%arg12 : memref<128xi32, #tpu.memory_space<vmem>>) semaphore(%run_scoped3A : memref<!tpu.dma_semaphore, #tpu.memory_space<semaphore_mem>>) {add = true}
        %dma_wait3A_65 = arith.constant 0 : i32
        %dma_wait3A_66 = arith.constant 0 : i32
        %dma_wait3A_67 = tpu.memref_slice %arg13[%dma_wait3A_65, %dma_wait3A_66] : memref<10000x128xf32, #tpu.memory_space<vmem_shared>> -> memref<10000x128xf32, #tpu.memory_space<vmem_shared>>
        tpu.wait_indirect_dma semaphore(%run_scoped3A : memref<!tpu.dma_semaphore, #tpu.memory_space<semaphore_mem>>) src(%arg6 : memref<128x128xf32, #tpu.memory_space<vmem>>) dst(%dma_wait3A_67 : memref<10000x128xf32, #tpu.memory_space<vmem_shared>>)
        tpu.yield
      }) : () -> ()
    } else {
    }
    %barrier3A_46 = arith.constant 0 : index
    tpu.barrier barrier_id(%barrier3A_46)
    "tpu.region"() ({
      %run_scoped3A = tpu.sem_alloc : memref<!tpu.dma_semaphore, #tpu.memory_space<semaphore_mem>>
      %dma_start3A_52 = arith.constant 0 : i32
      %dma_start3A_53 = tpu.memref_slice %arg5[%arg0, %mul3A_14, %dma_start3A_52] : memref<2x10000x128xf32, #tpu.memory_space<hbm>> -> memref<1x624x128xf32, #tpu.memory_space<hbm>>
      %dma_start3A_54 = tpu.memref_squeeze %dma_start3A_53 : memref<1x624x128xf32, #tpu.memory_space<hbm>> -> memref<624x128xf32, #tpu.memory_space<hbm>>
      %dma_start3A_55 = arith.constant 0 : i32
      %dma_start3A_56 = tpu.memref_slice %arg13[%mul3A_14, %dma_start3A_55] : memref<10000x128xf32, #tpu.memory_space<vmem_shared>> -> memref<624x128xf32, #tpu.memory_space<vmem_shared>>
      tpu.enqueue_dma source(%dma_start3A_56 : memref<624x128xf32, #tpu.memory_space<vmem_shared>>) target(%dma_start3A_54 : memref<624x128xf32, #tpu.memory_space<hbm>>) target_semaphore(%run_scoped3A : memref<!tpu.dma_semaphore, #tpu.memory_space<semaphore_mem>>)
      %dma_wait3A_57 = arith.constant 0 : i32
      %dma_wait3A_58 = tpu.memref_slice %arg5[%arg0, %mul3A_14, %dma_wait3A_57] : memref<2x10000x128xf32, #tpu.memory_space<hbm>> -> memref<1x624x128xf32, #tpu.memory_space<hbm>>
      %dma_wait3A_59 = tpu.memref_squeeze %dma_wait3A_58 : memref<1x624x128xf32, #tpu.memory_space<hbm>> -> memref<624x128xf32, #tpu.memory_space<hbm>>
      %dma_wait3A_60 = arith.constant 0 : i32
      %dma_wait3A_61 = tpu.memref_slice %arg13[%mul3A_14, %dma_wait3A_60] : memref<10000x128xf32, #tpu.memory_space<vmem_shared>> -> memref<624x128xf32, #tpu.memory_space<vmem_shared>>
      tpu.wait_dma2 semaphore(%run_scoped3A : memref<!tpu.dma_semaphore, #tpu.memory_space<semaphore_mem>>) src(%dma_wait3A_61 : memref<624x128xf32, #tpu.memory_space<vmem_shared>>) dst(%dma_wait3A_59 : memref<624x128xf32, #tpu.memory_space<hbm>>)
      tpu.yield
    }) : () -> ()
    %eq3A_47 = arith.constant 15 : i32
    %eq3A_48 = arith.cmpi eq, %arg1, %eq3A_47 : i32
    %convert_element_type3A_49 = arith.extui %eq3A_48 : i1 to i32
    %cond3A_50 = arith.constant 0 : i32
    %cond3A_51 = arith.cmpi ne, %convert_element_type3A_49, %cond3A_50 : i32
    scf.if %cond3A_51 {
      "tpu.region"() ({
        %run_scoped3A = tpu.sem_alloc : memref<!tpu.dma_semaphore, #tpu.memory_space<semaphore_mem>>
        %dma_start3A_52 = arith.constant 9984 : i32
        %dma_start3A_53 = arith.constant 0 : i32
        %dma_start3A_54 = tpu.memref_slice %arg5[%arg0, %dma_start3A_52, %dma_start3A_53] : memref<2x10000x128xf32, #tpu.memory_space<hbm>> -> memref<1x16x128xf32, #tpu.memory_space<hbm>>
        %dma_start3A_55 = tpu.memref_squeeze %dma_start3A_54 : memref<1x16x128xf32, #tpu.memory_space<hbm>> -> memref<16x128xf32, #tpu.memory_space<hbm>>
        %dma_start3A_56 = arith.constant 9984 : i32
        %dma_start3A_57 = arith.constant 0 : i32
        %dma_start3A_58 = tpu.memref_slice %arg13[%dma_start3A_56, %dma_start3A_57] : memref<10000x128xf32, #tpu.memory_space<vmem_shared>> -> memref<16x128xf32, #tpu.memory_space<vmem_shared>>
        tpu.enqueue_dma source(%dma_start3A_58 : memref<16x128xf32, #tpu.memory_space<vmem_shared>>) target(%dma_start3A_55 : memref<16x128xf32, #tpu.memory_space<hbm>>) target_semaphore(%run_scoped3A : memref<!tpu.dma_semaphore, #tpu.memory_space<semaphore_mem>>)
        %dma_wait3A_59 = arith.constant 9984 : i32
        %dma_wait3A_60 = arith.constant 0 : i32
        %dma_wait3A_61 = tpu.memref_slice %arg5[%arg0, %dma_wait3A_59, %dma_wait3A_60] : memref<2x10000x128xf32, #tpu.memory_space<hbm>> -> memref<1x16x128xf32, #tpu.memory_space<hbm>>
        %dma_wait3A_62 = tpu.memref_squeeze %dma_wait3A_61 : memref<1x16x128xf32, #tpu.memory_space<hbm>> -> memref<16x128xf32, #tpu.memory_space<hbm>>
        %dma_wait3A_63 = arith.constant 9984 : i32
        %dma_wait3A_64 = arith.constant 0 : i32
        %dma_wait3A_65 = tpu.memref_slice %arg13[%dma_wait3A_63, %dma_wait3A_64] : memref<10000x128xf32, #tpu.memory_space<vmem_shared>> -> memref<16x128xf32, #tpu.memory_space<vmem_shared>>
        tpu.wait_dma2 semaphore(%run_scoped3A : memref<!tpu.dma_semaphore, #tpu.memory_space<semaphore_mem>>) src(%dma_wait3A_65 : memref<16x128xf32, #tpu.memory_space<vmem_shared>>) dst(%dma_wait3A_62 : memref<16x128xf32, #tpu.memory_space<hbm>>)
        tpu.yield
      }) : () -> ()
    } else {
    }
    return
  }
}

#map = affine_map<(d0, d1) -> (0)>
#map1 = affine_map<(d0, d1) -> (0, 0)>
module attributes {stable_mosaic.version = 14 : i64} {
  func.func @_deg_body(%arg0: i32, %arg1: i32, %arg2: memref<320000xi32, #tpu.memory_space<hbm>>, %arg3: memref<32x10000xf32, #tpu.memory_space<hbm>>, %arg4: memref<10000xi32, #tpu.memory_space<vmem>>, %arg5: memref<10000xf32, #tpu.memory_space<vmem>>, %arg6: memref<!tpu.dma_semaphore, #tpu.memory_space<semaphore_mem>>) attributes {dimension_semantics = [#tpu.dimension_semantics<core_parallel>, #tpu.dimension_semantics<subcore_parallel>], iteration_bounds = array<i64: 2, 16>, scalar_prefetch = 0 : i64, scratch_operands = 3 : i64, tpu.core_type = #tpu.core_type<sc_vector_subcore>, window_params = [{transform_indices = #map}, {transform_indices = #map1}]} {
    %mul3A = arith.constant 16 : i32
    %mul3A_0 = arith.muli %arg0, %mul3A : i32
    %add3A = arith.addi %mul3A_0, %arg1 : i32
    %mul3A_1 = arith.constant 10000 : i32
    %mul3A_2 = arith.muli %add3A, %mul3A_1 : i32
    %dma_start3A = tpu.memref_slice %arg2[%mul3A_2] : memref<320000xi32, #tpu.memory_space<hbm>> -> memref<10000xi32, #tpu.memory_space<hbm>>
    %dma_start3A_3 = tpu.memref_slice %arg2[%mul3A_2] : memref<320000xi32, #tpu.memory_space<hbm>> -> memref<10000xi32, #tpu.memory_space<hbm>>
    tpu.enqueue_dma source(%dma_start3A_3 : memref<10000xi32, #tpu.memory_space<hbm>>) target(%arg4 : memref<10000xi32, #tpu.memory_space<vmem>>) target_semaphore(%arg6 : memref<!tpu.dma_semaphore, #tpu.memory_space<semaphore_mem>>)
    %dma_wait3A = tpu.memref_slice %arg2[%mul3A_2] : memref<320000xi32, #tpu.memory_space<hbm>> -> memref<10000xi32, #tpu.memory_space<hbm>>
    %dma_wait3A_4 = tpu.memref_slice %arg2[%mul3A_2] : memref<320000xi32, #tpu.memory_space<hbm>> -> memref<10000xi32, #tpu.memory_space<hbm>>
    tpu.wait_dma2 semaphore(%arg6 : memref<!tpu.dma_semaphore, #tpu.memory_space<semaphore_mem>>) src(%dma_wait3A_4 : memref<10000xi32, #tpu.memory_space<hbm>>) dst(%arg4 : memref<10000xi32, #tpu.memory_space<vmem>>)
    %broadcast_in_dim3A = arith.constant 0.000000e+00 : f32
    %broadcast_in_dim3A_5 = vector.broadcast %broadcast_in_dim3A : f32 to vector<16xf32>
    %broadcast_in_dim3A_6 = arith.constant 1.000000e+00 : f32
    %broadcast_in_dim3A_7 = vector.broadcast %broadcast_in_dim3A_6 : f32 to vector<16xf32>
    %scan3A = arith.constant 0 : i32
    %scan3A_8 = arith.constant 0 : i32
    %scan3A_9 = arith.constant 625 : i32
    %scan3A_10 = arith.addi %scan3A_8, %scan3A_9 : i32
    %scan3A_11 = arith.constant 1 : i32
    %scan3A_12 = scf.for %scan3A_21 = %scan3A_8 to %scan3A_10 step %scan3A_11 iter_args(%scan3A_22 = %scan3A) -> (i32)  : i32 {
      %mul3A_23 = arith.constant 16 : i32
      %mul3A_24 = arith.muli %scan3A_21, %mul3A_23 : i32
      %swap3A = arith.index_cast %mul3A_24 : i32 to index
      %swap3A_25 = tpu.vector_load %arg5[%swap3A] {strides = array<i32>} : memref<10000xf32, #tpu.memory_space<vmem>>, vector<16xf32>,
      tpu.vector_store %arg5[%swap3A], %broadcast_in_dim3A_5 {strides = array<i32>} : memref<10000xf32, #tpu.memory_space<vmem>>, vector<16xf32>,
      %scan3A_26 = arith.constant 0 : i32
      scf.yield %scan3A_26 : i32
    }
    %scan3A_13 = arith.constant 625 : i32
    %scan3A_14 = arith.constant 0 : i32
    %scan3A_15 = arith.constant 0 : i32
    %scan3A_16 = arith.constant 625 : i32
    %scan3A_17 = arith.addi %scan3A_15, %scan3A_16 : i32
    %scan3A_18 = arith.constant 1 : i32
    %scan3A_19 = scf.for %scan3A_21 = %scan3A_15 to %scan3A_17 step %scan3A_18 iter_args(%scan3A_22 = %scan3A_14) -> (i32)  : i32 {
      %mul3A_23 = arith.constant 16 : i32
      %mul3A_24 = arith.muli %scan3A_21, %mul3A_23 : i32
      %get3A = arith.index_cast %mul3A_24 : i32 to index
      %get3A_25 = tpu.vector_load %arg4[%get3A] {strides = array<i32>} : memref<10000xi32, #tpu.memory_space<vmem>>, vector<16xi32>,
      tpu.vector_store_idx %arg5[%get3A_25], %broadcast_in_dim3A_7 {add = true} : memref<10000xf32, #tpu.memory_space<vmem>>[vector<16xi32>], vector<16xf32>,
      %scan3A_26 = arith.constant 0 : i32
      scf.yield %scan3A_26 : i32
    }
    %scan3A_20 = arith.constant 625 : i32
    "tpu.region"() ({
      %run_scoped3A = tpu.sem_alloc : memref<!tpu.dma_semaphore, #tpu.memory_space<semaphore_mem>>
      %dma_start3A_21 = arith.constant 0 : i32
      %dma_start3A_22 = tpu.memref_slice %arg3[%add3A, %dma_start3A_21] : memref<32x10000xf32, #tpu.memory_space<hbm>> -> memref<1x10000xf32, #tpu.memory_space<hbm>>
      %dma_start3A_23 = tpu.memref_squeeze %dma_start3A_22 : memref<1x10000xf32, #tpu.memory_space<hbm>> -> memref<10000xf32, #tpu.memory_space<hbm>>
      %dma_start3A_24 = arith.constant 0 : i32
      %dma_start3A_25 = tpu.memref_slice %arg3[%add3A, %dma_start3A_24] : memref<32x10000xf32, #tpu.memory_space<hbm>> -> memref<1x10000xf32, #tpu.memory_space<hbm>>
      %dma_start3A_26 = tpu.memref_squeeze %dma_start3A_25 : memref<1x10000xf32, #tpu.memory_space<hbm>> -> memref<10000xf32, #tpu.memory_space<hbm>>
      tpu.enqueue_dma source(%arg5 : memref<10000xf32, #tpu.memory_space<vmem>>) target(%dma_start3A_26 : memref<10000xf32, #tpu.memory_space<hbm>>) target_semaphore(%run_scoped3A : memref<!tpu.dma_semaphore, #tpu.memory_space<semaphore_mem>>)
      %dma_wait3A_27 = arith.constant 0 : i32
      %dma_wait3A_28 = tpu.memref_slice %arg3[%add3A, %dma_wait3A_27] : memref<32x10000xf32, #tpu.memory_space<hbm>> -> memref<1x10000xf32, #tpu.memory_space<hbm>>
      %dma_wait3A_29 = tpu.memref_squeeze %dma_wait3A_28 : memref<1x10000xf32, #tpu.memory_space<hbm>> -> memref<10000xf32, #tpu.memory_space<hbm>>
      %dma_wait3A_30 = arith.constant 0 : i32
      %dma_wait3A_31 = tpu.memref_slice %arg3[%add3A, %dma_wait3A_30] : memref<32x10000xf32, #tpu.memory_space<hbm>> -> memref<1x10000xf32, #tpu.memory_space<hbm>>
      %dma_wait3A_32 = tpu.memref_squeeze %dma_wait3A_31 : memref<1x10000xf32, #tpu.memory_space<hbm>> -> memref<10000xf32, #tpu.memory_space<hbm>>
      tpu.wait_dma2 semaphore(%run_scoped3A : memref<!tpu.dma_semaphore, #tpu.memory_space<semaphore_mem>>) src(%arg5 : memref<10000xf32, #tpu.memory_space<vmem>>) dst(%dma_wait3A_32 : memref<10000xf32, #tpu.memory_space<hbm>>)
      tpu.yield
    }) : () -> ()
    return
  }
}

#map = affine_map<(d0, d1) -> (0, 0)>
#map1 = affine_map<(d0, d1) -> (0)>
#map2 = affine_map<(d0, d1) -> (0, 0, 0)>
module attributes {stable_mosaic.version = 14 : i64} {
  func.func @_agg_body(%arg0: i32, %arg1: i32, %arg2: memref<10000x128xf32, #tpu.memory_space<hbm>>, %arg3: memref<320000xi32, #tpu.memory_space<hbm>>, %arg4: memref<320000xi32, #tpu.memory_space<hbm>>, %arg5: memref<2x10000x128xf32, #tpu.memory_space<hbm>>, %arg6: memref<128x128xf32, #tpu.memory_space<vmem>>, %arg7: memref<128x128xf32, #tpu.memory_space<vmem>>, %arg8: memref<9984xi32, #tpu.memory_space<vmem>>, %arg9: memref<128xi32, #tpu.memory_space<vmem>>, %arg10: memref<128xi32, #tpu.memory_space<vmem>>, %arg11: memref<128xi32, #tpu.memory_space<vmem>>, %arg12: memref<128xi32, #tpu.memory_space<vmem>>, %arg13: memref<10000x128xf32, #tpu.memory_space<vmem_shared>>, %arg14: memref<!tpu.dma_semaphore, #tpu.memory_space<semaphore_mem>>, %arg15: memref<!tpu.dma_semaphore, #tpu.memory_space<semaphore_mem>>, %arg16: memref<!tpu.dma_semaphore, #tpu.memory_space<semaphore_mem>>, %arg17: memref<!tpu.dma_semaphore, #tpu.memory_space<semaphore_mem>>, %arg18: memref<!tpu.dma_semaphore, #tpu.memory_space<semaphore_mem>>) attributes {dimension_semantics = [#tpu.dimension_semantics<core_parallel>, #tpu.dimension_semantics<subcore_parallel>], iteration_bounds = array<i64: 2, 16>, scalar_prefetch = 0 : i64, scratch_operands = 13 : i64, tpu.core_type = #tpu.core_type<sc_vector_subcore>, window_params = [{transform_indices = #map}, {transform_indices = #map1}, {transform_indices = #map1}, {transform_indices = #map2}]} {
    %mul3A = arith.constant 16 : i32
    %mul3A_0 = arith.muli %arg0, %mul3A : i32
    %add3A = arith.addi %mul3A_0, %arg1 : i32
    %mul3A_1 = arith.constant 78 : i32
    %mul3A_2 = arith.muli %add3A, %mul3A_1 : i32
    %mul3A_3 = arith.constant 128 : i32
    %mul3A_4 = arith.muli %mul3A_2, %mul3A_3 : i32
    %dma_start3A = tpu.memref_slice %arg3[%mul3A_4] : memref<320000xi32, #tpu.memory_space<hbm>> -> memref<9984xi32, #tpu.memory_space<hbm>>
    %dma_start3A_5 = tpu.memref_slice %arg3[%mul3A_4] : memref<320000xi32, #tpu.memory_space<hbm>> -> memref<9984xi32, #tpu.memory_space<hbm>>
    tpu.enqueue_dma source(%dma_start3A_5 : memref<9984xi32, #tpu.memory_space<hbm>>) target(%arg8 : memref<9984xi32, #tpu.memory_space<vmem>>) target_semaphore(%arg14 : memref<!tpu.dma_semaphore, #tpu.memory_space<semaphore_mem>>)
    %broadcast_in_dim3A = arith.constant 0.000000e+00 : f32
    %broadcast_in_dim3A_6 = vector.broadcast %broadcast_in_dim3A : f32 to vector<16xf32>
    %scan3A = arith.constant 0 : i32
    %scan3A_7 = arith.constant 0 : i32
    %scan3A_8 = arith.constant 128 : i32
    %scan3A_9 = arith.addi %scan3A_7, %scan3A_8 : i32
    %scan3A_10 = arith.constant 1 : i32
    %scan3A_11 = scf.for %scan3A_52 = %scan3A_7 to %scan3A_9 step %scan3A_10 iter_args(%scan3A_53 = %scan3A) -> (i32)  : i32 {
      %swap3A = arith.index_cast %scan3A_52 : i32 to index
      %swap3A_54 = arith.constant 0 : index
      %swap3A_55 = tpu.vector_load %arg6[%swap3A, %swap3A_54] {strides = array<i32>} : memref<128x128xf32, #tpu.memory_space<vmem>>, vector<1x16xf32>,
      %swap3A_56 = vector.shape_cast %swap3A_55 : vector<1x16xf32> to vector<16xf32>
      %swap3A_57 = vector.shape_cast %broadcast_in_dim3A_6 : vector<16xf32> to vector<1x16xf32>
      tpu.vector_store %arg6[%swap3A, %swap3A_54], %swap3A_57 {strides = array<i32>} : memref<128x128xf32, #tpu.memory_space<vmem>>, vector<1x16xf32>,
      %swap3A_58 = arith.index_cast %scan3A_52 : i32 to index
      %swap3A_59 = arith.constant 16 : index
      %swap3A_60 = tpu.vector_load %arg6[%swap3A_58, %swap3A_59] {strides = array<i32>} : memref<128x128xf32, #tpu.memory_space<vmem>>, vector<1x16xf32>,
      %swap3A_61 = vector.shape_cast %swap3A_60 : vector<1x16xf32> to vector<16xf32>
      %swap3A_62 = vector.shape_cast %broadcast_in_dim3A_6 : vector<16xf32> to vector<1x16xf32>
      tpu.vector_store %arg6[%swap3A_58, %swap3A_59], %swap3A_62 {strides = array<i32>} : memref<128x128xf32, #tpu.memory_space<vmem>>, vector<1x16xf32>,
      %swap3A_63 = arith.index_cast %scan3A_52 : i32 to index
      %swap3A_64 = arith.constant 32 : index
      %swap3A_65 = tpu.vector_load %arg6[%swap3A_63, %swap3A_64] {strides = array<i32>} : memref<128x128xf32, #tpu.memory_space<vmem>>, vector<1x16xf32>,
      %swap3A_66 = vector.shape_cast %swap3A_65 : vector<1x16xf32> to vector<16xf32>
      %swap3A_67 = vector.shape_cast %broadcast_in_dim3A_6 : vector<16xf32> to vector<1x16xf32>
      tpu.vector_store %arg6[%swap3A_63, %swap3A_64], %swap3A_67 {strides = array<i32>} : memref<128x128xf32, #tpu.memory_space<vmem>>, vector<1x16xf32>,
      %swap3A_68 = arith.index_cast %scan3A_52 : i32 to index
      %swap3A_69 = arith.constant 48 : index
      %swap3A_70 = tpu.vector_load %arg6[%swap3A_68, %swap3A_69] {strides = array<i32>} : memref<128x128xf32, #tpu.memory_space<vmem>>, vector<1x16xf32>,
      %swap3A_71 = vector.shape_cast %swap3A_70 : vector<1x16xf32> to vector<16xf32>
      %swap3A_72 = vector.shape_cast %broadcast_in_dim3A_6 : vector<16xf32> to vector<1x16xf32>
      tpu.vector_store %arg6[%swap3A_68, %swap3A_69], %swap3A_72 {strides = array<i32>} : memref<128x128xf32, #tpu.memory_space<vmem>>, vector<1x16xf32>,
      %swap3A_73 = arith.index_cast %scan3A_52 : i32 to index
      %swap3A_74 = arith.constant 64 : index
      %swap3A_75 = tpu.vector_load %arg6[%swap3A_73, %swap3A_74] {strides = array<i32>} : memref<128x128xf32, #tpu.memory_space<vmem>>, vector<1x16xf32>,
      %swap3A_76 = vector.shape_cast %swap3A_75 : vector<1x16xf32> to vector<16xf32>
      %swap3A_77 = vector.shape_cast %broadcast_in_dim3A_6 : vector<16xf32> to vector<1x16xf32>
      tpu.vector_store %arg6[%swap3A_73, %swap3A_74], %swap3A_77 {strides = array<i32>} : memref<128x128xf32, #tpu.memory_space<vmem>>, vector<1x16xf32>,
      %swap3A_78 = arith.index_cast %scan3A_52 : i32 to index
      %swap3A_79 = arith.constant 80 : index
      %swap3A_80 = tpu.vector_load %arg6[%swap3A_78, %swap3A_79] {strides = array<i32>} : memref<128x128xf32, #tpu.memory_space<vmem>>, vector<1x16xf32>,
      %swap3A_81 = vector.shape_cast %swap3A_80 : vector<1x16xf32> to vector<16xf32>
      %swap3A_82 = vector.shape_cast %broadcast_in_dim3A_6 : vector<16xf32> to vector<1x16xf32>
      tpu.vector_store %arg6[%swap3A_78, %swap3A_79], %swap3A_82 {strides = array<i32>} : memref<128x128xf32, #tpu.memory_space<vmem>>, vector<1x16xf32>,
      %swap3A_83 = arith.index_cast %scan3A_52 : i32 to index
      %swap3A_84 = arith.constant 96 : index
      %swap3A_85 = tpu.vector_load %arg6[%swap3A_83, %swap3A_84] {strides = array<i32>} : memref<128x128xf32, #tpu.memory_space<vmem>>, vector<1x16xf32>,
      %swap3A_86 = vector.shape_cast %swap3A_85 : vector<1x16xf32> to vector<16xf32>
      %swap3A_87 = vector.shape_cast %broadcast_in_dim3A_6 : vector<16xf32> to vector<1x16xf32>
      tpu.vector_store %arg6[%swap3A_83, %swap3A_84], %swap3A_87 {strides = array<i32>} : memref<128x128xf32, #tpu.memory_space<vmem>>, vector<1x16xf32>,
      %swap3A_88 = arith.index_cast %scan3A_52 : i32 to index
      %swap3A_89 = arith.constant 112 : index
      %swap3A_90 = tpu.vector_load %arg6[%swap3A_88, %swap3A_89] {strides = array<i32>} : memref<128x128xf32, #tpu.memory_space<vmem>>, vector<1x16xf32>,
      %swap3A_91 = vector.shape_cast %swap3A_90 : vector<1x16xf32> to vector<16xf32>
      %swap3A_92 = vector.shape_cast %broadcast_in_dim3A_6 : vector<16xf32> to vector<1x16xf32>
      tpu.vector_store %arg6[%swap3A_88, %swap3A_89], %swap3A_92 {strides = array<i32>} : memref<128x128xf32, #tpu.memory_space<vmem>>, vector<1x16xf32>,
      %scan3A_93 = arith.constant 0 : i32
      scf.yield %scan3A_93 : i32
    }
    %scan3A_12 = arith.constant 128 : i32
    %mul3A_13 = arith.constant 624 : i32
    %mul3A_14 = arith.muli %arg1, %mul3A_13 : i32
    %add3A_15 = arith.constant 0 : i32
    %add3A_16 = arith.addi %mul3A_14, %add3A_15 : i32
    "tpu.region"() ({
      %run_scoped3A = tpu.sem_alloc : memref<!tpu.dma_semaphore, #tpu.memory_space<semaphore_mem>>
      %dma_start3A_52 = arith.constant 0 : i32
      %dma_start3A_53 = tpu.memref_slice %arg13[%add3A_16, %dma_start3A_52] : memref<10000x128xf32, #tpu.memory_space<vmem_shared>> -> memref<128x128xf32, #tpu.memory_space<vmem_shared>>
      %dma_start3A_54 = arith.constant 0 : i32
      %dma_start3A_55 = tpu.memref_slice %arg13[%add3A_16, %dma_start3A_54] : memref<10000x128xf32, #tpu.memory_space<vmem_shared>> -> memref<128x128xf32, #tpu.memory_space<vmem_shared>>
      tpu.enqueue_dma source(%arg6 : memref<128x128xf32, #tpu.memory_space<vmem>>) target(%dma_start3A_55 : memref<128x128xf32, #tpu.memory_space<vmem_shared>>) target_semaphore(%run_scoped3A : memref<!tpu.dma_semaphore, #tpu.memory_space<semaphore_mem>>)
      %dma_wait3A_56 = arith.constant 0 : i32
      %dma_wait3A_57 = tpu.memref_slice %arg13[%add3A_16, %dma_wait3A_56] : memref<10000x128xf32, #tpu.memory_space<vmem_shared>> -> memref<128x128xf32, #tpu.memory_space<vmem_shared>>
      %dma_wait3A_58 = arith.constant 0 : i32
      %dma_wait3A_59 = tpu.memref_slice %arg13[%add3A_16, %dma_wait3A_58] : memref<10000x128xf32, #tpu.memory_space<vmem_shared>> -> memref<128x128xf32, #tpu.memory_space<vmem_shared>>
      tpu.wait_dma2 semaphore(%run_scoped3A : memref<!tpu.dma_semaphore, #tpu.memory_space<semaphore_mem>>) src(%arg6 : memref<128x128xf32, #tpu.memory_space<vmem>>) dst(%dma_wait3A_59 : memref<128x128xf32, #tpu.memory_space<vmem_shared>>)
      tpu.yield
    }) : () -> ()
    %add3A_17 = arith.constant 128 : i32
    %add3A_18 = arith.addi %mul3A_14, %add3A_17 : i32
    "tpu.region"() ({
      %run_scoped3A = tpu.sem_alloc : memref<!tpu.dma_semaphore, #tpu.memory_space<semaphore_mem>>
      %dma_start3A_52 = arith.constant 0 : i32
      %dma_start3A_53 = tpu.memref_slice %arg13[%add3A_18, %dma_start3A_52] : memref<10000x128xf32, #tpu.memory_space<vmem_shared>> -> memref<128x128xf32, #tpu.memory_space<vmem_shared>>
      %dma_start3A_54 = arith.constant 0 : i32
      %dma_start3A_55 = tpu.memref_slice %arg13[%add3A_18, %dma_start3A_54] : memref<10000x128xf32, #tpu.memory_space<vmem_shared>> -> memref<128x128xf32, #tpu.memory_space<vmem_shared>>
      tpu.enqueue_dma source(%arg6 : memref<128x128xf32, #tpu.memory_space<vmem>>) target(%dma_start3A_55 : memref<128x128xf32, #tpu.memory_space<vmem_shared>>) target_semaphore(%run_scoped3A : memref<!tpu.dma_semaphore, #tpu.memory_space<semaphore_mem>>)
      %dma_wait3A_56 = arith.constant 0 : i32
      %dma_wait3A_57 = tpu.memref_slice %arg13[%add3A_18, %dma_wait3A_56] : memref<10000x128xf32, #tpu.memory_space<vmem_shared>> -> memref<128x128xf32, #tpu.memory_space<vmem_shared>>
      %dma_wait3A_58 = arith.constant 0 : i32
      %dma_wait3A_59 = tpu.memref_slice %arg13[%add3A_18, %dma_wait3A_58] : memref<10000x128xf32, #tpu.memory_space<vmem_shared>> -> memref<128x128xf32, #tpu.memory_space<vmem_shared>>
      tpu.wait_dma2 semaphore(%run_scoped3A : memref<!tpu.dma_semaphore, #tpu.memory_space<semaphore_mem>>) src(%arg6 : memref<128x128xf32, #tpu.memory_space<vmem>>) dst(%dma_wait3A_59 : memref<128x128xf32, #tpu.memory_space<vmem_shared>>)
      tpu.yield
    }) : () -> ()
    %add3A_19 = arith.constant 256 : i32
    %add3A_20 = arith.addi %mul3A_14, %add3A_19 : i32
    "tpu.region"() ({
      %run_scoped3A = tpu.sem_alloc : memref<!tpu.dma_semaphore, #tpu.memory_space<semaphore_mem>>
      %dma_start3A_52 = arith.constant 0 : i32
      %dma_start3A_53 = tpu.memref_slice %arg13[%add3A_20, %dma_start3A_52] : memref<10000x128xf32, #tpu.memory_space<vmem_shared>> -> memref<128x128xf32, #tpu.memory_space<vmem_shared>>
      %dma_start3A_54 = arith.constant 0 : i32
      %dma_start3A_55 = tpu.memref_slice %arg13[%add3A_20, %dma_start3A_54] : memref<10000x128xf32, #tpu.memory_space<vmem_shared>> -> memref<128x128xf32, #tpu.memory_space<vmem_shared>>
      tpu.enqueue_dma source(%arg6 : memref<128x128xf32, #tpu.memory_space<vmem>>) target(%dma_start3A_55 : memref<128x128xf32, #tpu.memory_space<vmem_shared>>) target_semaphore(%run_scoped3A : memref<!tpu.dma_semaphore, #tpu.memory_space<semaphore_mem>>)
      %dma_wait3A_56 = arith.constant 0 : i32
      %dma_wait3A_57 = tpu.memref_slice %arg13[%add3A_20, %dma_wait3A_56] : memref<10000x128xf32, #tpu.memory_space<vmem_shared>> -> memref<128x128xf32, #tpu.memory_space<vmem_shared>>
      %dma_wait3A_58 = arith.constant 0 : i32
      %dma_wait3A_59 = tpu.memref_slice %arg13[%add3A_20, %dma_wait3A_58] : memref<10000x128xf32, #tpu.memory_space<vmem_shared>> -> memref<128x128xf32, #tpu.memory_space<vmem_shared>>
      tpu.wait_dma2 semaphore(%run_scoped3A : memref<!tpu.dma_semaphore, #tpu.memory_space<semaphore_mem>>) src(%arg6 : memref<128x128xf32, #tpu.memory_space<vmem>>) dst(%dma_wait3A_59 : memref<128x128xf32, #tpu.memory_space<vmem_shared>>)
      tpu.yield
    }) : () -> ()
    %add3A_21 = arith.constant 384 : i32
    %add3A_22 = arith.addi %mul3A_14, %add3A_21 : i32
    "tpu.region"() ({
      %run_scoped3A = tpu.sem_alloc : memref<!tpu.dma_semaphore, #tpu.memory_space<semaphore_mem>>
      %dma_start3A_52 = arith.constant 0 : i32
      %dma_start3A_53 = tpu.memref_slice %arg13[%add3A_22, %dma_start3A_52] : memref<10000x128xf32, #tpu.memory_space<vmem_shared>> -> memref<128x128xf32, #tpu.memory_space<vmem_shared>>
      %dma_start3A_54 = arith.constant 0 : i32
      %dma_start3A_55 = tpu.memref_slice %arg13[%add3A_22, %dma_start3A_54] : memref<10000x128xf32, #tpu.memory_space<vmem_shared>> -> memref<128x128xf32, #tpu.memory_space<vmem_shared>>
      tpu.enqueue_dma source(%arg6 : memref<128x128xf32, #tpu.memory_space<vmem>>) target(%dma_start3A_55 : memref<128x128xf32, #tpu.memory_space<vmem_shared>>) target_semaphore(%run_scoped3A : memref<!tpu.dma_semaphore, #tpu.memory_space<semaphore_mem>>)
      %dma_wait3A_56 = arith.constant 0 : i32
      %dma_wait3A_57 = tpu.memref_slice %arg13[%add3A_22, %dma_wait3A_56] : memref<10000x128xf32, #tpu.memory_space<vmem_shared>> -> memref<128x128xf32, #tpu.memory_space<vmem_shared>>
      %dma_wait3A_58 = arith.constant 0 : i32
      %dma_wait3A_59 = tpu.memref_slice %arg13[%add3A_22, %dma_wait3A_58] : memref<10000x128xf32, #tpu.memory_space<vmem_shared>> -> memref<128x128xf32, #tpu.memory_space<vmem_shared>>
      tpu.wait_dma2 semaphore(%run_scoped3A : memref<!tpu.dma_semaphore, #tpu.memory_space<semaphore_mem>>) src(%arg6 : memref<128x128xf32, #tpu.memory_space<vmem>>) dst(%dma_wait3A_59 : memref<128x128xf32, #tpu.memory_space<vmem_shared>>)
      tpu.yield
    }) : () -> ()
    %add3A_23 = arith.constant 512 : i32
    %add3A_24 = arith.addi %mul3A_14, %add3A_23 : i32
    "tpu.region"() ({
      %run_scoped3A = tpu.sem_alloc : memref<!tpu.dma_semaphore, #tpu.memory_space<semaphore_mem>>
      %dma_start3A_52 = arith.constant 0 : i32
      %dma_start3A_53 = arith.constant 0 : i32
      %dma_start3A_54 = tpu.memref_slice %arg6[%dma_start3A_52, %dma_start3A_53] : memref<128x128xf32, #tpu.memory_space<vmem>> -> memref<112x128xf32, #tpu.memory_space<vmem>>
      %dma_start3A_55 = arith.constant 0 : i32
      %dma_start3A_56 = tpu.memref_slice %arg13[%add3A_24, %dma_start3A_55] : memref<10000x128xf32, #tpu.memory_space<vmem_shared>> -> memref<112x128xf32, #tpu.memory_space<vmem_shared>>
      %dma_start3A_57 = arith.constant 0 : i32
      %dma_start3A_58 = tpu.memref_slice %arg13[%add3A_24, %dma_start3A_57] : memref<10000x128xf32, #tpu.memory_space<vmem_shared>> -> memref<112x128xf32, #tpu.memory_space<vmem_shared>>
      %dma_start3A_59 = arith.constant 0 : i32
      %dma_start3A_60 = arith.constant 0 : i32
      %dma_start3A_61 = tpu.memref_slice %arg6[%dma_start3A_59, %dma_start3A_60] : memref<128x128xf32, #tpu.memory_space<vmem>> -> memref<112x128xf32, #tpu.memory_space<vmem>>
      tpu.enqueue_dma source(%dma_start3A_61 : memref<112x128xf32, #tpu.memory_space<vmem>>) target(%dma_start3A_58 : memref<112x128xf32, #tpu.memory_space<vmem_shared>>) target_semaphore(%run_scoped3A : memref<!tpu.dma_semaphore, #tpu.memory_space<semaphore_mem>>)
      %dma_wait3A_62 = arith.constant 0 : i32
      %dma_wait3A_63 = arith.constant 0 : i32
      %dma_wait3A_64 = tpu.memref_slice %arg6[%dma_wait3A_62, %dma_wait3A_63] : memref<128x128xf32, #tpu.memory_space<vmem>> -> memref<112x128xf32, #tpu.memory_space<vmem>>
      %dma_wait3A_65 = arith.constant 0 : i32
      %dma_wait3A_66 = tpu.memref_slice %arg13[%add3A_24, %dma_wait3A_65] : memref<10000x128xf32, #tpu.memory_space<vmem_shared>> -> memref<112x128xf32, #tpu.memory_space<vmem_shared>>
      %dma_wait3A_67 = arith.constant 0 : i32
      %dma_wait3A_68 = tpu.memref_slice %arg13[%add3A_24, %dma_wait3A_67] : memref<10000x128xf32, #tpu.memory_space<vmem_shared>> -> memref<112x128xf32, #tpu.memory_space<vmem_shared>>
      %dma_wait3A_69 = arith.constant 0 : i32
      %dma_wait3A_70 = arith.constant 0 : i32
      %dma_wait3A_71 = tpu.memref_slice %arg6[%dma_wait3A_69, %dma_wait3A_70] : memref<128x128xf32, #tpu.memory_space<vmem>> -> memref<112x128xf32, #tpu.memory_space<vmem>>
      tpu.wait_dma2 semaphore(%run_scoped3A : memref<!tpu.dma_semaphore, #tpu.memory_space<semaphore_mem>>) src(%dma_wait3A_71 : memref<112x128xf32, #tpu.memory_space<vmem>>) dst(%dma_wait3A_68 : memref<112x128xf32, #tpu.memory_space<vmem_shared>>)
      tpu.yield
    }) : () -> ()
    %eq3A = arith.constant 15 : i32
    %eq3A_25 = arith.cmpi eq, %arg1, %eq3A : i32
    %convert_element_type3A = arith.extui %eq3A_25 : i1 to i32
    %cond3A = arith.constant 0 : i32
    %cond3A_26 = arith.cmpi ne, %convert_element_type3A, %cond3A : i32
    scf.if %cond3A_26 {
      "tpu.region"() ({
        %run_scoped3A = tpu.sem_alloc : memref<!tpu.dma_semaphore, #tpu.memory_space<semaphore_mem>>
        %dma_start3A_52 = arith.constant 0 : i32
        %dma_start3A_53 = arith.constant 0 : i32
        %dma_start3A_54 = tpu.memref_slice %arg6[%dma_start3A_52, %dma_start3A_53] : memref<128x128xf32, #tpu.memory_space<vmem>> -> memref<16x128xf32, #tpu.memory_space<vmem>>
        %dma_start3A_55 = arith.constant 9984 : i32
        %dma_start3A_56 = arith.constant 0 : i32
        %dma_start3A_57 = tpu.memref_slice %arg13[%dma_start3A_55, %dma_start3A_56] : memref<10000x128xf32, #tpu.memory_space<vmem_shared>> -> memref<16x128xf32, #tpu.memory_space<vmem_shared>>
        %dma_start3A_58 = arith.constant 9984 : i32
        %dma_start3A_59 = arith.constant 0 : i32
        %dma_start3A_60 = tpu.memref_slice %arg13[%dma_start3A_58, %dma_start3A_59] : memref<10000x128xf32, #tpu.memory_space<vmem_shared>> -> memref<16x128xf32, #tpu.memory_space<vmem_shared>>
        %dma_start3A_61 = arith.constant 0 : i32
        %dma_start3A_62 = arith.constant 0 : i32
        %dma_start3A_63 = tpu.memref_slice %arg6[%dma_start3A_61, %dma_start3A_62] : memref<128x128xf32, #tpu.memory_space<vmem>> -> memref<16x128xf32, #tpu.memory_space<vmem>>
        tpu.enqueue_dma source(%dma_start3A_63 : memref<16x128xf32, #tpu.memory_space<vmem>>) target(%dma_start3A_60 : memref<16x128xf32, #tpu.memory_space<vmem_shared>>) target_semaphore(%run_scoped3A : memref<!tpu.dma_semaphore, #tpu.memory_space<semaphore_mem>>)
        %dma_wait3A_64 = arith.constant 0 : i32
        %dma_wait3A_65 = arith.constant 0 : i32
        %dma_wait3A_66 = tpu.memref_slice %arg6[%dma_wait3A_64, %dma_wait3A_65] : memref<128x128xf32, #tpu.memory_space<vmem>> -> memref<16x128xf32, #tpu.memory_space<vmem>>
        %dma_wait3A_67 = arith.constant 9984 : i32
        %dma_wait3A_68 = arith.constant 0 : i32
        %dma_wait3A_69 = tpu.memref_slice %arg13[%dma_wait3A_67, %dma_wait3A_68] : memref<10000x128xf32, #tpu.memory_space<vmem_shared>> -> memref<16x128xf32, #tpu.memory_space<vmem_shared>>
        %dma_wait3A_70 = arith.constant 9984 : i32
        %dma_wait3A_71 = arith.constant 0 : i32
        %dma_wait3A_72 = tpu.memref_slice %arg13[%dma_wait3A_70, %dma_wait3A_71] : memref<10000x128xf32, #tpu.memory_space<vmem_shared>> -> memref<16x128xf32, #tpu.memory_space<vmem_shared>>
        %dma_wait3A_73 = arith.constant 0 : i32
        %dma_wait3A_74 = arith.constant 0 : i32
        %dma_wait3A_75 = tpu.memref_slice %arg6[%dma_wait3A_73, %dma_wait3A_74] : memref<128x128xf32, #tpu.memory_space<vmem>> -> memref<16x128xf32, #tpu.memory_space<vmem>>
        tpu.wait_dma2 semaphore(%run_scoped3A : memref<!tpu.dma_semaphore, #tpu.memory_space<semaphore_mem>>) src(%dma_wait3A_75 : memref<16x128xf32, #tpu.memory_space<vmem>>) dst(%dma_wait3A_72 : memref<16x128xf32, #tpu.memory_space<vmem_shared>>)
        tpu.yield
      }) : () -> ()
    } else {
    }
    %dma_wait3A = tpu.memref_slice %arg3[%mul3A_4] : memref<320000xi32, #tpu.memory_space<hbm>> -> memref<9984xi32, #tpu.memory_space<hbm>>
    %dma_wait3A_27 = tpu.memref_slice %arg3[%mul3A_4] : memref<320000xi32, #tpu.memory_space<hbm>> -> memref<9984xi32, #tpu.memory_space<hbm>>
    tpu.wait_dma2 semaphore(%arg14 : memref<!tpu.dma_semaphore, #tpu.memory_space<semaphore_mem>>) src(%dma_wait3A_27 : memref<9984xi32, #tpu.memory_space<hbm>>) dst(%arg8 : memref<9984xi32, #tpu.memory_space<vmem>>)
    %dma_start3A_28 = arith.constant 0 : i32
    %dma_start3A_29 = tpu.memref_slice %arg8[%dma_start3A_28] : memref<9984xi32, #tpu.memory_space<vmem>> -> memref<128xi32, #tpu.memory_space<vmem>>
    %dma_start3A_30 = arith.constant 0 : i32
    %dma_start3A_31 = arith.constant 0 : i32
    %dma_start3A_32 = tpu.memref_slice %arg2[%dma_start3A_30, %dma_start3A_31] : memref<10000x128xf32, #tpu.memory_space<hbm>> -> memref<10000x128xf32, #tpu.memory_space<hbm>>
    tpu.enqueue_indirect_dma source(%dma_start3A_32 : memref<10000x128xf32, #tpu.memory_space<hbm>>) target(%arg6 : memref<128x128xf32, #tpu.memory_space<vmem>>) offsets(%dma_start3A_29 : memref<128xi32, #tpu.memory_space<vmem>>) semaphore(%arg15 : memref<!tpu.dma_semaphore, #tpu.memory_space<semaphore_mem>>)
    %dma_start3A_33 = tpu.memref_slice %arg4[%mul3A_4] : memref<320000xi32, #tpu.memory_space<hbm>> -> memref<128xi32, #tpu.memory_space<hbm>>
    %dma_start3A_34 = tpu.memref_slice %arg4[%mul3A_4] : memref<320000xi32, #tpu.memory_space<hbm>> -> memref<128xi32, #tpu.memory_space<hbm>>
    tpu.enqueue_dma source(%dma_start3A_34 : memref<128xi32, #tpu.memory_space<hbm>>) target(%arg9 : memref<128xi32, #tpu.memory_space<vmem>>) target_semaphore(%arg17 : memref<!tpu.dma_semaphore, #tpu.memory_space<semaphore_mem>>)
    %barrier3A = arith.constant 0 : index
    tpu.barrier barrier_id(%barrier3A)
    %scan3A_35 = arith.constant 0 : i32
    %scan3A_36 = arith.constant 0 : i32
    %scan3A_37 = arith.constant 39 : i32
    %scan3A_38 = arith.addi %scan3A_36, %scan3A_37 : i32
    %scan3A_39 = arith.constant 1 : i32
    %scan3A_40 = scf.for %scan3A_52 = %scan3A_36 to %scan3A_38 step %scan3A_39 iter_args(%scan3A_53 = %scan3A_35) -> (i32)  : i32 {
      %mul3A_54 = arith.constant 2 : i32
      %mul3A_55 = arith.muli %mul3A_54, %scan3A_52 : i32
      %mul3A_56 = arith.constant 128 : i32
      %mul3A_57 = arith.muli %mul3A_55, %mul3A_56 : i32
      %add3A_58 = arith.addi %mul3A_4, %mul3A_57 : i32
      %mul3A_59 = arith.constant 2 : i32
      %mul3A_60 = arith.muli %mul3A_59, %scan3A_52 : i32
      %add3A_61 = arith.constant 1 : i32
      %add3A_62 = arith.addi %mul3A_60, %add3A_61 : i32
      %mul3A_63 = arith.constant 128 : i32
      %mul3A_64 = arith.muli %add3A_62, %mul3A_63 : i32
      %dma_start3A_65 = tpu.memref_slice %arg8[%mul3A_64] : memref<9984xi32, #tpu.memory_space<vmem>> -> memref<128xi32, #tpu.memory_space<vmem>>
      %dma_start3A_66 = arith.constant 0 : i32
      %dma_start3A_67 = arith.constant 0 : i32
      %dma_start3A_68 = tpu.memref_slice %arg2[%dma_start3A_66, %dma_start3A_67] : memref<10000x128xf32, #tpu.memory_space<hbm>> -> memref<10000x128xf32, #tpu.memory_space<hbm>>
      tpu.enqueue_indirect_dma source(%dma_start3A_68 : memref<10000x128xf32, #tpu.memory_space<hbm>>) target(%arg7 : memref<128x128xf32, #tpu.memory_space<vmem>>) offsets(%dma_start3A_65 : memref<128xi32, #tpu.memory_space<vmem>>) semaphore(%arg16 : memref<!tpu.dma_semaphore, #tpu.memory_space<semaphore_mem>>)
      %add3A_69 = arith.constant 128 : i32
      %add3A_70 = arith.addi %add3A_58, %add3A_69 : i32
      %dma_start3A_71 = tpu.memref_slice %arg4[%add3A_70] : memref<320000xi32, #tpu.memory_space<hbm>> -> memref<128xi32, #tpu.memory_space<hbm>>
      %dma_start3A_72 = tpu.memref_slice %arg4[%add3A_70] : memref<320000xi32, #tpu.memory_space<hbm>> -> memref<128xi32, #tpu.memory_space<hbm>>
      tpu.enqueue_dma source(%dma_start3A_72 : memref<128xi32, #tpu.memory_space<hbm>>) target(%arg10 : memref<128xi32, #tpu.memory_space<vmem>>) target_semaphore(%arg18 : memref<!tpu.dma_semaphore, #tpu.memory_space<semaphore_mem>>)
      %dma_wait3A_73 = arith.constant 0 : i32
      %dma_wait3A_74 = tpu.memref_slice %arg8[%dma_wait3A_73] : memref<9984xi32, #tpu.memory_space<vmem>> -> memref<128xi32, #tpu.memory_space<vmem>>
      %dma_wait3A_75 = arith.constant 0 : i32
      %dma_wait3A_76 = arith.constant 0 : i32
      %dma_wait3A_77 = tpu.memref_slice %arg2[%dma_wait3A_75, %dma_wait3A_76] : memref<10000x128xf32, #tpu.memory_space<hbm>> -> memref<10000x128xf32, #tpu.memory_space<hbm>>
      tpu.wait_indirect_dma semaphore(%arg15 : memref<!tpu.dma_semaphore, #tpu.memory_space<semaphore_mem>>) src(%dma_wait3A_77 : memref<10000x128xf32, #tpu.memory_space<hbm>>) dst(%arg6 : memref<128x128xf32, #tpu.memory_space<vmem>>)
      %dma_wait3A_78 = arith.constant 0 : i32
      %dma_wait3A_79 = tpu.memref_slice %arg4[%dma_wait3A_78] : memref<320000xi32, #tpu.memory_space<hbm>> -> memref<128xi32, #tpu.memory_space<hbm>>
      %dma_wait3A_80 = arith.constant 0 : i32
      %dma_wait3A_81 = tpu.memref_slice %arg4[%dma_wait3A_80] : memref<320000xi32, #tpu.memory_space<hbm>> -> memref<128xi32, #tpu.memory_space<hbm>>
      tpu.wait_dma2 semaphore(%arg17 : memref<!tpu.dma_semaphore, #tpu.memory_space<semaphore_mem>>) src(%dma_wait3A_81 : memref<128xi32, #tpu.memory_space<hbm>>) dst(%arg9 : memref<128xi32, #tpu.memory_space<vmem>>)
      "tpu.region"() ({
        %run_scoped3A = tpu.sem_alloc : memref<!tpu.dma_semaphore, #tpu.memory_space<semaphore_mem>>
        %dma_start3A_96 = arith.constant 0 : i32
        %dma_start3A_97 = arith.constant 0 : i32
        %dma_start3A_98 = tpu.memref_slice %arg13[%dma_start3A_96, %dma_start3A_97] : memref<10000x128xf32, #tpu.memory_space<vmem_shared>> -> memref<10000x128xf32, #tpu.memory_space<vmem_shared>>
        tpu.enqueue_indirect_dma source(%arg6 : memref<128x128xf32, #tpu.memory_space<vmem>>) target(%dma_start3A_98 : memref<10000x128xf32, #tpu.memory_space<vmem_shared>>) offsets(%arg9 : memref<128xi32, #tpu.memory_space<vmem>>) semaphore(%run_scoped3A : memref<!tpu.dma_semaphore, #tpu.memory_space<semaphore_mem>>) {add = true}
        %dma_wait3A_99 = arith.constant 0 : i32
        %dma_wait3A_100 = arith.constant 0 : i32
        %dma_wait3A_101 = tpu.memref_slice %arg13[%dma_wait3A_99, %dma_wait3A_100] : memref<10000x128xf32, #tpu.memory_space<vmem_shared>> -> memref<10000x128xf32, #tpu.memory_space<vmem_shared>>
        tpu.wait_indirect_dma semaphore(%run_scoped3A : memref<!tpu.dma_semaphore, #tpu.memory_space<semaphore_mem>>) src(%arg6 : memref<128x128xf32, #tpu.memory_space<vmem>>) dst(%dma_wait3A_101 : memref<10000x128xf32, #tpu.memory_space<vmem_shared>>)
        tpu.yield
      }) : () -> ()
      %add3A_82 = arith.constant 1 : i32
      %add3A_83 = arith.addi %scan3A_52, %add3A_82 : i32
      %lt3A_84 = arith.constant 39 : i32
      %lt3A_85 = arith.cmpi slt, %add3A_83, %lt3A_84 : i32
      %convert_element_type3A_86 = arith.extui %lt3A_85 : i1 to i32
      %cond3A_87 = arith.constant 0 : i32
      %cond3A_88 = arith.cmpi ne, %convert_element_type3A_86, %cond3A_87 : i32
      scf.if %cond3A_88 {
        %mul3A_96 = arith.constant 2 : i32
        %mul3A_97 = arith.muli %mul3A_96, %scan3A_52 : i32
        %add3A_98 = arith.constant 2 : i32
        %add3A_99 = arith.addi %mul3A_97, %add3A_98 : i32
        %mul3A_100 = arith.constant 128 : i32
        %mul3A_101 = arith.muli %add3A_99, %mul3A_100 : i32
        %dma_start3A_102 = tpu.memref_slice %arg8[%mul3A_101] : memref<9984xi32, #tpu.memory_space<vmem>> -> memref<128xi32, #tpu.memory_space<vmem>>
        %dma_start3A_103 = arith.constant 0 : i32
        %dma_start3A_104 = arith.constant 0 : i32
        %dma_start3A_105 = tpu.memref_slice %arg2[%dma_start3A_103, %dma_start3A_104] : memref<10000x128xf32, #tpu.memory_space<hbm>> -> memref<10000x128xf32, #tpu.memory_space<hbm>>
        tpu.enqueue_indirect_dma source(%dma_start3A_105 : memref<10000x128xf32, #tpu.memory_space<hbm>>) target(%arg6 : memref<128x128xf32, #tpu.memory_space<vmem>>) offsets(%dma_start3A_102 : memref<128xi32, #tpu.memory_space<vmem>>) semaphore(%arg15 : memref<!tpu.dma_semaphore, #tpu.memory_space<semaphore_mem>>)
        %add3A_106 = arith.constant 256 : i32
        %add3A_107 = arith.addi %add3A_58, %add3A_106 : i32
        %dma_start3A_108 = tpu.memref_slice %arg4[%add3A_107] : memref<320000xi32, #tpu.memory_space<hbm>> -> memref<128xi32, #tpu.memory_space<hbm>>
        %dma_start3A_109 = tpu.memref_slice %arg4[%add3A_107] : memref<320000xi32, #tpu.memory_space<hbm>> -> memref<128xi32, #tpu.memory_space<hbm>>
        tpu.enqueue_dma source(%dma_start3A_109 : memref<128xi32, #tpu.memory_space<hbm>>) target(%arg9 : memref<128xi32, #tpu.memory_space<vmem>>) target_semaphore(%arg17 : memref<!tpu.dma_semaphore, #tpu.memory_space<semaphore_mem>>)
      } else {
      }
      %dma_wait3A_89 = tpu.memref_slice %arg8[%mul3A_64] : memref<9984xi32, #tpu.memory_space<vmem>> -> memref<128xi32, #tpu.memory_space<vmem>>
      %dma_wait3A_90 = arith.constant 0 : i32
      %dma_wait3A_91 = arith.constant 0 : i32
      %dma_wait3A_92 = tpu.memref_slice %arg2[%dma_wait3A_90, %dma_wait3A_91] : memref<10000x128xf32, #tpu.memory_space<hbm>> -> memref<10000x128xf32, #tpu.memory_space<hbm>>
      tpu.wait_indirect_dma semaphore(%arg16 : memref<!tpu.dma_semaphore, #tpu.memory_space<semaphore_mem>>) src(%dma_wait3A_92 : memref<10000x128xf32, #tpu.memory_space<hbm>>) dst(%arg7 : memref<128x128xf32, #tpu.memory_space<vmem>>)
      %dma_wait3A_93 = tpu.memref_slice %arg4[%add3A_70] : memref<320000xi32, #tpu.memory_space<hbm>> -> memref<128xi32, #tpu.memory_space<hbm>>
      %dma_wait3A_94 = tpu.memref_slice %arg4[%add3A_70] : memref<320000xi32, #tpu.memory_space<hbm>> -> memref<128xi32, #tpu.memory_space<hbm>>
      tpu.wait_dma2 semaphore(%arg18 : memref<!tpu.dma_semaphore, #tpu.memory_space<semaphore_mem>>) src(%dma_wait3A_94 : memref<128xi32, #tpu.memory_space<hbm>>) dst(%arg10 : memref<128xi32, #tpu.memory_space<vmem>>)
      "tpu.region"() ({
        %run_scoped3A = tpu.sem_alloc : memref<!tpu.dma_semaphore, #tpu.memory_space<semaphore_mem>>
        %dma_start3A_96 = arith.constant 0 : i32
        %dma_start3A_97 = arith.constant 0 : i32
        %dma_start3A_98 = tpu.memref_slice %arg13[%dma_start3A_96, %dma_start3A_97] : memref<10000x128xf32, #tpu.memory_space<vmem_shared>> -> memref<10000x128xf32, #tpu.memory_space<vmem_shared>>
        tpu.enqueue_indirect_dma source(%arg7 : memref<128x128xf32, #tpu.memory_space<vmem>>) target(%dma_start3A_98 : memref<10000x128xf32, #tpu.memory_space<vmem_shared>>) offsets(%arg10 : memref<128xi32, #tpu.memory_space<vmem>>) semaphore(%run_scoped3A : memref<!tpu.dma_semaphore, #tpu.memory_space<semaphore_mem>>) {add = true}
        %dma_wait3A_99 = arith.constant 0 : i32
        %dma_wait3A_100 = arith.constant 0 : i32
        %dma_wait3A_101 = tpu.memref_slice %arg13[%dma_wait3A_99, %dma_wait3A_100] : memref<10000x128xf32, #tpu.memory_space<vmem_shared>> -> memref<10000x128xf32, #tpu.memory_space<vmem_shared>>
        tpu.wait_indirect_dma semaphore(%run_scoped3A : memref<!tpu.dma_semaphore, #tpu.memory_space<semaphore_mem>>) src(%arg7 : memref<128x128xf32, #tpu.memory_space<vmem>>) dst(%dma_wait3A_101 : memref<10000x128xf32, #tpu.memory_space<vmem_shared>>)
        tpu.yield
      }) : () -> ()
      %scan3A_95 = arith.constant 0 : i32
      scf.yield %scan3A_95 : i32
    }
    %scan3A_41 = arith.constant 39 : i32
    %lt3A = arith.constant 4 : i32
    %lt3A_42 = arith.cmpi slt, %add3A, %lt3A : i32
    %convert_element_type3A_43 = arith.extui %lt3A_42 : i1 to i32
    %cond3A_44 = arith.constant 0 : i32
    %cond3A_45 = arith.cmpi ne, %convert_element_type3A_43, %cond3A_44 : i32
    scf.if %cond3A_45 {
      %add3A_52 = arith.constant 2496 : i32
      %add3A_53 = arith.addi %add3A_52, %add3A : i32
      %mul3A_54 = arith.constant 128 : i32
      %mul3A_55 = arith.muli %add3A_53, %mul3A_54 : i32
      "tpu.region"() ({
        %run_scoped3A = tpu.sem_alloc : memref<!tpu.dma_semaphore, #tpu.memory_space<semaphore_mem>>
        %dma_start3A_62 = tpu.memref_slice %arg3[%mul3A_55] : memref<320000xi32, #tpu.memory_space<hbm>> -> memref<128xi32, #tpu.memory_space<hbm>>
        %dma_start3A_63 = tpu.memref_slice %arg3[%mul3A_55] : memref<320000xi32, #tpu.memory_space<hbm>> -> memref<128xi32, #tpu.memory_space<hbm>>
        tpu.enqueue_dma source(%dma_start3A_63 : memref<128xi32, #tpu.memory_space<hbm>>) target(%arg11 : memref<128xi32, #tpu.memory_space<vmem>>) target_semaphore(%run_scoped3A : memref<!tpu.dma_semaphore, #tpu.memory_space<semaphore_mem>>)
        %dma_wait3A_64 = tpu.memref_slice %arg3[%mul3A_55] : memref<320000xi32, #tpu.memory_space<hbm>> -> memref<128xi32, #tpu.memory_space<hbm>>
        %dma_wait3A_65 = tpu.memref_slice %arg3[%mul3A_55] : memref<320000xi32, #tpu.memory_space<hbm>> -> memref<128xi32, #tpu.memory_space<hbm>>
        tpu.wait_dma2 semaphore(%run_scoped3A : memref<!tpu.dma_semaphore, #tpu.memory_space<semaphore_mem>>) src(%dma_wait3A_65 : memref<128xi32, #tpu.memory_space<hbm>>) dst(%arg11 : memref<128xi32, #tpu.memory_space<vmem>>)
        tpu.yield
      }) : () -> ()
      "tpu.region"() ({
        %run_scoped3A = tpu.sem_alloc : memref<!tpu.dma_semaphore, #tpu.memory_space<semaphore_mem>>
        %dma_start3A_62 = tpu.memref_slice %arg4[%mul3A_55] : memref<320000xi32, #tpu.memory_space<hbm>> -> memref<128xi32, #tpu.memory_space<hbm>>
        %dma_start3A_63 = tpu.memref_slice %arg4[%mul3A_55] : memref<320000xi32, #tpu.memory_space<hbm>> -> memref<128xi32, #tpu.memory_space<hbm>>
        tpu.enqueue_dma source(%dma_start3A_63 : memref<128xi32, #tpu.memory_space<hbm>>) target(%arg12 : memref<128xi32, #tpu.memory_space<vmem>>) target_semaphore(%run_scoped3A : memref<!tpu.dma_semaphore, #tpu.memory_space<semaphore_mem>>)
        %dma_wait3A_64 = tpu.memref_slice %arg4[%mul3A_55] : memref<320000xi32, #tpu.memory_space<hbm>> -> memref<128xi32, #tpu.memory_space<hbm>>
        %dma_wait3A_65 = tpu.memref_slice %arg4[%mul3A_55] : memref<320000xi32, #tpu.memory_space<hbm>> -> memref<128xi32, #tpu.memory_space<hbm>>
        tpu.wait_dma2 semaphore(%run_scoped3A : memref<!tpu.dma_semaphore, #tpu.memory_space<semaphore_mem>>) src(%dma_wait3A_65 : memref<128xi32, #tpu.memory_space<hbm>>) dst(%arg12 : memref<128xi32, #tpu.memory_space<vmem>>)
        tpu.yield
      }) : () -> ()
      %dma_start3A_56 = arith.constant 0 : i32
      %dma_start3A_57 = arith.constant 0 : i32
      %dma_start3A_58 = tpu.memref_slice %arg2[%dma_start3A_56, %dma_start3A_57] : memref<10000x128xf32, #tpu.memory_space<hbm>> -> memref<10000x128xf32, #tpu.memory_space<hbm>>
      tpu.enqueue_indirect_dma source(%dma_start3A_58 : memref<10000x128xf32, #tpu.memory_space<hbm>>) target(%arg6 : memref<128x128xf32, #tpu.memory_space<vmem>>) offsets(%arg11 : memref<128xi32, #tpu.memory_space<vmem>>) semaphore(%arg15 : memref<!tpu.dma_semaphore, #tpu.memory_space<semaphore_mem>>)
      %dma_wait3A_59 = arith.constant 0 : i32
      %dma_wait3A_60 = arith.constant 0 : i32
      %dma_wait3A_61 = tpu.memref_slice %arg2[%dma_wait3A_59, %dma_wait3A_60] : memref<10000x128xf32, #tpu.memory_space<hbm>> -> memref<10000x128xf32, #tpu.memory_space<hbm>>
      tpu.wait_indirect_dma semaphore(%arg15 : memref<!tpu.dma_semaphore, #tpu.memory_space<semaphore_mem>>) src(%dma_wait3A_61 : memref<10000x128xf32, #tpu.memory_space<hbm>>) dst(%arg6 : memref<128x128xf32, #tpu.memory_space<vmem>>)
      "tpu.region"() ({
        %run_scoped3A = tpu.sem_alloc : memref<!tpu.dma_semaphore, #tpu.memory_space<semaphore_mem>>
        %dma_start3A_62 = arith.constant 0 : i32
        %dma_start3A_63 = arith.constant 0 : i32
        %dma_start3A_64 = tpu.memref_slice %arg13[%dma_start3A_62, %dma_start3A_63] : memref<10000x128xf32, #tpu.memory_space<vmem_shared>> -> memref<10000x128xf32, #tpu.memory_space<vmem_shared>>
        tpu.enqueue_indirect_dma source(%arg6 : memref<128x128xf32, #tpu.memory_space<vmem>>) target(%dma_start3A_64 : memref<10000x128xf32, #tpu.memory_space<vmem_shared>>) offsets(%arg12 : memref<128xi32, #tpu.memory_space<vmem>>) semaphore(%run_scoped3A : memref<!tpu.dma_semaphore, #tpu.memory_space<semaphore_mem>>) {add = true}
        %dma_wait3A_65 = arith.constant 0 : i32
        %dma_wait3A_66 = arith.constant 0 : i32
        %dma_wait3A_67 = tpu.memref_slice %arg13[%dma_wait3A_65, %dma_wait3A_66] : memref<10000x128xf32, #tpu.memory_space<vmem_shared>> -> memref<10000x128xf32, #tpu.memory_space<vmem_shared>>
        tpu.wait_indirect_dma semaphore(%run_scoped3A : memref<!tpu.dma_semaphore, #tpu.memory_space<semaphore_mem>>) src(%arg6 : memref<128x128xf32, #tpu.memory_space<vmem>>) dst(%dma_wait3A_67 : memref<10000x128xf32, #tpu.memory_space<vmem_shared>>)
        tpu.yield
      }) : () -> ()
    } else {
    }
    %barrier3A_46 = arith.constant 0 : index
    tpu.barrier barrier_id(%barrier3A_46)
    "tpu.region"() ({
      %run_scoped3A = tpu.sem_alloc : memref<!tpu.dma_semaphore, #tpu.memory_space<semaphore_mem>>
      %dma_start3A_52 = arith.constant 0 : i32
      %dma_start3A_53 = tpu.memref_slice %arg5[%arg0, %mul3A_14, %dma_start3A_52] : memref<2x10000x128xf32, #tpu.memory_space<hbm>> -> memref<1x624x128xf32, #tpu.memory_space<hbm>>
      %dma_start3A_54 = tpu.memref_squeeze %dma_start3A_53 : memref<1x624x128xf32, #tpu.memory_space<hbm>> -> memref<624x128xf32, #tpu.memory_space<hbm>>
      %dma_start3A_55 = arith.constant 0 : i32
      %dma_start3A_56 = tpu.memref_slice %arg13[%mul3A_14, %dma_start3A_55] : memref<10000x128xf32, #tpu.memory_space<vmem_shared>> -> memref<624x128xf32, #tpu.memory_space<vmem_shared>>
      tpu.enqueue_dma source(%dma_start3A_56 : memref<624x128xf32, #tpu.memory_space<vmem_shared>>) target(%dma_start3A_54 : memref<624x128xf32, #tpu.memory_space<hbm>>) target_semaphore(%run_scoped3A : memref<!tpu.dma_semaphore, #tpu.memory_space<semaphore_mem>>)
      %dma_wait3A_57 = arith.constant 0 : i32
      %dma_wait3A_58 = tpu.memref_slice %arg5[%arg0, %mul3A_14, %dma_wait3A_57] : memref<2x10000x128xf32, #tpu.memory_space<hbm>> -> memref<1x624x128xf32, #tpu.memory_space<hbm>>
      %dma_wait3A_59 = tpu.memref_squeeze %dma_wait3A_58 : memref<1x624x128xf32, #tpu.memory_space<hbm>> -> memref<624x128xf32, #tpu.memory_space<hbm>>
      %dma_wait3A_60 = arith.constant 0 : i32
      %dma_wait3A_61 = tpu.memref_slice %arg13[%mul3A_14, %dma_wait3A_60] : memref<10000x128xf32, #tpu.memory_space<vmem_shared>> -> memref<624x128xf32, #tpu.memory_space<vmem_shared>>
      tpu.wait_dma2 semaphore(%run_scoped3A : memref<!tpu.dma_semaphore, #tpu.memory_space<semaphore_mem>>) src(%dma_wait3A_61 : memref<624x128xf32, #tpu.memory_space<vmem_shared>>) dst(%dma_wait3A_59 : memref<624x128xf32, #tpu.memory_space<hbm>>)
      tpu.yield
    }) : () -> ()
    %eq3A_47 = arith.constant 15 : i32
    %eq3A_48 = arith.cmpi eq, %arg1, %eq3A_47 : i32
    %convert_element_type3A_49 = arith.extui %eq3A_48 : i1 to i32
    %cond3A_50 = arith.constant 0 : i32
    %cond3A_51 = arith.cmpi ne, %convert_element_type3A_49, %cond3A_50 : i32
    scf.if %cond3A_51 {
      "tpu.region"() ({
        %run_scoped3A = tpu.sem_alloc : memref<!tpu.dma_semaphore, #tpu.memory_space<semaphore_mem>>
        %dma_start3A_52 = arith.constant 9984 : i32
        %dma_start3A_53 = arith.constant 0 : i32
        %dma_start3A_54 = tpu.memref_slice %arg5[%arg0, %dma_start3A_52, %dma_start3A_53] : memref<2x10000x128xf32, #tpu.memory_space<hbm>> -> memref<1x16x128xf32, #tpu.memory_space<hbm>>
        %dma_start3A_55 = tpu.memref_squeeze %dma_start3A_54 : memref<1x16x128xf32, #tpu.memory_space<hbm>> -> memref<16x128xf32, #tpu.memory_space<hbm>>
        %dma_start3A_56 = arith.constant 9984 : i32
        %dma_start3A_57 = arith.constant 0 : i32
        %dma_start3A_58 = tpu.memref_slice %arg13[%dma_start3A_56, %dma_start3A_57] : memref<10000x128xf32, #tpu.memory_space<vmem_shared>> -> memref<16x128xf32, #tpu.memory_space<vmem_shared>>
        tpu.enqueue_dma source(%dma_start3A_58 : memref<16x128xf32, #tpu.memory_space<vmem_shared>>) target(%dma_start3A_55 : memref<16x128xf32, #tpu.memory_space<hbm>>) target_semaphore(%run_scoped3A : memref<!tpu.dma_semaphore, #tpu.memory_space<semaphore_mem>>)
        %dma_wait3A_59 = arith.constant 9984 : i32
        %dma_wait3A_60 = arith.constant 0 : i32
        %dma_wait3A_61 = tpu.memref_slice %arg5[%arg0, %dma_wait3A_59, %dma_wait3A_60] : memref<2x10000x128xf32, #tpu.memory_space<hbm>> -> memref<1x16x128xf32, #tpu.memory_space<hbm>>
        %dma_wait3A_62 = tpu.memref_squeeze %dma_wait3A_61 : memref<1x16x128xf32, #tpu.memory_space<hbm>> -> memref<16x128xf32, #tpu.memory_space<hbm>>
        %dma_wait3A_63 = arith.constant 9984 : i32
        %dma_wait3A_64 = arith.constant 0 : i32
        %dma_wait3A_65 = tpu.memref_slice %arg13[%dma_wait3A_63, %dma_wait3A_64] : memref<10000x128xf32, #tpu.memory_space<vmem_shared>> -> memref<16x128xf32, #tpu.memory_space<vmem_shared>>
        tpu.wait_dma2 semaphore(%run_scoped3A : memref<!tpu.dma_semaphore, #tpu.memory_space<semaphore_mem>>) src(%dma_wait3A_65 : memref<16x128xf32, #tpu.memory_space<vmem_shared>>) dst(%dma_wait3A_62 : memref<16x128xf32, #tpu.memory_space<hbm>>)
        tpu.yield
      }) : () -> ()
    } else {
    }
    return
  }
}

module attributes {stable_mosaic.version = 14 : i64} {
  func.func @_mid_body(%arg0: i32, %arg1: memref<2x2000x128xf32, #tpu.memory_space<vmem>>, %arg2: memref<2000x128xf32, #tpu.memory_space<vmem>>, %arg3: memref<2000x1xf32, #tpu.memory_space<vmem>>, %arg4: memref<1x128xf32, #tpu.memory_space<vmem>>, %arg5: memref<128x128xf32, #tpu.memory_space<vmem>>, %arg6: memref<2000x128xf32, #tpu.memory_space<vmem>>) attributes {dimension_semantics = [#tpu.dimension_semantics<arbitrary>], iteration_bounds = array<i64: 5>, scalar_prefetch = 0 : i64, scratch_operands = 0 : i64, tpu.core_type = #tpu.core_type<tc>, window_params = [{transform_indices = @transform_0, window_bounds = array<i64: 2, 2000, 128>}, {transform_indices = @transform_1, window_bounds = array<i64: 2000, 128>}, {transform_indices = @transform_2, window_bounds = array<i64: 2000, 1>}, {pipeline_mode = #tpu.pipeline_mode<synchronous>, transform_indices = @transform_3, window_bounds = array<i64: 1, 128>}, {pipeline_mode = #tpu.pipeline_mode<synchronous>, transform_indices = @transform_4, window_bounds = array<i64: 128, 128>}, {transform_indices = @transform_5, window_bounds = array<i64: 2000, 128>}]} {
    %get3A = arith.constant 0 : index
    %get3A_0 = arith.constant 0 : index
    %get3A_1 = arith.constant 0 : index
    %get3A_2 = vector.load %arg1[%get3A, %get3A_0, %get3A_1] : memref<2x2000x128xf32, #tpu.memory_space<vmem>>, vector<1x2000x128xf32>
    %get3A_3 = vector.shape_cast %get3A_2 : vector<1x2000x128xf32> to vector<2000x128xf32>
    %get3A_4 = arith.constant 1 : index
    %get3A_5 = arith.constant 0 : index
    %get3A_6 = arith.constant 0 : index
    %get3A_7 = vector.load %arg1[%get3A_4, %get3A_5, %get3A_6] : memref<2x2000x128xf32, #tpu.memory_space<vmem>>, vector<1x2000x128xf32>
    %get3A_8 = vector.shape_cast %get3A_7 : vector<1x2000x128xf32> to vector<2000x128xf32>
    %add3A = arith.addf %get3A_3, %get3A_8 : vector<2000x128xf32>
    %get3A_9 = arith.constant 0 : index
    %get3A_10 = arith.constant 0 : index
    %get3A_11 = vector.load %arg2[%get3A_9, %get3A_10] : memref<2000x128xf32, #tpu.memory_space<vmem>>, vector<2000x128xf32>
    %add3A_12 = arith.addf %add3A, %get3A_11 : vector<2000x128xf32>
    %get3A_13 = arith.constant 0 : index
    %get3A_14 = arith.constant 0 : index
    %get3A_15 = vector.load %arg3[%get3A_13, %get3A_14] : memref<2000x1xf32, #tpu.memory_space<vmem>>, vector<2000x1xf32>
    %mul3A = vector.broadcast %get3A_15 : vector<2000x1xf32> to vector<2000x128xf32>
    %mul3A_16 = arith.mulf %add3A_12, %mul3A : vector<2000x128xf32>
    %get3A_17 = arith.constant 0 : index
    %get3A_18 = arith.constant 0 : index
    %get3A_19 = vector.load %arg4[%get3A_17, %get3A_18] : memref<1x128xf32, #tpu.memory_space<vmem>>, vector<1x128xf32>
    %add3A_20 = vector.broadcast %get3A_19 : vector<1x128xf32> to vector<2000x128xf32>
    %add3A_21 = arith.addf %mul3A_16, %add3A_20 : vector<2000x128xf32>
    %max3A = arith.constant 0.000000e+00 : f32
    %max3A_22 = vector.broadcast %max3A : f32 to vector<2000x128xf32>
    %max3A_23 = arith.maximumf %add3A_21, %max3A_22 : vector<2000x128xf32>
    %get3A_24 = arith.constant 0 : index
    %get3A_25 = arith.constant 0 : index
    %get3A_26 = vector.load %arg5[%get3A_24, %get3A_25] : memref<128x128xf32, #tpu.memory_space<vmem>>, vector<128x128xf32>
    %dot_general3A = arith.constant dense<0.000000e+00> : vector<2000x128xf32>
    %dot_general3A_27 = tpu.matmul %max3A_23, %get3A_26, %dot_general3A {dimension_numbers = #tpu.dot_dimension_numbers<[1], [0], [0], [1], [0, 0, 1, 1], [], []>, transpose_lhs_hint = false} : vector<2000x128xf32>, vector<128x128xf32>, vector<2000x128xf32> -> vector<2000x128xf32>
    %get3A_28 = arith.constant 0 : index
    %get3A_29 = arith.constant 0 : index
    %get3A_30 = vector.load %arg3[%get3A_28, %get3A_29] : memref<2000x1xf32, #tpu.memory_space<vmem>>, vector<2000x1xf32>
    %mul3A_31 = vector.broadcast %get3A_30 : vector<2000x1xf32> to vector<2000x128xf32>
    %mul3A_32 = arith.mulf %dot_general3A_27, %mul3A_31 : vector<2000x128xf32>
    %swap3A = arith.constant 0 : index
    %swap3A_33 = arith.constant 0 : index
    %swap3A_34 = vector.load %arg6[%swap3A, %swap3A_33] : memref<2000x128xf32, #tpu.memory_space<vmem>>, vector<2000x128xf32>
    tpu.vector_store %arg6[%swap3A, %swap3A_33], %mul3A_32 {strides = array<i32>} : memref<2000x128xf32, #tpu.memory_space<vmem>>, vector<2000x128xf32>,
    return
  }
  func.func @transform_0(%arg0: i32) -> (i32, i32, i32) {
    %c0_i32 = arith.constant 0 : i32
    %c0_i32_0 = arith.constant 0 : i32
    %c0_i32_1 = arith.constant 0 : i32
    return %c0_i32, %arg0, %c0_i32_0 : i32, i32, i32
  }
  func.func @transform_1(%arg0: i32) -> (i32, i32) {
    %c0_i32 = arith.constant 0 : i32
    %c0_i32_0 = arith.constant 0 : i32
    return %arg0, %c0_i32 : i32, i32
  }
  func.func @transform_2(%arg0: i32) -> (i32, i32) {
    %c0_i32 = arith.constant 0 : i32
    %c0_i32_0 = arith.constant 0 : i32
    return %arg0, %c0_i32 : i32, i32
  }
  func.func @transform_3(%arg0: i32) -> (i32, i32) {
    %c0_i32 = arith.constant 0 : i32
    %c0_i32_0 = arith.constant 0 : i32
    %c0_i32_1 = arith.constant 0 : i32
    return %c0_i32, %c0_i32_0 : i32, i32
  }
  func.func @transform_4(%arg0: i32) -> (i32, i32) {
    %c0_i32 = arith.constant 0 : i32
    %c0_i32_0 = arith.constant 0 : i32
    %c0_i32_1 = arith.constant 0 : i32
    return %c0_i32, %c0_i32_0 : i32, i32
  }
  func.func @transform_5(%arg0: i32) -> (i32, i32) {
    %c0_i32 = arith.constant 0 : i32
    %c0_i32_0 = arith.constant 0 : i32
    return %arg0, %c0_i32 : i32, i32
  }
}

module attributes {stable_mosaic.version = 14 : i64} {
  func.func @_first_body(%arg0: i32, %arg1: memref<2000x32xf32, #tpu.memory_space<vmem>>, %arg2: memref<2000x128xf32, #tpu.memory_space<vmem>>, %arg3: memref<128x128xf32, #tpu.memory_space<vmem>>, %arg4: memref<2000x128xf32, #tpu.memory_space<vmem>>, %arg5: memref<2000x1xf32, #tpu.memory_space<vmem>>) attributes {dimension_semantics = [#tpu.dimension_semantics<arbitrary>], iteration_bounds = array<i64: 5>, scalar_prefetch = 0 : i64, scratch_operands = 0 : i64, tpu.core_type = #tpu.core_type<tc>, window_params = [{transform_indices = @transform_0, window_bounds = array<i64: 2000, 32>}, {transform_indices = @transform_1, window_bounds = array<i64: 2000, 128>}, {pipeline_mode = #tpu.pipeline_mode<synchronous>, transform_indices = @transform_2, window_bounds = array<i64: 128, 128>}, {transform_indices = @transform_3, window_bounds = array<i64: 2000, 128>}, {transform_indices = @transform_4, window_bounds = array<i64: 2000, 1>}]} {
    %get3A = arith.constant 0 : index
    %get3A_0 = arith.constant 0 : index
    %get3A_1 = vector.load %arg1[%get3A, %get3A_0] : memref<2000x32xf32, #tpu.memory_space<vmem>>, vector<2000x32xf32>
    %reduce_sum3A = arith.constant dense<0.000000e+00> : vector<2000xf32>
    %reduce_sum3A_2 = vector.multi_reduction <add>, %get3A_1, %reduce_sum3A [1] : vector<2000x32xf32> to vector<2000xf32>
    %add3A = arith.constant 1.000000e+00 : f32
    %add3A_3 = vector.broadcast %add3A : f32 to vector<2000xf32>
    %add3A_4 = arith.addf %reduce_sum3A_2, %add3A_3 : vector<2000xf32>
    %rsqrt3A = math.rsqrt %add3A_4 : vector<2000xf32>
    %get3A_5 = arith.constant 0 : index
    %get3A_6 = arith.constant 0 : index
    %get3A_7 = vector.load %arg2[%get3A_5, %get3A_6] : memref<2000x128xf32, #tpu.memory_space<vmem>>, vector<2000x128xf32>
    %get3A_8 = arith.constant 0 : index
    %get3A_9 = arith.constant 0 : index
    %get3A_10 = vector.load %arg3[%get3A_8, %get3A_9] : memref<128x128xf32, #tpu.memory_space<vmem>>, vector<128x128xf32>
    %dot_general3A = arith.constant dense<0.000000e+00> : vector<2000x128xf32>
    %dot_general3A_11 = tpu.matmul %get3A_7, %get3A_10, %dot_general3A {dimension_numbers = #tpu.dot_dimension_numbers<[1], [0], [0], [1], [0, 0, 1, 1], [], []>, transpose_lhs_hint = false} : vector<2000x128xf32>, vector<128x128xf32>, vector<2000x128xf32> -> vector<2000x128xf32>
    %broadcast_in_dim3A = vector.shape_cast %rsqrt3A : vector<2000xf32> to vector<2000x1xf32>
    %mul3A = vector.broadcast %broadcast_in_dim3A : vector<2000x1xf32> to vector<2000x128xf32>
    %mul3A_12 = arith.mulf %dot_general3A_11, %mul3A : vector<2000x128xf32>
    %swap3A = arith.constant 0 : index
    %swap3A_13 = arith.constant 0 : index
    %swap3A_14 = vector.load %arg4[%swap3A, %swap3A_13] : memref<2000x128xf32, #tpu.memory_space<vmem>>, vector<2000x128xf32>
    tpu.vector_store %arg4[%swap3A, %swap3A_13], %mul3A_12 {strides = array<i32>} : memref<2000x128xf32, #tpu.memory_space<vmem>>, vector<2000x128xf32>,
    %broadcast_in_dim3A_15 = vector.shape_cast %rsqrt3A : vector<2000xf32> to vector<2000x1xf32>
    %swap3A_16 = arith.constant 0 : index
    %swap3A_17 = arith.constant 0 : index
    %swap3A_18 = vector.load %arg5[%swap3A_16, %swap3A_17] : memref<2000x1xf32, #tpu.memory_space<vmem>>, vector<2000x1xf32>
    tpu.vector_store %arg5[%swap3A_16, %swap3A_17], %broadcast_in_dim3A_15 {strides = array<i32>} : memref<2000x1xf32, #tpu.memory_space<vmem>>, vector<2000x1xf32>,
    return
  }
  func.func @transform_0(%arg0: i32) -> (i32, i32) {
    %c0_i32 = arith.constant 0 : i32
    %c0_i32_0 = arith.constant 0 : i32
    return %arg0, %c0_i32 : i32, i32
  }
  func.func @transform_1(%arg0: i32) -> (i32, i32) {
    %c0_i32 = arith.constant 0 : i32
    %c0_i32_0 = arith.constant 0 : i32
    return %arg0, %c0_i32 : i32, i32
  }
  func.func @transform_2(%arg0: i32) -> (i32, i32) {
    %c0_i32 = arith.constant 0 : i32
    %c0_i32_0 = arith.constant 0 : i32
    %c0_i32_1 = arith.constant 0 : i32
    return %c0_i32, %c0_i32_0 : i32, i32
  }
  func.func @transform_3(%arg0: i32) -> (i32, i32) {
    %c0_i32 = arith.constant 0 : i32
    %c0_i32_0 = arith.constant 0 : i32
    return %arg0, %c0_i32 : i32, i32
  }
  func.func @transform_4(%arg0: i32) -> (i32, i32) {
    %c0_i32 = arith.constant 0 : i32
    %c0_i32_0 = arith.constant 0 : i32
    return %arg0, %c0_i32 : i32, i32
  }
}

module attributes {stable_mosaic.version = 14 : i64} {
  func.func @_last_body(%arg0: i32, %arg1: memref<2x2000x128xf32, #tpu.memory_space<vmem>>, %arg2: memref<2000x128xf32, #tpu.memory_space<vmem>>, %arg3: memref<2000x1xf32, #tpu.memory_space<vmem>>, %arg4: memref<1x128xf32, #tpu.memory_space<vmem>>, %arg5: memref<2000x128xf32, #tpu.memory_space<vmem>>) attributes {dimension_semantics = [#tpu.dimension_semantics<arbitrary>], iteration_bounds = array<i64: 5>, scalar_prefetch = 0 : i64, scratch_operands = 0 : i64, tpu.core_type = #tpu.core_type<tc>, window_params = [{transform_indices = @transform_0, window_bounds = array<i64: 2, 2000, 128>}, {transform_indices = @transform_1, window_bounds = array<i64: 2000, 128>}, {transform_indices = @transform_2, window_bounds = array<i64: 2000, 1>}, {pipeline_mode = #tpu.pipeline_mode<synchronous>, transform_indices = @transform_3, window_bounds = array<i64: 1, 128>}, {transform_indices = @transform_4, window_bounds = array<i64: 2000, 128>}]} {
    %get3A = arith.constant 0 : index
    %get3A_0 = arith.constant 0 : index
    %get3A_1 = arith.constant 0 : index
    %get3A_2 = vector.load %arg1[%get3A, %get3A_0, %get3A_1] : memref<2x2000x128xf32, #tpu.memory_space<vmem>>, vector<1x2000x128xf32>
    %get3A_3 = vector.shape_cast %get3A_2 : vector<1x2000x128xf32> to vector<2000x128xf32>
    %get3A_4 = arith.constant 1 : index
    %get3A_5 = arith.constant 0 : index
    %get3A_6 = arith.constant 0 : index
    %get3A_7 = vector.load %arg1[%get3A_4, %get3A_5, %get3A_6] : memref<2x2000x128xf32, #tpu.memory_space<vmem>>, vector<1x2000x128xf32>
    %get3A_8 = vector.shape_cast %get3A_7 : vector<1x2000x128xf32> to vector<2000x128xf32>
    %add3A = arith.addf %get3A_3, %get3A_8 : vector<2000x128xf32>
    %get3A_9 = arith.constant 0 : index
    %get3A_10 = arith.constant 0 : index
    %get3A_11 = vector.load %arg2[%get3A_9, %get3A_10] : memref<2000x128xf32, #tpu.memory_space<vmem>>, vector<2000x128xf32>
    %add3A_12 = arith.addf %add3A, %get3A_11 : vector<2000x128xf32>
    %get3A_13 = arith.constant 0 : index
    %get3A_14 = arith.constant 0 : index
    %get3A_15 = vector.load %arg3[%get3A_13, %get3A_14] : memref<2000x1xf32, #tpu.memory_space<vmem>>, vector<2000x1xf32>
    %mul3A = vector.broadcast %get3A_15 : vector<2000x1xf32> to vector<2000x128xf32>
    %mul3A_16 = arith.mulf %add3A_12, %mul3A : vector<2000x128xf32>
    %get3A_17 = arith.constant 0 : index
    %get3A_18 = arith.constant 0 : index
    %get3A_19 = vector.load %arg4[%get3A_17, %get3A_18] : memref<1x128xf32, #tpu.memory_space<vmem>>, vector<1x128xf32>
    %add3A_20 = vector.broadcast %get3A_19 : vector<1x128xf32> to vector<2000x128xf32>
    %add3A_21 = arith.addf %mul3A_16, %add3A_20 : vector<2000x128xf32>
    %swap3A = arith.constant 0 : index
    %swap3A_22 = arith.constant 0 : index
    %swap3A_23 = vector.load %arg5[%swap3A, %swap3A_22] : memref<2000x128xf32, #tpu.memory_space<vmem>>, vector<2000x128xf32>
    tpu.vector_store %arg5[%swap3A, %swap3A_22], %add3A_21 {strides = array<i32>} : memref<2000x128xf32, #tpu.memory_space<vmem>>, vector<2000x128xf32>,
    return
  }
  func.func @transform_0(%arg0: i32) -> (i32, i32, i32) {
    %c0_i32 = arith.constant 0 : i32
    %c0_i32_0 = arith.constant 0 : i32
    %c0_i32_1 = arith.constant 0 : i32
    return %c0_i32, %arg0, %c0_i32_0 : i32, i32, i32
  }
  func.func @transform_1(%arg0: i32) -> (i32, i32) {
    %c0_i32 = arith.constant 0 : i32
    %c0_i32_0 = arith.constant 0 : i32
    return %arg0, %c0_i32 : i32, i32
  }
  func.func @transform_2(%arg0: i32) -> (i32, i32) {
    %c0_i32 = arith.constant 0 : i32
    %c0_i32_0 = arith.constant 0 : i32
    return %arg0, %c0_i32 : i32, i32
  }
  func.func @transform_3(%arg0: i32) -> (i32, i32) {
    %c0_i32 = arith.constant 0 : i32
    %c0_i32_0 = arith.constant 0 : i32
    %c0_i32_1 = arith.constant 0 : i32
    return %c0_i32, %c0_i32_0 : i32, i32
  }
  func.func @transform_4(%arg0: i32) -> (i32, i32) {
    %c0_i32 = arith.constant 0 : i32
    %c0_i32_0 = arith.constant 0 : i32
    return %arg0, %c0_i32 : i32, i32
  }
}

</mosaic_0001>

<sc_bundles>
// kernel: _run.10.cloned.1.call-start
scs
__scs_entry_jumppad:
0x0: {  	(pc) =	sbr.rel $0x88, $3  }
0x1: {  	(tag) =	ssettag $0x0;
	lr =	simm.s32 $0x1  }
0x2: {  	[smem:$0x3F97] =	sst lr;
	_ =	strace $0xD0000000  }
0x3: {  	_ = 	snop  }
0x4: {  	_ = 	snop  }
0x5: {  	_ = 	snop  }
0x6: {  	_ = 	snop  }
0x7: {  	_ = 	snop  }
__scs_overlays_trampoline_lowered:
0x8: {  	[smem:$0x3FA6] =	sst s0  }
0x9: {  	[smem:$0x3FA7] =	sst s1  }
0xa: {  	[smem:$0x3FA8] =	sst s2  }
0xb: {  	[smem:$0x3FA9] =	sst s3  }
0xc: {  	[smem:$0x3FAA] =	sst s4  }
0xd: {  	[smem:$0x3FAB] =	sst s5  }
0xe: {  	[smem:$0x3FAC] =	sst s6  }
0xf: {  	[smem:$0x3FAD] =	sst s7  }
0x10: {  	[smem:$0x3FAE] =	sst s8  }
0x11: {  	[smem:$0x3FAF] =	sst s9;
	s0 =	simm.s32 @!p0 $0x0  }
0x12: {  	s1 =	sld [smem:$0x3F95];
	s0 =	simm.s32 @p0 $0x1  }
0x13: {  	[smem:$0x3FB0] =	sst s0;
	s0 =	simm.s32 @!p1 $0x0  }
0x14: {  	s2 =	sld [smem:$0x3F94];
	s0 =	simm.s32 @p1 $0x1  }
0x15: {  	[smem:$0x3FB1] =	sst s0;
	s0 =	simm.s32 @!p2 $0x0  }
0x16: {  	s3 =	sld [smem:$0x3FDB];
	s0 =	simm.s32 @p2 $0x1  }
0x17: {  	s4 =	simm.s32 $0x1BF5;
	[smem:$0x3FB3] =	sst s0  }
0x18: {  	s0 =	sld [smem:$0x3F96];
	_ =	swait.ge [sflag:s4], $0x0  }
0x19: {  	s7 =	sld [smem:$0x3F97]  }
0x1a: {  	s8 =	sadd.s32 $0xFFFFE003, lr  }
0x1b: {  	s9 =	sadd.s32 $0xFFFFFEF7, lr;
	s5 =	simm.s32 $0xFFFFFFFF;
	p2 =	slt.u32 s8, $0xFFFFF086  }
0x1c: {  	p1 =	slt.u32 s9, $0xF7A;
	s5 =	simm.s32 @!p2 $0x0  }
0x1d: {  	s5 =	simm.s32 @p1 $0x1;
	p0 =	seq.s32 s7, s2  }
0x1e: {  	s7 =	smul.u32 @!p0 $0xF7A, s2;
	p2 =	seq.s32 @!p0 s5, $0x0  }
0x1f: {  	s9 =	smul.u32 $0xF7A, s1;
	s8 =	simm.s32 @!p0 $0x1BF5;
	p2 =	por !p2, p0  }
0x20: {  	[sflag:s8] =	ssyncset.s32 @!p0 $0xFFFFF086;
	s6 =	sadd.s32 @!p0 s3, s7;
	s7 =	simm.s32 @!p0 $0x108  }
0x21: {  	s3 =	sadd.s32 s3, s9;
	s6 =	sadd.s32 @!p0 $0x88, s6;
	s7 =	simm.s32 @p2 $0x1082  }
0x22: {  	[simem:s7], [sflag:s8] =	dma.local @!p0 [hbm:s6], $0xF7A  }
0x23: {  	s9 =	sor.u32 $0xD0000000, s2;
	s6 =	simm.s32 $0x108;
	_ =	swait.ge @!p0 [sflag:s8], $0x0  }
0x24: {  	s3 =	sadd.s32 $0x88, s3;
	s6 =	simm.s32 @!p1 $0x1082;
	[sflag:s4] =	ssyncset.s32 $0xFFFFF086  }
0x25: {  	[simem:s6], [sflag:s4] =	dma.local [hbm:s3], $0xF7A  }
0x26: {  	[smem:$0x3F97] =	sst s1;
	(tag) =	ssettag s2;
	_ =	strace s9  }
0x27: {  	s1 =	sld [smem:$0x3FA7]  }
0x28: {  	s2 =	sld [smem:$0x3FA8]  }
0x29: {  	s4 =	sld [smem:$0x3FAA]  }
0x2a: {  	p0 =	seq.s32 s5, $0x0;
	s5 =	sld [smem:$0x3FAB]  }
0x2b: {  	s6 =	sld [smem:$0x3FAC]  }
0x2c: {  	s7 =	sld [smem:$0x3FAD]  }
0x2d: {  	s3 =	simm.s32 $0x108;
	s8 =	sld [smem:$0x3FAE]  }
0x2e: {  	s3 =	simm.s32 @!p0 $0x1082;
	s9 =	sld [smem:$0x3FAF]  }
0x2f: {  	lr =	sadd.s32 s0, s3;
	s0 =	sld [smem:$0x3FA6]  }
0x30: {  	s3 =	sld [smem:$0x3FA9]  }
0x31: {  	[smem:$0x3FB2] =	sst s10  }
0x32: {  	s10 =	sld [smem:$0x3FB0];
	_ =	sdelay $0x3  }
0x33: {  	p0 =	seq.s32 s10, $0x1;
	s10 =	sld [smem:$0x3FB2];
	_ =	sdelay $0x3  }
0x34: {  	[smem:$0x3FB2] =	sst s10  }
0x35: {  	s10 =	sld [smem:$0x3FB1];
	_ =	sdelay $0x3  }
0x36: {  	p1 =	seq.s32 s10, $0x1;
	s10 =	sld [smem:$0x3FB2];
	_ =	sdelay $0x3  }
0x37: {  	[smem:$0x3FB2] =	sst s10  }
0x38: {  	s10 =	sld [smem:$0x3FB3]  }
0x39: {  	_ = 	snop;
	(pc) =	sbr.ind lr, $3  }
0x3a: {  	_ = 	snop  }
0x3b: {  	_ = 	snop  }
0x3c: {  	p2 =	seq.s32 s10, $0x1;
	s10 =	sld [smem:$0x3FB2]  }
0x3d: {  	_ =	shalt  }
0x3e: {  	_ =	shalt  }
0x3f: {  	_ =	shalt  }
0x40: {  	_ =	shalt  }
0x41: {  	_ =	shalt  }
0x42: {  	_ =	shalt  }
0x43: {  	_ =	shalt  }
0x44: {  	_ =	shalt  }
0x45: {  	_ =	shalt  }
0x46: {  	_ =	shalt  }
0x47: {  	_ =	shalt  }
0x48: {  	_ =	shalt  }
0x49: {  	_ =	shalt  }
0x4a: {  	_ =	shalt  }
0x4b: {  	_ =	shalt  }
0x4c: {  	_ =	shalt  }
0x4d: {  	_ =	shalt  }
0x4e: {  	_ =	shalt  }
0x4f: {  	_ =	shalt  }
0x50: {  	_ =	shalt  }
0x51: {  	_ =	shalt  }
0x52: {  	_ =	shalt  }
0x53: {  	_ =	shalt  }
0x54: {  	_ =	shalt  }
0x55: {  	_ =	shalt  }
0x56: {  	_ =	shalt  }
0x57: {  	_ =	shalt  }
0x58: {  	_ =	shalt  }
0x59: {  	_ =	shalt  }
0x5a: {  	_ =	shalt  }
0x5b: {  	_ =	shalt  }
0x5c: {  	_ =	shalt  }
0x5d: {  	_ =	shalt  }
0x5e: {  	_ =	shalt  }
0x5f: {  	_ =	shalt  }
0x60: {  	_ =	shalt  }
0x61: {  	_ =	shalt  }
0x62: {  	_ =	shalt  }
0x63: {  	_ =	shalt  }
0x64: {  	_ =	shalt  }
0x65: {  	_ =	shalt  }
0x66: {  	_ =	shalt  }
0x67: {  	_ =	shalt  }
0x68: {  	_ =	shalt  }
0x69: {  	_ =	shalt  }
0x6a: {  	_ =	shalt  }
0x6b: {  	_ =	shalt  }
0x6c: {  	_ =	shalt  }
0x6d: {  	_ =	shalt  }
0x6e: {  	_ =	shalt  }
0x6f: {  	_ =	shalt  }
0x70: {  	_ =	shalt  }
0x71: {  	_ =	shalt  }
0x72: {  	_ =	shalt  }
0x73: {  	_ =	shalt  }
0x74: {  	_ =	shalt  }
0x75: {  	_ =	shalt  }
0x76: {  	_ =	shalt  }
0x77: {  	_ =	shalt  }
0x78: {  	_ =	shalt  }
0x79: {  	_ =	shalt  }
0x7a: {  	_ =	shalt  }
0x7b: {  	_ =	shalt  }
0x7c: {  	_ =	shalt  }
0x7d: {  	_ =	shalt  }
0x7e: {  	_ =	shalt  }
0x7f: {  	_ =	shalt  }
0x80: {  	_ =	shalt  }
0x81: {  	_ =	shalt  }
0x82: {  	_ =	shalt  }
0x83: {  	_ =	shalt  }
0x84: {  	_ =	shalt  }
0x85: {  	_ =	shalt  }
0x86: {  	_ =	shalt  }
0x87: {  	_ =	shalt  }
.Lfunc_end0:
.L_simem_size_0:
called_computation_lowered:
.L_overlay_start_0:
0x88: {  	s2 =	sld [smem:$0x3FD9]  }
0x89: {  	s3 =	sld [smem:$0x3FFE];
	_ =	sdelay $0x1  }
0x8a: {  	s1 =	srdreg.scid  }
0x8b: {  	s0 =	sand.u32 $0x1, s1  }
0x8c: {  	s14 =	sshll.u32 s0, $0xA;
	s2 =	sadd.s32 s3, s2  }
0x8d: {  	s2 =	sadd.s32 s2, s14  }
0x8e: {  	[smem:$0x3FBE] =	sst s2  }
0x8f: {  	_ = 	snop  }
0x90: {  	s2 =	sld [smem:$0x3FD0];
	_ =	sdelay $0x2  }
0x91: {  	s15 =	simm.s32 $0xA;
	s4 =	simm.s32 $0x10  }
0x92: {  	[smem:s4], [sflag:s15] =	dma.local [hbm:s2], $0x1  }
0x93: {  	_ =	swait.eq [sflag:s15], $0x1  }
0x94: {  	[sflag:s15] =	ssyncset.done $0x0  }
0x95: {  	[sflag:s15] =	ssyncadd.s32 $0xFFFFFFFF  }
0x96: {  	s16 =	sld [smem:$0x11];
	(tm) =	ssettm $0x1  }
0x97: {  	s17 =	sld [smem:$0x3FFB];
	_ =	sdelay $0x3  }
0x98: {  	_ =	strace s17  }
0x99: {  	s3 =	sld [smem:$0x3FFC];
	_ =	sdelay $0x3  }
0x9a: {  	_ =	strace s3  }
0x9b: {  	s3 =	sld [smem:$0x3FFD];
	_ =	sdelay $0x3  }
0x9c: {  	_ =	strace s3  }
0x9d: {  	_ =	strace $0x8FFFFFFF  }
0x9e: {  	s18 =	sld [smem:$0x3FDB];
	_ =	sdelay $0x1  }
0x9f: {  	s19 =	simm.s32 $_scs_section_size  }
0xa0: {  	s5 =	simm.s32 $_size__tile_overlayer_lowered;
	s6 =	simm.s32 $_tile_overlayer_lowered  }
0xa1: {  	s22 =	simm.s32 $0x1BFF;
	s21 =	sshll.u32 s6, $0x1;
	s3 =	sadd.s32 s19, s18  }
0xa2: {  	s7 =	simm.s32 $0x0;
	s20 =	sshll.u32 s5, $0x1;
	s5 =	sadd.s32 s21, s3  }
0xa3: {  	[timem:s7], [sflag:s22] =	dma.local [hbm:s5], s20  }
0xa4: {  	_ =	swait.ge [sflag:s22], s20  }
0xa5: {  	s4 =	ssub.s32 $0x0, s20;
	[sflag:s22] =	ssyncset.done $0x0  }
0xa6: {  	[sflag:s22] =	ssyncadd.s32 s4;
	_ =	sdelay $0x1  }
0xa7: {  	s23 =	simm.s32 $0x1B8B  }
0xa8: {  	_ =	swait.ge [sflag:s23], $0x1  }
0xa9: {  	[sflag:s23] =	ssyncset.done $0x0  }
0xaa: {  	s25 =	simm.s32 $0x1B8E;
	s24 =	sld [smem:$0x3FFE];
	[sflag:s23] =	ssyncadd.s32 $0xFFFFFFFF  }
0xab: {  	s26 =	simm.s32 $execute0_lowered;
	[smem:$0x3FD2] =	sst s25  }
0xac: {  	s5 =	sshll.u32 s26, $0x1;
	_ =	strace $0x80000046;
	[dreg:$0x1] =	wrdreg $0xFFFFFFFF  }
0xad: {  	s28 =	simm.s32 $_size_execute0_lowered;
	s3 =	sadd.s32 s3, s5;
	[dreg:$0x0] =	wrdreg $0x0  }
0xae: {  	s5 =	sshll.u32 s28, $0x1;
	[dreg:$0x2] =	wrdreg s3  }
0xaf: {  	[dreg:$0x3] =	wrdreg s5  }
0xb0: {  	[dreg:$0x4] =	wrdreg $0xC0  }
0xb1: {  	_ =	task [dreg:s7], $0x5FFFF  }
0xb2: {  	[dreg:$0x1] =	wrdreg $0xFFFFFFFF  }
0xb3: {  	[dreg:$0x0] =	wrdreg $0x60  }
0xb4: {  	[dreg:$0x2] =	wrdreg s24  }
0xb5: {  	[dreg:$0x3] =	wrdreg s16  }
0xb6: {  	[dreg:$0x4] =	wrdreg $0x9  }
0xb7: {  	_ =	task.clear_ibuf [dreg:s7], $0x5FFFF;
	_ =	strace $0x90000046  }
0xb8: {  	s29 =	simm.s32 $0x9;
	_ =	strace $0x80000048  }
0xb9: {  	_ =	swait.ge [sflag:s29], $0x1  }
0xba: {  	[sflag:s29] =	ssyncadd.s32 $0xFFFFFFFF  }
0xbb: {  	_ =	strace $0x90000048  }
0xbc: {  	_ =	sfence  }
0xbd: {  	s30 =	sld [smem:$0x0];
	_ =	sdelay $0x2  }
0xbe: {  	s31 =	sshll.u32 s1, $0xD;
	s1 =	sshrl.u32 s1, $0x2  }
0xbf: {  	s3 =	sand.u32 $0x4000, s31;
	s1 =	sadd.s32 s1, s30  }
0xc0: {  	s0 =	sor.u32 s3, s0;
	s1 =	sshll.u32 s1, $0x11  }
0xc1: {  	s0 =	sor.u32 s1, s0  }
0xc2: {  	s0 =	sadd.s32 $0x8F2B, s0  }
0xc3: {  	[sflag:s0] =	ssyncadd.remote.s32 $0x1  }
0xc4: {  	_ =	sfence.sel $0xFFFF  }
0xc5: {  	[dreg:$0x0] =	wrdreg $0xFFFFFFFF;
	(pc) =	sbr.abs _section_cstart, $3  }
0xc6: {  	[dreg:$0x1] =	wrdreg $0xFFFFFFFF  }
0xc7: {  	_ =	task.clear_ibuf [dreg:s7], $0x2FFFF;
	_ =	strace $0x9FFFFFFF  }
0xc8: {  	(tm) =	ssettm $0x7FFFFFFF  }
0xc9: {  	_ =	shalt  }
tec
execute0_lowered:
.L_overlay_start_1:
0x0: {  	(tag) =	ssettag $0x1  }
0x1: {  	s4 =	rddreg [dreg:$0x0]  }
0x2: {  	s0 =	srdreg.scid;
	s5 =	rddreg [dreg:$0x1];
	s2 =	simm.s32 $0x0  }
0x3: {  	s10 =	simm.s32 $0x2;
	s11 =	simm.s32 $0x0;
	s3 =	sand.u32 $0x1, s0  }
0x4: {  	s0 =	stileid.u32;
	[smem:$0x7FF] =	sst s2;
	s1 =	sshll.u32 s3, $0x4  }
0x5: {  	s8 =	sshll.u32 s0, $0x7;
	s3 =	ssub.s32 $0x2, s3;
	s6 =	sor.u32 s0, s1  }
0x6: {  	s1 =	rddreg [dreg:$0x2];
	s7 =	sshrl.u32 s6, $0x3;
	s6 =	smul.u32 $0x4E2, s6  }
0x7: {  	s8 =	sand.u32 $0x380, s8;
	s9 =	sshrl.u32 s3, $0x1;
	s7 =	smul.u32 $0x13C00, s7  }
0x8: {  	_ =	strace $0x80000047;
	s31 =	ssub.s32 s3, s9;
	s9 =	simm.s32 $0x400  }
0x9: {  	s4 =	sadd.s32 s6, s4;
	s6 =	simm.s32 $0x1;
	s7 =	sor.u32 s8, s7  }
0xa: {  	s3 =	sadd.s32 $0x3000, s4;
	s8 =	simm.s32 $0x80;
	s7 =	sshrl.u32 s7, $0x3  }
0xb: {  	v0 =	vimm.f32 $0.0e+00;
	v1 =	vimm.f32 $1.000000000e+00;
	s4 =	sadd.s32 s5, s7;
	s5 =	smax.u32 s31, $0x1;
	s7 =	simm.s32 $0x2780  }
.LBB2_1:
0xc: {  	[tilespmem:s2], [sflag:$0x1] =	stream.linear.gather [hbm4b:s3+s2], $0x2710, $0x38;
	[tilespmem:$0x4F00] =	vst v63  }
0xd: {  	_ =	swait.ge [sflag:s6], $0x2710  }
0xe: {  	[sflag:s6] =	ssyncset.done $0x0  }
0xf: {  	s12 =	simm.s32 $0x0;
	[sflag:s6] =	ssyncadd.s32 $0xFFFFD8F0  }
.LBB2_2:
0x10: {  	p0 =	sne.s32 s12, $0x9C00  }
.Ltmp0:
0x11: {  	_ = 	snop;
	(pc) =	sbr.rel @p0 .LBB2_2-.Ltmp0, $3  }
0x12: {  	_ =	sdelay $0x1  }
0x13: {  	s13 =	sshra.s32 s12, $0x2  }
0x14: {  	s12 =	sadd.s32 $0x40, s12;
	[tilespmem:s13+$0x2780] =	vst v0  }
0x15: {  	s13 =	simm.s32 $0x0;
	s12 =	simm.s32 $0x40  }
.LBB2_4:
0x16: {  	p0 =	sne.s32 s12, $0x9C00;
	v2 =	vld [tilespmem:s13+$0x0];
	_ =	sdelay $0x3  }
.Ltmp1:
0x17: {  	(pc) =	sbr.rel @p0 .LBB2_4-.Ltmp1, $2  }
0x18: {  	_ =	sdelay $0x2  }
0x19: {  	s13 =	sshra.s32 s12, $0x2;
	s12 =	sadd.s32 $0x40, s12;
	[tilespmem:v2+s7+$0x0] =	vst.idx.add.f32.msk $0xffff, v1  }
0x1a: {  	v2 =	vld [tilespmem:s13+$0x0];
	_ =	sdelay $0x5  }
0x1b: {  	s11 =	sadd.s32 $0x1, s11  }
0x1c: {  	p0 =	sne.s32 s11, s5  }
.Ltmp2:
0x1d: {  	[tilespmem:v2+s7+$0x0] =	vst.idx.add.f32.msk $0xffff, v1;
	(pc) =	sbr.rel @p0 .LBB2_1-.Ltmp2, $4  }
0x1e: {  	[hbm4b:s4+s8] =	stream.strided.scatter [tilespmem:s7], [sflag:$0x2], $0x2780, s9, s8, $0x38;
	[tilespmem:$0x4F00] =	vst v63  }
0x1f: {  	_ =	swait.ge [sflag:s10], $0x2780  }
0x20: {  	[sflag:s10] =	ssyncset.done $0x0  }
0x21: {  	[sflag:s10] =	ssyncadd.s32 $0xFFFFD880  }
0x22: {  	_ =	sfence.sel $0x180000  }
0x23: {  	[bflag:$0x0] =	sbarrier.arrive $0xFFFF  }
0x24: {  	p0 =	sne.s32 s0, $0x0;
	_ =	strace $0x90000047  }
0x25: {  	s0 =	sadd.s32 @!p0 $0x100000, s1;
	[bflag:$0x2] =	sbarrier.arrive $0xFFFF  }
0x26: {  	[sflag:s0] =	ssyncadd.tile.s32 @!p0 $0x1;
	_ =	shalt  }
.Lfunc_end2:
_tile_overlayer_lowered:
.L_overlay_start_2:
0x27: {  	(tag) =	ssettag $0x2  }
0x28: {  	s0 =	rddreg [dreg:$0x0];
	s2 =	stileid.u32  }
0x29: {  	s1 =	rddreg [dreg:$0x1];
	p0 =	sne.s32 s2, $0x0  }
0x2a: {  	s3 =	rddreg [dreg:$0x2];
	[bflag:$0x3] =	sbarrier.arrive $0xFFFF;
	s2 =	simm.s32 @!p0 $0x1C02  }
0x2b: {  	[timem:s3], [sflag:s2] =	dma.local @!p0 [hbm:s0], s1  }
0x2c: {  	s0 =	simm.s32 @!p0 $0x2  }
0x2d: {  	_ =	swait.ge @!p0 [sflag:s0], s1  }
0x2e: {  	s1 =	ssub.s32 @!p0 $0x0, s1;
	[sflag:s0] =	ssyncset.done @!p0 $0x0  }
0x2f: {  	[sflag:s0] =	ssyncadd.s32 @!p0 s1  }
0x30: {  	[bflag:$0x3] =	sbarrier.arrive $0xFFFF  }
0x31: {  	_ =	shalt  }

// kernel: _run.13.cloned.1.call-start
scs
__scs_entry_jumppad:
0x0: {  	(pc) =	sbr.rel $0x88, $3  }
0x1: {  	(tag) =	ssettag $0x0;
	lr =	simm.s32 $0x1  }
0x2: {  	[smem:$0x3F97] =	sst lr;
	_ =	strace $0xD0000000  }
0x3: {  	_ = 	snop  }
0x4: {  	_ = 	snop  }
0x5: {  	_ = 	snop  }
0x6: {  	_ = 	snop  }
0x7: {  	_ = 	snop  }
__scs_overlays_trampoline_lowered:
0x8: {  	[smem:$0x3FA6] =	sst s0  }
0x9: {  	[smem:$0x3FA7] =	sst s1  }
0xa: {  	[smem:$0x3FA8] =	sst s2  }
0xb: {  	[smem:$0x3FA9] =	sst s3  }
0xc: {  	[smem:$0x3FAA] =	sst s4  }
0xd: {  	[smem:$0x3FAB] =	sst s5  }
0xe: {  	[smem:$0x3FAC] =	sst s6  }
0xf: {  	[smem:$0x3FAD] =	sst s7  }
0x10: {  	[smem:$0x3FAE] =	sst s8  }
0x11: {  	[smem:$0x3FAF] =	sst s9;
	s0 =	simm.s32 @!p0 $0x0  }
0x12: {  	s1 =	sld [smem:$0x3F95];
	s0 =	simm.s32 @p0 $0x1  }
0x13: {  	[smem:$0x3FB0] =	sst s0;
	s0 =	simm.s32 @!p1 $0x0  }
0x14: {  	s2 =	sld [smem:$0x3F94];
	s0 =	simm.s32 @p1 $0x1  }
0x15: {  	[smem:$0x3FB1] =	sst s0;
	s0 =	simm.s32 @!p2 $0x0  }
0x16: {  	s3 =	sld [smem:$0x3FDB];
	s0 =	simm.s32 @p2 $0x1  }
0x17: {  	s4 =	simm.s32 $0x1BF5;
	[smem:$0x3FB3] =	sst s0  }
0x18: {  	s0 =	sld [smem:$0x3F96];
	_ =	swait.ge [sflag:s4], $0x0  }
0x19: {  	s7 =	sld [smem:$0x3F97]  }
0x1a: {  	s8 =	sadd.s32 $0xFFFFE003, lr  }
0x1b: {  	s9 =	sadd.s32 $0xFFFFFEF7, lr;
	s5 =	simm.s32 $0xFFFFFFFF;
	p2 =	slt.u32 s8, $0xFFFFF086  }
0x1c: {  	p1 =	slt.u32 s9, $0xF7A;
	s5 =	simm.s32 @!p2 $0x0  }
0x1d: {  	s5 =	simm.s32 @p1 $0x1;
	p0 =	seq.s32 s7, s2  }
0x1e: {  	s7 =	smul.u32 @!p0 $0xF7A, s2;
	p2 =	seq.s32 @!p0 s5, $0x0  }
0x1f: {  	s9 =	smul.u32 $0xF7A, s1;
	s8 =	simm.s32 @!p0 $0x1BF5;
	p2 =	por !p2, p0  }
0x20: {  	[sflag:s8] =	ssyncset.s32 @!p0 $0xFFFFF086;
	s6 =	sadd.s32 @!p0 s3, s7;
	s7 =	simm.s32 @!p0 $0x108  }
0x21: {  	s3 =	sadd.s32 s3, s9;
	s6 =	sadd.s32 @!p0 $0x88, s6;
	s7 =	simm.s32 @p2 $0x1082  }
0x22: {  	[simem:s7], [sflag:s8] =	dma.local @!p0 [hbm:s6], $0xF7A  }
0x23: {  	s9 =	sor.u32 $0xD0000000, s2;
	s6 =	simm.s32 $0x108;
	_ =	swait.ge @!p0 [sflag:s8], $0x0  }
0x24: {  	s3 =	sadd.s32 $0x88, s3;
	s6 =	simm.s32 @!p1 $0x1082;
	[sflag:s4] =	ssyncset.s32 $0xFFFFF086  }
0x25: {  	[simem:s6], [sflag:s4] =	dma.local [hbm:s3], $0xF7A  }
0x26: {  	[smem:$0x3F97] =	sst s1;
	(tag) =	ssettag s2;
	_ =	strace s9  }
0x27: {  	s1 =	sld [smem:$0x3FA7]  }
0x28: {  	s2 =	sld [smem:$0x3FA8]  }
0x29: {  	s4 =	sld [smem:$0x3FAA]  }
0x2a: {  	p0 =	seq.s32 s5, $0x0;
	s5 =	sld [smem:$0x3FAB]  }
0x2b: {  	s6 =	sld [smem:$0x3FAC]  }
0x2c: {  	s7 =	sld [smem:$0x3FAD]  }
0x2d: {  	s3 =	simm.s32 $0x108;
	s8 =	sld [smem:$0x3FAE]  }
0x2e: {  	s3 =	simm.s32 @!p0 $0x1082;
	s9 =	sld [smem:$0x3FAF]  }
0x2f: {  	lr =	sadd.s32 s0, s3;
	s0 =	sld [smem:$0x3FA6]  }
0x30: {  	s3 =	sld [smem:$0x3FA9]  }
0x31: {  	[smem:$0x3FB2] =	sst s10  }
0x32: {  	s10 =	sld [smem:$0x3FB0];
	_ =	sdelay $0x3  }
0x33: {  	p0 =	seq.s32 s10, $0x1;
	s10 =	sld [smem:$0x3FB2];
	_ =	sdelay $0x3  }
0x34: {  	[smem:$0x3FB2] =	sst s10  }
0x35: {  	s10 =	sld [smem:$0x3FB1];
	_ =	sdelay $0x3  }
0x36: {  	p1 =	seq.s32 s10, $0x1;
	s10 =	sld [smem:$0x3FB2];
	_ =	sdelay $0x3  }
0x37: {  	[smem:$0x3FB2] =	sst s10  }
0x38: {  	s10 =	sld [smem:$0x3FB3]  }
0x39: {  	_ = 	snop;
	(pc) =	sbr.ind lr, $3  }
0x3a: {  	_ = 	snop  }
0x3b: {  	_ = 	snop  }
0x3c: {  	p2 =	seq.s32 s10, $0x1;
	s10 =	sld [smem:$0x3FB2]  }
0x3d: {  	_ =	shalt  }
0x3e: {  	_ =	shalt  }
0x3f: {  	_ =	shalt  }
0x40: {  	_ =	shalt  }
0x41: {  	_ =	shalt  }
0x42: {  	_ =	shalt  }
0x43: {  	_ =	shalt  }
0x44: {  	_ =	shalt  }
0x45: {  	_ =	shalt  }
0x46: {  	_ =	shalt  }
0x47: {  	_ =	shalt  }
0x48: {  	_ =	shalt  }
0x49: {  	_ =	shalt  }
0x4a: {  	_ =	shalt  }
0x4b: {  	_ =	shalt  }
0x4c: {  	_ =	shalt  }
0x4d: {  	_ =	shalt  }
0x4e: {  	_ =	shalt  }
0x4f: {  	_ =	shalt  }
0x50: {  	_ =	shalt  }
0x51: {  	_ =	shalt  }
0x52: {  	_ =	shalt  }
0x53: {  	_ =	shalt  }
0x54: {  	_ =	shalt  }
0x55: {  	_ =	shalt  }
0x56: {  	_ =	shalt  }
0x57: {  	_ =	shalt  }
0x58: {  	_ =	shalt  }
0x59: {  	_ =	shalt  }
0x5a: {  	_ =	shalt  }
0x5b: {  	_ =	shalt  }
0x5c: {  	_ =	shalt  }
0x5d: {  	_ =	shalt  }
0x5e: {  	_ =	shalt  }
0x5f: {  	_ =	shalt  }
0x60: {  	_ =	shalt  }
0x61: {  	_ =	shalt  }
0x62: {  	_ =	shalt  }
0x63: {  	_ =	shalt  }
0x64: {  	_ =	shalt  }
0x65: {  	_ =	shalt  }
0x66: {  	_ =	shalt  }
0x67: {  	_ =	shalt  }
0x68: {  	_ =	shalt  }
0x69: {  	_ =	shalt  }
0x6a: {  	_ =	shalt  }
0x6b: {  	_ =	shalt  }
0x6c: {  	_ =	shalt  }
0x6d: {  	_ =	shalt  }
0x6e: {  	_ =	shalt  }
0x6f: {  	_ =	shalt  }
0x70: {  	_ =	shalt  }
0x71: {  	_ =	shalt  }
0x72: {  	_ =	shalt  }
0x73: {  	_ =	shalt  }
0x74: {  	_ =	shalt  }
0x75: {  	_ =	shalt  }
0x76: {  	_ =	shalt  }
0x77: {  	_ =	shalt  }
0x78: {  	_ =	shalt  }
0x79: {  	_ =	shalt  }
0x7a: {  	_ =	shalt  }
0x7b: {  	_ =	shalt  }
0x7c: {  	_ =	shalt  }
0x7d: {  	_ =	shalt  }
0x7e: {  	_ =	shalt  }
0x7f: {  	_ =	shalt  }
0x80: {  	_ =	shalt  }
0x81: {  	_ =	shalt  }
0x82: {  	_ =	shalt  }
0x83: {  	_ =	shalt  }
0x84: {  	_ =	shalt  }
0x85: {  	_ =	shalt  }
0x86: {  	_ =	shalt  }
0x87: {  	_ =	shalt  }
.Lfunc_end0:
.L_simem_size_0:
called_computation.1_lowered:
.L_overlay_start_0:
0x88: {  	s2 =	sld [smem:$0x3FD9]  }
0x89: {  	s3 =	sld [smem:$0x3FFE];
	_ =	sdelay $0x1  }
0x8a: {  	s1 =	srdreg.scid  }
0x8b: {  	s0 =	sand.u32 $0x1, s1  }
0x8c: {  	s14 =	sshll.u32 s0, $0xA;
	s2 =	sadd.s32 s3, s2  }
0x8d: {  	s2 =	sadd.s32 s2, s14  }
0x8e: {  	[smem:$0x3FBE] =	sst s2  }
0x8f: {  	_ = 	snop  }
0x90: {  	s2 =	sld [smem:$0x3FD0];
	_ =	sdelay $0x2  }
0x91: {  	s15 =	simm.s32 $0xA;
	s4 =	simm.s32 $0x10  }
0x92: {  	[smem:s4], [sflag:s15] =	dma.local [hbm:s2], $0x1  }
0x93: {  	_ =	swait.eq [sflag:s15], $0x1  }
0x94: {  	[sflag:s15] =	ssyncset.done $0x0  }
0x95: {  	[sflag:s15] =	ssyncadd.s32 $0xFFFFFFFF  }
0x96: {  	s16 =	sld [smem:$0x10];
	(tm) =	ssettm $0x1  }
0x97: {  	s17 =	sld [smem:$0x3FFB];
	_ =	sdelay $0x3  }
0x98: {  	_ =	strace s17  }
0x99: {  	s3 =	sld [smem:$0x3FFC];
	_ =	sdelay $0x3  }
0x9a: {  	_ =	strace s3  }
0x9b: {  	s3 =	sld [smem:$0x3FFD];
	_ =	sdelay $0x3  }
0x9c: {  	_ =	strace s3  }
0x9d: {  	_ =	strace $0x8FFFFFFF  }
0x9e: {  	s18 =	sld [smem:$0x3FDB];
	_ =	sdelay $0x1  }
0x9f: {  	s19 =	simm.s32 $_scs_section_size  }
0xa0: {  	s5 =	simm.s32 $_size__tile_overlayer_lowered;
	s6 =	simm.s32 $_tile_overlayer_lowered  }
0xa1: {  	s22 =	simm.s32 $0x1BFF;
	s21 =	sshll.u32 s6, $0x1;
	s3 =	sadd.s32 s19, s18  }
0xa2: {  	s7 =	simm.s32 $0x0;
	s20 =	sshll.u32 s5, $0x1;
	s5 =	sadd.s32 s21, s3  }
0xa3: {  	[timem:s7], [sflag:s22] =	dma.local [hbm:s5], s20  }
0xa4: {  	_ =	swait.ge [sflag:s22], s20  }
0xa5: {  	s4 =	ssub.s32 $0x0, s20;
	[sflag:s22] =	ssyncset.done $0x0  }
0xa6: {  	[sflag:s22] =	ssyncadd.s32 s4;
	_ =	sdelay $0x1  }
0xa7: {  	s23 =	simm.s32 $0x1B8B  }
0xa8: {  	_ =	swait.ge [sflag:s23], $0x1  }
0xa9: {  	[sflag:s23] =	ssyncset.done $0x0  }
0xaa: {  	s25 =	simm.s32 $0x1B8E;
	s24 =	sld [smem:$0x3FFE];
	[sflag:s23] =	ssyncadd.s32 $0xFFFFFFFF  }
0xab: {  	s26 =	simm.s32 $execute0_lowered;
	[smem:$0x3FD2] =	sst s25  }
0xac: {  	s5 =	sshll.u32 s26, $0x1;
	_ =	strace $0x80000049;
	[dreg:$0x1] =	wrdreg $0xFFFFFFFF  }
0xad: {  	s28 =	simm.s32 $_size_execute0_lowered;
	s3 =	sadd.s32 s3, s5;
	[dreg:$0x0] =	wrdreg $0x0  }
0xae: {  	s5 =	sshll.u32 s28, $0x1;
	[dreg:$0x2] =	wrdreg s3  }
0xaf: {  	[dreg:$0x3] =	wrdreg s5  }
0xb0: {  	[dreg:$0x4] =	wrdreg $0xC0  }
0xb1: {  	_ =	task [dreg:s7], $0x5FFFF  }
0xb2: {  	[dreg:$0x1] =	wrdreg $0xFFFFFFFF  }
0xb3: {  	[dreg:$0x0] =	wrdreg $0x60  }
0xb4: {  	[dreg:$0x2] =	wrdreg s24  }
0xb5: {  	[dreg:$0x3] =	wrdreg s16  }
0xb6: {  	[dreg:$0x4] =	wrdreg $0xA9000  }
0xb7: {  	[dreg:$0x5] =	wrdreg $0x9  }
0xb8: {  	_ =	task.clear_ibuf [dreg:s7], $0x6FFFF;
	_ =	strace $0x90000049  }
0xb9: {  	s29 =	simm.s32 $0x9;
	_ =	strace $0x8000004B  }
0xba: {  	_ =	swait.ge [sflag:s29], $0x1  }
0xbb: {  	[sflag:s29] =	ssyncadd.s32 $0xFFFFFFFF  }
0xbc: {  	_ =	strace $0x9000004B  }
0xbd: {  	_ =	sfence  }
0xbe: {  	s30 =	sld [smem:$0x0];
	_ =	sdelay $0x2  }
0xbf: {  	s31 =	sshll.u32 s1, $0xD;
	s1 =	sshrl.u32 s1, $0x2  }
0xc0: {  	s3 =	sand.u32 $0x4000, s31;
	s1 =	sadd.s32 s1, s30  }
0xc1: {  	s0 =	sor.u32 s3, s0;
	s1 =	sshll.u32 s1, $0x11  }
0xc2: {  	s0 =	sor.u32 s1, s0  }
0xc3: {  	s0 =	sadd.s32 $0x8F2B, s0  }
0xc4: {  	[sflag:s0] =	ssyncadd.remote.s32 $0x1  }
0xc5: {  	_ =	sfence.sel $0xFFFF  }
0xc6: {  	[dreg:$0x0] =	wrdreg $0xFFFFFFFF;
	(pc) =	sbr.abs _section_cstart, $3  }
0xc7: {  	[dreg:$0x1] =	wrdreg $0xFFFFFFFF  }
0xc8: {  	_ =	task.clear_ibuf [dreg:s7], $0x2FFFF;
	_ =	strace $0x9FFFFFFF  }
0xc9: {  	(tm) =	ssettm $0x7FFFFFFF  }
tec
execute0_lowered:
.L_overlay_start_1:
0x0: {  	(tag) =	ssettag $0x1  }
0x1: {  	s0 =	rddreg [dreg:$0x0]  }
0x2: {  	s3 =	rddreg [dreg:$0x1]  }
0x3: {  	s1 =	rddreg [dreg:$0x2];
	s2 =	simm.s32 $0x0  }
0x4: {  	s4 =	srdreg.scid;
	s21 =	stileid.u32;
	s28 =	simm.s32 $0x4000  }
0x5: {  	s29 =	simm.s32 $0xA780;
	s30 =	simm.s32 $0x2;
	s31 =	simm.s32 $0x4  }
0x6: {  	[smem:$0x7FF] =	sst s2;
	s7 =	sand.u32 $0x1, s4;
	s4 =	sadd.s32 $0xCE00, s0  }
0x7: {  	s6 =	smul.u32 $0x4E000, s21;
	s12 =	sadd.s32 $0x138000, s1;
	s14 =	sshll.u32 s21, $0x4  }
0x8: {  	p0 =	sne.s32 s21, $0xF;
	_ =	strace $0x8000004A;
	s5 =	sshll.u32 s7, $0x4  }
0x9: {  	s9 =	ssub.s32 $0x2, s7;
	s20 =	smul.u32 $0x138800, s7;
	s22 =	sor.u32 $0x9C00, s14  }
0xa: {  	s7 =	smul.u32 $0x27000, s7;
	s8 =	sor.u32 s21, s5;
	s6 =	sshrl.u32 s6, $0x2  }
0xb: {  	s5 =	sadd.s32 $0x3000, s0;
	s0 =	sadd.s32 $0x34000, s0;
	s6 =	sadd.s32 s6, s1  }
0xc: {  	s11 =	sshrl.u32 s9, $0x1;
	s10 =	smul.u32 $0x2700, s8;
	s16 =	sadd.s32 $0x4000, s6  }
0xd: {  	s9 =	ssub.s32 s9, s11;
	s17 =	sadd.s32 $0x8000, s6;
	[dreg:$0x5] =	wrdreg s16  }
0xe: {  	s24 =	sshrl.u32 s20, $0x3;
	s18 =	sadd.s32 $0xC000, s6;
	[dreg:$0x6] =	wrdreg s17  }
0xf: {  	p1 =	sgt.u32 s8, $0x3;
	s19 =	sadd.s32 $0x10000, s6;
	[dreg:$0x7] =	wrdreg s18  }
0x10: {  	s10 =	sshrl.u32 s10, $0x3;
	[dreg:$0x8] =	wrdreg s19;
	s17 =	smul.u32 $0x2700, s21  }
0x11: {  	s18 =	smax.u32 s9, $0x1;
	s15 =	sadd.s32 s3, s10;
	s13 =	sadd.s32 s5, s10  }
0x12: {  	s3 =	sadd.s32 s3, s22;
	s10 =	sadd.s32 s5, s22;
	[dreg:$0x4] =	wrdreg s15  }
0x13: {  	s22 =	simm.s32 $0x8000;
	s15 =	smul.u32 $0x13800, s21;
	[dreg:$0x9] =	wrdreg s3  }
0x14: {  	[dreg:$0xa] =	wrdreg s10;
	s25 =	sadd.s32 s17, s7;
	s19 =	sadd.s32 $0x4D0, s13  }
0x15: {  	s7 =	simm.s32 $0x0;
	s26 =	sshrl.u32 s25, $0x3;
	s9 =	sadd.s32 $0x100, s25  }
0x16: {  	s25 =	simm.s32 $0x80;
	s23 =	sadd.s32 s15, s20;
	s20 =	sadd.s32 s26, s5  }
0x17: {  	s26 =	simm.s32 $0xA700;
	s3 =	sshrl.u32 s23, $0x3;
	s23 =	simm.s32 $0x6  }
0x18: {  	s16 =	sadd.s32 s0, s3;
	s0 =	sadd.s32 s0, s24;
	s24 =	simm.s32 $0x1  }
0x19: {  	v0 =	vimm.f32 $0.0e+00;
	s3 =	simm.s32 $0x5;
	s17 =	sadd.s32 $0x27000, s0;
	s0 =	simm.s32 $0x3  }
.LBB2_1:
0x1a: {  	s8 =	rddreg [dreg:$0x4]  }
0x1b: {  	[tilespmem:s22], [sflag:$0x1] =	stream.linear.gather [hbm4b:s8+s2], $0x2700, $0x38;
	[tilespmem:$0x1E180] =	vst v63  }
0x1c: {  	s10 =	simm.s32 $0x200;
	s8 =	simm.s32 $0x0  }
.LBB2_2:
0x1d: {  	p2 =	sne.s32 s10, $0xFE00;
	[tilespmem:s8+$0x70] =	vst v0  }
0x1e: {  	[tilespmem:s8+$0x0] =	vst v0  }
0x1f: {  	[tilespmem:s8+$0x10] =	vst v0  }
.Ltmp0:
0x20: {  	[tilespmem:s8+$0x20] =	vst v0;
	(pc) =	sbr.rel @p2 .LBB2_2-.Ltmp0, $4  }
0x21: {  	[tilespmem:s8+$0x30] =	vst v0  }
0x22: {  	[tilespmem:s8+$0x40] =	vst v0  }
0x23: {  	[tilespmem:s8+$0x50] =	vst v0  }
0x24: {  	[tilespmem:s8+$0x60] =	vst v0;
	s8 =	sshra.s32 s10, $0x2;
	s10 =	sadd.s32 $0x200, s10  }
0x25: {  	[tilespmem:s8+$0x70] =	vst v0  }
0x26: {  	[tilespmem:s8+$0x0] =	vst v0  }
0x27: {  	[tilespmem:s8+$0x10] =	vst v0  }
0x28: {  	[tilespmem:s8+$0x20] =	vst v0  }
0x29: {  	[tilespmem:s8+$0x30] =	vst v0  }
0x2a: {  	[tilespmem:s8+$0x40] =	vst v0  }
0x2b: {  	[tilespmem:s8+$0x50] =	vst v0  }
0x2c: {  	[tilespmem:s8+$0x60] =	vst v0  }
0x2d: {  	[spmem:s6] =	stream.linear.scatter [tilespmem:s2], [sflag:$0x6], $0x4000, $0x38;
	[tilespmem:$0x1E180] =	vst v63  }
0x2e: {  	_ =	swait.ge [sflag:s23], $0x4000  }
0x2f: {  	[sflag:s23] =	ssyncset.done $0x0  }
0x30: {  	s14 =	rddreg [dreg:$0x5];
	[sflag:s23] =	ssyncadd.s32 $0xFFFFC000  }
0x31: {  	[spmem:s14] =	stream.linear.scatter [tilespmem:s2], [sflag:$0x6], $0x4000, $0x38;
	[tilespmem:$0x1E180] =	vst v63  }
0x32: {  	_ =	swait.ge [sflag:s23], $0x4000  }
0x33: {  	[sflag:s23] =	ssyncset.done $0x0  }
0x34: {  	s15 =	rddreg [dreg:$0x6];
	[sflag:s23] =	ssyncadd.s32 $0xFFFFC000  }
0x35: {  	[spmem:s15] =	stream.linear.scatter [tilespmem:s2], [sflag:$0x6], $0x4000, $0x38;
	[tilespmem:$0x1E180] =	vst v63  }
0x36: {  	_ =	swait.ge [sflag:s23], $0x4000  }
0x37: {  	[sflag:s23] =	ssyncset.done $0x0  }
0x38: {  	s21 =	rddreg [dreg:$0x7];
	[sflag:s23] =	ssyncadd.s32 $0xFFFFC000  }
0x39: {  	[spmem:s21] =	stream.linear.scatter [tilespmem:s2], [sflag:$0x6], $0x4000, $0x38;
	[tilespmem:$0x1E180] =	vst v63  }
0x3a: {  	_ =	swait.ge [sflag:s23], $0x4000  }
0x3b: {  	[sflag:s23] =	ssyncset.done $0x0  }
0x3c: {  	s10 =	rddreg [dreg:$0x8];
	[sflag:s23] =	ssyncadd.s32 $0xFFFFC000  }
0x3d: {  	[spmem:s10] =	stream.linear.scatter [tilespmem:s2], [sflag:$0x6], $0x3800, $0x38;
	[tilespmem:$0x1E180] =	vst v63  }
0x3e: {  	_ =	swait.ge [sflag:s23], $0x3800  }
0x3f: {  	[sflag:s23] =	ssyncset.done $0x0  }
0x40: {  	s8 =	simm.s32 @!p0 $0x0;
	[sflag:s23] =	ssyncadd.s32 $0xFFFFC800  }
0x41: {  	[spmem:s12] =	stream.linear.scatter @!p0 [tilespmem:s8], [sflag:$0x6], $0x800, $0x38;
	[tilespmem:$0x1E180] =	vst v63  }
0x42: {  	s8 =	simm.s32 @!p0 $0x6  }
0x43: {  	_ =	swait.ge @!p0 [sflag:s8], $0x800  }
0x44: {  	[sflag:s8] =	ssyncset.done @!p0 $0x0  }
0x45: {  	[sflag:s8] =	ssyncadd.s32 @!p0 $0xFFFFF800  }
0x46: {  	_ =	swait.ge [sflag:s24], $0x2700  }
0x47: {  	[sflag:s24] =	ssyncset.done $0x0  }
0x48: {  	[sflag:s24] =	ssyncadd.s32 $0xFFFFD900  }
0x49: {  	[tilespmem:s2], [sflag:$0x2] =	stream.indirect.gather [hbm4b:s4+s25], $0x80, s22, s25, $0xb8;
	[tilespmem:$0x1E180] =	vst v63  }
0x4a: {  	_ = 	snop  }
0x4b: {  	[tilespmem:s26], [sflag:$0x4] =	stream.linear.gather [hbm4b:s13+s2], $0x80, $0x38;
	[tilespmem:$0x1E180] =	vst v63  }
0x4c: {  	s11 =	simm.s32 $0x8080;
	[bflag:$0x0] =	sbarrier.arrive $0xFFFF  }
0x4d: {  	[tilespmem:s28], [sflag:$0x3] =	stream.indirect.gather [hbm4b:s4+s25], $0x80, s11, s25, $0xb8;
	[tilespmem:$0x1E180] =	vst v63  }
0x4e: {  	s14 =	sadd.s32 $0x10, s20  }
0x4f: {  	[tilespmem:s29], [sflag:$0x5] =	stream.linear.gather [hbm4b:s14+s2], $0x80, $0x38;
	[tilespmem:$0x1E180] =	vst v63  }
0x50: {  	_ =	swait.ge [sflag:s30], $0x4000  }
0x51: {  	[sflag:s30] =	ssyncset.done $0x0  }
0x52: {  	[sflag:s30] =	ssyncadd.s32 $0xFFFFC000  }
0x53: {  	_ =	swait.ge [sflag:s31], $0x80  }
0x54: {  	[sflag:s31] =	ssyncset.done $0x0  }
0x55: {  	[sflag:s31] =	ssyncadd.s32 $0xFFFFFF80  }
0x56: {  	[spmem:s1] =	stream.indirect.scatter.add.f32 [tilespmem:s2], [sflag:$0x6], $0x80, s26, s25, $0xb8;
	[tilespmem:$0x1E180] =	vst v63  }
0x57: {  	_ =	swait.ge [sflag:s23], $0x4000  }
0x58: {  	[sflag:s23] =	ssyncset.done $0x0  }
0x59: {  	s15 =	simm.s32 $0x8100;
	s10 =	sshrl.u32 s9, $0x3;
	[sflag:s23] =	ssyncadd.s32 $0xFFFFC000  }
0x5a: {  	[tilespmem:s2], [sflag:$0x2] =	stream.indirect.gather [hbm4b:s4+s25], $0x80, s15, s25, $0xb8;
	[tilespmem:$0x1E180] =	vst v63  }
0x5b: {  	s21 =	sadd.s32 s5, s10  }
0x5c: {  	[tilespmem:s26], [sflag:$0x4] =	stream.linear.gather [hbm4b:s21+s2], $0x80, $0x38;
	[tilespmem:$0x1E180] =	vst v63  }
0x5d: {  	_ =	swait.ge [sflag:s0], $0x4000  }
0x5e: {  	[sflag:s0] =	ssyncset.done $0x0  }
0x5f: {  	[sflag:s0] =	ssyncadd.s32 $0xFFFFC000  }
0x60: {  	_ =	swait.ge [sflag:s3], $0x80  }
0x61: {  	[sflag:s3] =	ssyncset.done $0x0  }
0x62: {  	[sflag:s3] =	ssyncadd.s32 $0xFFFFFF80  }
0x63: {  	[spmem:s1] =	stream.indirect.scatter.add.f32 [tilespmem:s28], [sflag:$0x6], $0x80, s29, s25, $0xb8;
	[tilespmem:$0x1E180] =	vst v63  }
0x64: {  	s10 =	simm.s32 $0x30;
	s8 =	simm.s32 $0x8200;
	_ =	swait.ge [sflag:s23], $0x4000  }
0x65: {  	s11 =	simm.s32 $0x50;
	s21 =	smov.u32 s9;
	[sflag:s23] =	ssyncset.done $0x0  }
.LBB2_4:
0x66: {  	s14 =	sadd.s32 $0xFFFFFF80, s8  }
0x67: {  	[sflag:s23] =	ssyncadd.s32 $0xFFFFC000;
	s21 =	sadd.s32 $0x100, s21;
	s15 =	smov.u32 s11  }
0x68: {  	[tilespmem:s28], [sflag:$0x3] =	stream.indirect.gather [hbm4b:s4+s25], $0x80, s14, s25, $0xb8;
	[tilespmem:$0x1E180] =	vst v63  }
0x69: {  	p2 =	sne.s32 s11, $0x4B0;
	s11 =	sadd.s32 $0x20, s11;
	s10 =	sadd.s32 s10, s20  }
0x6a: {  	[tilespmem:s29], [sflag:$0x5] =	stream.linear.gather [hbm4b:s10+s2], $0x80, $0x38;
	[tilespmem:$0x1E180] =	vst v63  }
0x6b: {  	s10 =	smov.u32 s15;
	_ =	swait.ge [sflag:s30], $0x4000  }
0x6c: {  	[sflag:s30] =	ssyncset.done $0x0  }
0x6d: {  	[sflag:s30] =	ssyncadd.s32 $0xFFFFC000  }
0x6e: {  	_ =	swait.ge [sflag:s31], $0x80  }
0x6f: {  	[sflag:s31] =	ssyncset.done $0x0  }
0x70: {  	[sflag:s31] =	ssyncadd.s32 $0xFFFFFF80  }
0x71: {  	[spmem:s1] =	stream.indirect.scatter.add.f32 [tilespmem:s2], [sflag:$0x6], $0x80, s26, s25, $0xb8;
	[tilespmem:$0x1E180] =	vst v63  }
0x72: {  	_ =	swait.ge [sflag:s23], $0x4000  }
0x73: {  	[sflag:s23] =	ssyncset.done $0x0  }
0x74: {  	s14 =	sshrl.u32 s21, $0x3;
	[sflag:s23] =	ssyncadd.s32 $0xFFFFC000  }
0x75: {  	[tilespmem:s2], [sflag:$0x2] =	stream.indirect.gather [hbm4b:s4+s25], $0x80, s8, s25, $0xb8;
	[tilespmem:$0x1E180] =	vst v63  }
0x76: {  	s14 =	sadd.s32 s5, s14  }
0x77: {  	[tilespmem:s26], [sflag:$0x4] =	stream.linear.gather [hbm4b:s14+s2], $0x80, $0x38;
	[tilespmem:$0x1E180] =	vst v63  }
0x78: {  	_ =	swait.ge [sflag:s0], $0x4000  }
0x79: {  	[sflag:s0] =	ssyncset.done $0x0  }
0x7a: {  	[sflag:s0] =	ssyncadd.s32 $0xFFFFC000  }
0x7b: {  	_ =	swait.ge [sflag:s3], $0x80  }
.Ltmp1:
0x7c: {  	[sflag:s3] =	ssyncset.done $0x0;
	(pc) =	sbr.rel @p2 .LBB2_4-.Ltmp1, $4  }
0x7d: {  	[sflag:s3] =	ssyncadd.s32 $0xFFFFFF80  }
0x7e: {  	[spmem:s1] =	stream.indirect.scatter.add.f32 [tilespmem:s28], [sflag:$0x6], $0x80, s29, s25, $0xb8;
	[tilespmem:$0x1E180] =	vst v63  }
0x7f: {  	_ =	swait.ge [sflag:s23], $0x4000  }
0x80: {  	s8 =	sadd.s32 $0x100, s8;
	[sflag:s23] =	ssyncset.done $0x0  }
0x81: {  	s11 =	sadd.s32 $0xFFFFFF80, s8;
	[sflag:s23] =	ssyncadd.s32 $0xFFFFC000  }
0x82: {  	[tilespmem:s28], [sflag:$0x3] =	stream.indirect.gather [hbm4b:s4+s25], $0x80, s11, s25, $0xb8;
	[tilespmem:$0x1E180] =	vst v63  }
0x83: {  	s10 =	sadd.s32 s10, s20  }
0x84: {  	[tilespmem:s29], [sflag:$0x5] =	stream.linear.gather [hbm4b:s10+s2], $0x80, $0x38;
	[tilespmem:$0x1E180] =	vst v63  }
0x85: {  	_ =	swait.ge [sflag:s30], $0x4000  }
0x86: {  	[sflag:s30] =	ssyncset.done $0x0  }
0x87: {  	[sflag:s30] =	ssyncadd.s32 $0xFFFFC000  }
0x88: {  	_ =	swait.ge [sflag:s31], $0x80  }
0x89: {  	[sflag:s31] =	ssyncset.done $0x0  }
0x8a: {  	[sflag:s31] =	ssyncadd.s32 $0xFFFFFF80  }
0x8b: {  	[spmem:s1] =	stream.indirect.scatter.add.f32 [tilespmem:s2], [sflag:$0x6], $0x80, s26, s25, $0xb8;
	[tilespmem:$0x1E180] =	vst v63  }
0x8c: {  	_ =	swait.ge [sflag:s23], $0x4000  }
0x8d: {  	s21 =	sadd.s32 $0x100, s21;
	[sflag:s23] =	ssyncset.done $0x0  }
0x8e: {  	s10 =	sshrl.u32 s21, $0x3;
	[sflag:s23] =	ssyncadd.s32 $0xFFFFC000  }
0x8f: {  	[tilespmem:s2], [sflag:$0x2] =	stream.indirect.gather [hbm4b:s4+s25], $0x80, s8, s25, $0xb8;
	[tilespmem:$0x1E180] =	vst v63  }
0x90: {  	s11 =	sadd.s32 s5, s10  }
0x91: {  	[tilespmem:s26], [sflag:$0x4] =	stream.linear.gather [hbm4b:s11+s2], $0x80, $0x38;
	[tilespmem:$0x1E180] =	vst v63  }
0x92: {  	_ =	swait.ge [sflag:s0], $0x4000  }
0x93: {  	[sflag:s0] =	ssyncset.done $0x0  }
0x94: {  	[sflag:s0] =	ssyncadd.s32 $0xFFFFC000  }
0x95: {  	_ =	swait.ge [sflag:s3], $0x80  }
0x96: {  	[sflag:s3] =	ssyncset.done $0x0  }
0x97: {  	[sflag:s3] =	ssyncadd.s32 $0xFFFFFF80  }
0x98: {  	[spmem:s1] =	stream.indirect.scatter.add.f32 [tilespmem:s28], [sflag:$0x6], $0x80, s29, s25, $0xb8;
	[tilespmem:$0x1E180] =	vst v63  }
0x99: {  	_ =	swait.ge [sflag:s23], $0x4000  }
0x9a: {  	[sflag:s23] =	ssyncset.done $0x0  }
0x9b: {  	s14 =	simm.s32 $0xA680;
	[sflag:s23] =	ssyncadd.s32 $0xFFFFC000  }
0x9c: {  	[tilespmem:s28], [sflag:$0x3] =	stream.indirect.gather [hbm4b:s4+s25], $0x80, s14, s25, $0xb8;
	[tilespmem:$0x1E180] =	vst v63  }
0x9d: {  	_ = 	snop  }
0x9e: {  	[tilespmem:s29], [sflag:$0x5] =	stream.linear.gather [hbm4b:s19+s2], $0x80, $0x38;
	[tilespmem:$0x1E180] =	vst v63  }
0x9f: {  	_ =	swait.ge [sflag:s30], $0x4000  }
0xa0: {  	[sflag:s30] =	ssyncset.done $0x0  }
0xa1: {  	[sflag:s30] =	ssyncadd.s32 $0xFFFFC000  }
0xa2: {  	_ =	swait.ge [sflag:s31], $0x80  }
0xa3: {  	[sflag:s31] =	ssyncset.done $0x0  }
0xa4: {  	[sflag:s31] =	ssyncadd.s32 $0xFFFFFF80  }
0xa5: {  	[spmem:s1] =	stream.indirect.scatter.add.f32 [tilespmem:s2], [sflag:$0x6], $0x80, s26, s25, $0xb8;
	[tilespmem:$0x1E180] =	vst v63  }
0xa6: {  	_ =	swait.ge [sflag:s23], $0x4000  }
0xa7: {  	[sflag:s23] =	ssyncset.done $0x0  }
0xa8: {  	[sflag:s23] =	ssyncadd.s32 $0xFFFFC000  }
0xa9: {  	_ =	swait.ge [sflag:s0], $0x4000  }
0xaa: {  	[sflag:s0] =	ssyncset.done $0x0  }
0xab: {  	[sflag:s0] =	ssyncadd.s32 $0xFFFFC000  }
0xac: {  	_ =	swait.ge [sflag:s3], $0x80  }
0xad: {  	[sflag:s3] =	ssyncset.done $0x0  }
0xae: {  	[sflag:s3] =	ssyncadd.s32 $0xFFFFFF80  }
0xaf: {  	[spmem:s1] =	stream.indirect.scatter.add.f32 [tilespmem:s28], [sflag:$0x6], $0x80, s29, s25, $0xb8;
	[tilespmem:$0x1E180] =	vst v63  }
0xb0: {  	_ =	swait.ge [sflag:s23], $0x4000  }
0xb1: {  	s10 =	simm.s32 @!p1 $0xA800;
	[sflag:s23] =	ssyncset.done $0x0  }
0xb2: {  	s8 =	simm.s32 @!p1 $0x0;
	s11 =	rddreg [dreg:$0x9];
	[sflag:s23] =	ssyncadd.s32 $0xFFFFC000  }
0xb3: {  	[tilespmem:s10], [sflag:$0x6] =	stream.linear.gather @!p1 [hbm4b:s11+s8], $0x80, $0x38;
	[tilespmem:$0x1E180] =	vst v63  }
0xb4: {  	s11 =	simm.s32 @!p1 $0x6  }
0xb5: {  	_ =	swait.ge @!p1 [sflag:s11], $0x80  }
0xb6: {  	[sflag:s11] =	ssyncset.done @!p1 $0x0  }
0xb7: {  	s14 =	simm.s32 @!p1 $0xA880;
	s15 =	rddreg [dreg:$0xa];
	[sflag:s11] =	ssyncadd.s32 @!p1 $0xFFFFFF80  }
0xb8: {  	[tilespmem:s14], [sflag:$0x6] =	stream.linear.gather @!p1 [hbm4b:s15+s8], $0x80, $0x38;
	[tilespmem:$0x1E180] =	vst v63  }
0xb9: {  	_ =	swait.ge @!p1 [sflag:s11], $0x80  }
0xba: {  	[sflag:s11] =	ssyncset.done @!p1 $0x0  }
0xbb: {  	s15 =	simm.s32 @!p1 $0x80;
	[sflag:s11] =	ssyncadd.s32 @!p1 $0xFFFFFF80  }
0xbc: {  	[tilespmem:s8], [sflag:$0x2] =	stream.indirect.gather @!p1 [hbm4b:s4+s15], $0x80, s10, s15, $0xb8;
	[tilespmem:$0x1E180] =	vst v63  }
0xbd: {  	s10 =	simm.s32 @!p1 $0x2  }
0xbe: {  	_ =	swait.ge @!p1 [sflag:s10], $0x4000  }
0xbf: {  	[sflag:s10] =	ssyncset.done @!p1 $0x0  }
0xc0: {  	[sflag:s10] =	ssyncadd.s32 @!p1 $0xFFFFC000  }
0xc1: {  	[spmem:s1] =	stream.indirect.scatter.add.f32 @!p1 [tilespmem:s8], [sflag:$0x6], $0x80, s14, s15, $0xb8;
	[tilespmem:$0x1E180] =	vst v63  }
0xc2: {  	_ =	swait.ge @!p1 [sflag:s11], $0x4000  }
0xc3: {  	s15 =	stileid.u32;
	[sflag:s11] =	ssyncset.done @!p1 $0x0  }
0xc4: {  	s8 =	sshll.u32 s15, $0x6;
	[sflag:s11] =	ssyncadd.s32 @!p1 $0xFFFFC000  }
0xc5: {  	s21 =	sshrl.u32 s6, $0x3;
	s8 =	sor.u32 $0x1C06, s8;
	[bflag:$0x0] =	sbarrier.arrive $0xFFFF  }
0xc6: {  	[hbm:s16], [sflag:s8] =	dma.local [spmem:s21], $0x2700  }
0xc7: {  	_ =	swait.ge [sflag:s23], $0x2700  }
0xc8: {  	s7 =	sadd.s32 $0x1, s7;
	[sflag:s23] =	ssyncset.done $0x0  }
0xc9: {  	p2 =	sne.s32 s7, s18;
	s10 =	sshrl.u32 @!p0 s12, $0x3;
	[sflag:s23] =	ssyncadd.s32 $0xFFFFD900  }
0xca: {  	[hbm:s17], [sflag:s8] =	dma.local @!p0 [spmem:s10], $0x100  }
.Ltmp2:
0xcb: {  	_ = 	snop;
	(pc) =	sbr.rel @p2 .LBB2_1-.Ltmp2, $4  }
0xcc: {  	s8 =	simm.s32 @!p0 $0x6  }
0xcd: {  	_ =	swait.ge @!p0 [sflag:s8], $0x100  }
0xce: {  	[sflag:s8] =	ssyncset.done @!p0 $0x0  }
0xcf: {  	[sflag:s8] =	ssyncadd.s32 @!p0 $0xFFFFFF00  }
0xd0: {  	_ =	sfence.sel $0x180000  }
0xd1: {  	[bflag:$0x0] =	sbarrier.arrive $0xFFFF  }
0xd2: {  	_ =	strace $0x9000004A  }
0xd3: {  	s0 =	stileid.u32;
	[bflag:$0x2] =	sbarrier.arrive $0xFFFF  }
0xd4: {  	p0 =	sne.s32 s0, $0x0;
	s0 =	rddreg [dreg:$0x3]  }
0xd5: {  	s0 =	sadd.s32 @!p0 $0x100000, s0  }
0xd6: {  	[sflag:s0] =	ssyncadd.tile.s32 @!p0 $0x1;
	_ =	shalt  }
.Lfunc_end2:
_tile_overlayer_lowered:
.L_overlay_start_2:
0xd7: {  	(tag) =	ssettag $0x2  }
0xd8: {  	s0 =	rddreg [dreg:$0x0];
	s2 =	stileid.u32  }
0xd9: {  	s1 =	rddreg [dreg:$0x1];
	p0 =	sne.s32 s2, $0x0  }
0xda: {  	s3 =	rddreg [dreg:$0x2];
	[bflag:$0x3] =	sbarrier.arrive $0xFFFF;
	s2 =	simm.s32 @!p0 $0x1C06  }
0xdb: {  	[timem:s3], [sflag:s2] =	dma.local @!p0 [hbm:s0], s1  }
0xdc: {  	s0 =	simm.s32 @!p0 $0x6  }
0xdd: {  	_ =	swait.ge @!p0 [sflag:s0], s1  }
0xde: {  	s1 =	ssub.s32 @!p0 $0x0, s1;
	[sflag:s0] =	ssyncset.done @!p0 $0x0  }
0xdf: {  	[sflag:s0] =	ssyncadd.s32 @!p0 s1  }
0xe0: {  	[bflag:$0x3] =	sbarrier.arrive $0xFFFF  }
0xe1: {  	_ =	shalt  }

// kernel: _run.16.cloned.1.call-start
scs
__scs_entry_jumppad:
0x0: {  	(pc) =	sbr.rel $0x88, $3  }
0x1: {  	(tag) =	ssettag $0x0;
	lr =	simm.s32 $0x1  }
0x2: {  	[smem:$0x3F97] =	sst lr;
	_ =	strace $0xD0000000  }
0x3: {  	_ = 	snop  }
0x4: {  	_ = 	snop  }
0x5: {  	_ = 	snop  }
0x6: {  	_ = 	snop  }
0x7: {  	_ = 	snop  }
__scs_overlays_trampoline_lowered:
0x8: {  	[smem:$0x3FA6] =	sst s0  }
0x9: {  	[smem:$0x3FA7] =	sst s1  }
0xa: {  	[smem:$0x3FA8] =	sst s2  }
0xb: {  	[smem:$0x3FA9] =	sst s3  }
0xc: {  	[smem:$0x3FAA] =	sst s4  }
0xd: {  	[smem:$0x3FAB] =	sst s5  }
0xe: {  	[smem:$0x3FAC] =	sst s6  }
0xf: {  	[smem:$0x3FAD] =	sst s7  }
0x10: {  	[smem:$0x3FAE] =	sst s8  }
0x11: {  	[smem:$0x3FAF] =	sst s9;
	s0 =	simm.s32 @!p0 $0x0  }
0x12: {  	s1 =	sld [smem:$0x3F95];
	s0 =	simm.s32 @p0 $0x1  }
0x13: {  	[smem:$0x3FB0] =	sst s0;
	s0 =	simm.s32 @!p1 $0x0  }
0x14: {  	s2 =	sld [smem:$0x3F94];
	s0 =	simm.s32 @p1 $0x1  }
0x15: {  	[smem:$0x3FB1] =	sst s0;
	s0 =	simm.s32 @!p2 $0x0  }
0x16: {  	s3 =	sld [smem:$0x3FDB];
	s0 =	simm.s32 @p2 $0x1  }
0x17: {  	s4 =	simm.s32 $0x1BF5;
	[smem:$0x3FB3] =	sst s0  }
0x18: {  	s0 =	sld [smem:$0x3F96];
	_ =	swait.ge [sflag:s4], $0x0  }
0x19: {  	s7 =	sld [smem:$0x3F97]  }
0x1a: {  	s8 =	sadd.s32 $0xFFFFE003, lr  }
0x1b: {  	s9 =	sadd.s32 $0xFFFFFEF7, lr;
	s5 =	simm.s32 $0xFFFFFFFF;
	p2 =	slt.u32 s8, $0xFFFFF086  }
0x1c: {  	p1 =	slt.u32 s9, $0xF7A;
	s5 =	simm.s32 @!p2 $0x0  }
0x1d: {  	s5 =	simm.s32 @p1 $0x1;
	p0 =	seq.s32 s7, s2  }
0x1e: {  	s7 =	smul.u32 @!p0 $0xF7A, s2;
	p2 =	seq.s32 @!p0 s5, $0x0  }
0x1f: {  	s9 =	smul.u32 $0xF7A, s1;
	s8 =	simm.s32 @!p0 $0x1BF5;
	p2 =	por !p2, p0  }
0x20: {  	[sflag:s8] =	ssyncset.s32 @!p0 $0xFFFFF086;
	s6 =	sadd.s32 @!p0 s3, s7;
	s7 =	simm.s32 @!p0 $0x108  }
0x21: {  	s3 =	sadd.s32 s3, s9;
	s6 =	sadd.s32 @!p0 $0x88, s6;
	s7 =	simm.s32 @p2 $0x1082  }
0x22: {  	[simem:s7], [sflag:s8] =	dma.local @!p0 [hbm:s6], $0xF7A  }
0x23: {  	s9 =	sor.u32 $0xD0000000, s2;
	s6 =	simm.s32 $0x108;
	_ =	swait.ge @!p0 [sflag:s8], $0x0  }
0x24: {  	s3 =	sadd.s32 $0x88, s3;
	s6 =	simm.s32 @!p1 $0x1082;
	[sflag:s4] =	ssyncset.s32 $0xFFFFF086  }
0x25: {  	[simem:s6], [sflag:s4] =	dma.local [hbm:s3], $0xF7A  }
0x26: {  	[smem:$0x3F97] =	sst s1;
	(tag) =	ssettag s2;
	_ =	strace s9  }
0x27: {  	s1 =	sld [smem:$0x3FA7]  }
0x28: {  	s2 =	sld [smem:$0x3FA8]  }
0x29: {  	s4 =	sld [smem:$0x3FAA]  }
0x2a: {  	p0 =	seq.s32 s5, $0x0;
	s5 =	sld [smem:$0x3FAB]  }
0x2b: {  	s6 =	sld [smem:$0x3FAC]  }
0x2c: {  	s7 =	sld [smem:$0x3FAD]  }
0x2d: {  	s3 =	simm.s32 $0x108;
	s8 =	sld [smem:$0x3FAE]  }
0x2e: {  	s3 =	simm.s32 @!p0 $0x1082;
	s9 =	sld [smem:$0x3FAF]  }
0x2f: {  	lr =	sadd.s32 s0, s3;
	s0 =	sld [smem:$0x3FA6]  }
0x30: {  	s3 =	sld [smem:$0x3FA9]  }
0x31: {  	[smem:$0x3FB2] =	sst s10  }
0x32: {  	s10 =	sld [smem:$0x3FB0];
	_ =	sdelay $0x3  }
0x33: {  	p0 =	seq.s32 s10, $0x1;
	s10 =	sld [smem:$0x3FB2];
	_ =	sdelay $0x3  }
0x34: {  	[smem:$0x3FB2] =	sst s10  }
0x35: {  	s10 =	sld [smem:$0x3FB1];
	_ =	sdelay $0x3  }
0x36: {  	p1 =	seq.s32 s10, $0x1;
	s10 =	sld [smem:$0x3FB2];
	_ =	sdelay $0x3  }
0x37: {  	[smem:$0x3FB2] =	sst s10  }
0x38: {  	s10 =	sld [smem:$0x3FB3]  }
0x39: {  	_ = 	snop;
	(pc) =	sbr.ind lr, $3  }
0x3a: {  	_ = 	snop  }
0x3b: {  	_ = 	snop  }
0x3c: {  	p2 =	seq.s32 s10, $0x1;
	s10 =	sld [smem:$0x3FB2]  }
0x3d: {  	_ =	shalt  }
0x3e: {  	_ =	shalt  }
0x3f: {  	_ =	shalt  }
0x40: {  	_ =	shalt  }
0x41: {  	_ =	shalt  }
0x42: {  	_ =	shalt  }
0x43: {  	_ =	shalt  }
0x44: {  	_ =	shalt  }
0x45: {  	_ =	shalt  }
0x46: {  	_ =	shalt  }
0x47: {  	_ =	shalt  }
0x48: {  	_ =	shalt  }
0x49: {  	_ =	shalt  }
0x4a: {  	_ =	shalt  }
0x4b: {  	_ =	shalt  }
0x4c: {  	_ =	shalt  }
0x4d: {  	_ =	shalt  }
0x4e: {  	_ =	shalt  }
0x4f: {  	_ =	shalt  }
0x50: {  	_ =	shalt  }
0x51: {  	_ =	shalt  }
0x52: {  	_ =	shalt  }
0x53: {  	_ =	shalt  }
0x54: {  	_ =	shalt  }
0x55: {  	_ =	shalt  }
0x56: {  	_ =	shalt  }
0x57: {  	_ =	shalt  }
0x58: {  	_ =	shalt  }
0x59: {  	_ =	shalt  }
0x5a: {  	_ =	shalt  }
0x5b: {  	_ =	shalt  }
0x5c: {  	_ =	shalt  }
0x5d: {  	_ =	shalt  }
0x5e: {  	_ =	shalt  }
0x5f: {  	_ =	shalt  }
0x60: {  	_ =	shalt  }
0x61: {  	_ =	shalt  }
0x62: {  	_ =	shalt  }
0x63: {  	_ =	shalt  }
0x64: {  	_ =	shalt  }
0x65: {  	_ =	shalt  }
0x66: {  	_ =	shalt  }
0x67: {  	_ =	shalt  }
0x68: {  	_ =	shalt  }
0x69: {  	_ =	shalt  }
0x6a: {  	_ =	shalt  }
0x6b: {  	_ =	shalt  }
0x6c: {  	_ =	shalt  }
0x6d: {  	_ =	shalt  }
0x6e: {  	_ =	shalt  }
0x6f: {  	_ =	shalt  }
0x70: {  	_ =	shalt  }
0x71: {  	_ =	shalt  }
0x72: {  	_ =	shalt  }
0x73: {  	_ =	shalt  }
0x74: {  	_ =	shalt  }
0x75: {  	_ =	shalt  }
0x76: {  	_ =	shalt  }
0x77: {  	_ =	shalt  }
0x78: {  	_ =	shalt  }
0x79: {  	_ =	shalt  }
0x7a: {  	_ =	shalt  }
0x7b: {  	_ =	shalt  }
0x7c: {  	_ =	shalt  }
0x7d: {  	_ =	shalt  }
0x7e: {  	_ =	shalt  }
0x7f: {  	_ =	shalt  }
0x80: {  	_ =	shalt  }
0x81: {  	_ =	shalt  }
0x82: {  	_ =	shalt  }
0x83: {  	_ =	shalt  }
0x84: {  	_ =	shalt  }
0x85: {  	_ =	shalt  }
0x86: {  	_ =	shalt  }
0x87: {  	_ =	shalt  }
.Lfunc_end0:
.L_simem_size_0:
called_computation.2_lowered:
.L_overlay_start_0:
0x88: {  	s2 =	sld [smem:$0x3FD9]  }
0x89: {  	s3 =	sld [smem:$0x3FFE];
	_ =	sdelay $0x1  }
0x8a: {  	s1 =	srdreg.scid  }
0x8b: {  	s0 =	sand.u32 $0x1, s1  }
0x8c: {  	s14 =	sshll.u32 s0, $0xA;
	s2 =	sadd.s32 s3, s2  }
0x8d: {  	s2 =	sadd.s32 s2, s14  }
0x8e: {  	[smem:$0x3FBE] =	sst s2  }
0x8f: {  	_ = 	snop  }
0x90: {  	s2 =	sld [smem:$0x3FD0];
	_ =	sdelay $0x2  }
0x91: {  	s15 =	simm.s32 $0xA;
	s4 =	simm.s32 $0x10  }
0x92: {  	[smem:s4], [sflag:s15] =	dma.local [hbm:s2], $0x1  }
0x93: {  	_ =	swait.eq [sflag:s15], $0x1  }
0x94: {  	[sflag:s15] =	ssyncset.done $0x0  }
0x95: {  	[sflag:s15] =	ssyncadd.s32 $0xFFFFFFFF  }
0x96: {  	s16 =	sld [smem:$0x10];
	(tm) =	ssettm $0x1  }
0x97: {  	s17 =	sld [smem:$0x3FFB];
	_ =	sdelay $0x3  }
0x98: {  	_ =	strace s17  }
0x99: {  	s3 =	sld [smem:$0x3FFC];
	_ =	sdelay $0x3  }
0x9a: {  	_ =	strace s3  }
0x9b: {  	s3 =	sld [smem:$0x3FFD];
	_ =	sdelay $0x3  }
0x9c: {  	_ =	strace s3  }
0x9d: {  	_ =	strace $0x8FFFFFFF  }
0x9e: {  	s18 =	sld [smem:$0x3FDB];
	_ =	sdelay $0x1  }
0x9f: {  	s19 =	simm.s32 $_scs_section_size  }
0xa0: {  	s5 =	simm.s32 $_size__tile_overlayer_lowered;
	s6 =	simm.s32 $_tile_overlayer_lowered  }
0xa1: {  	s22 =	simm.s32 $0x1BFF;
	s21 =	sshll.u32 s6, $0x1;
	s3 =	sadd.s32 s19, s18  }
0xa2: {  	s7 =	simm.s32 $0x0;
	s20 =	sshll.u32 s5, $0x1;
	s5 =	sadd.s32 s21, s3  }
0xa3: {  	[timem:s7], [sflag:s22] =	dma.local [hbm:s5], s20  }
0xa4: {  	_ =	swait.ge [sflag:s22], s20  }
0xa5: {  	s4 =	ssub.s32 $0x0, s20;
	[sflag:s22] =	ssyncset.done $0x0  }
0xa6: {  	[sflag:s22] =	ssyncadd.s32 s4;
	_ =	sdelay $0x1  }
0xa7: {  	s23 =	simm.s32 $0x1B8B  }
0xa8: {  	_ =	swait.ge [sflag:s23], $0x1  }
0xa9: {  	[sflag:s23] =	ssyncset.done $0x0  }
0xaa: {  	s25 =	simm.s32 $0x1B8E;
	s24 =	sld [smem:$0x3FFE];
	[sflag:s23] =	ssyncadd.s32 $0xFFFFFFFF  }
0xab: {  	s26 =	simm.s32 $execute0_lowered;
	[smem:$0x3FD2] =	sst s25  }
0xac: {  	s5 =	sshll.u32 s26, $0x1;
	_ =	strace $0x8000004C;
	[dreg:$0x1] =	wrdreg $0xFFFFFFFF  }
0xad: {  	s28 =	simm.s32 $_size_execute0_lowered;
	s3 =	sadd.s32 s3, s5;
	[dreg:$0x0] =	wrdreg $0x0  }
0xae: {  	s5 =	sshll.u32 s28, $0x1;
	[dreg:$0x2] =	wrdreg s3  }
0xaf: {  	[dreg:$0x3] =	wrdreg s5  }
0xb0: {  	[dreg:$0x4] =	wrdreg $0xC0  }
0xb1: {  	_ =	task [dreg:s7], $0x5FFFF  }
0xb2: {  	[dreg:$0x1] =	wrdreg $0xFFFFFFFF  }
0xb3: {  	[dreg:$0x0] =	wrdreg $0x60  }
0xb4: {  	[dreg:$0x2] =	wrdreg s24  }
0xb5: {  	[dreg:$0x3] =	wrdreg s16  }
0xb6: {  	[dreg:$0x4] =	wrdreg $0xA9000  }
0xb7: {  	[dreg:$0x5] =	wrdreg $0x9  }
0xb8: {  	_ =	task.clear_ibuf [dreg:s7], $0x6FFFF;
	_ =	strace $0x9000004C  }
0xb9: {  	s29 =	simm.s32 $0x9;
	_ =	strace $0x8000004E  }
0xba: {  	_ =	swait.ge [sflag:s29], $0x1  }
0xbb: {  	[sflag:s29] =	ssyncadd.s32 $0xFFFFFFFF  }
0xbc: {  	_ =	strace $0x9000004E  }
0xbd: {  	_ =	sfence  }
0xbe: {  	s30 =	sld [smem:$0x0];
	_ =	sdelay $0x2  }
0xbf: {  	s31 =	sshll.u32 s1, $0xD;
	s1 =	sshrl.u32 s1, $0x2  }
0xc0: {  	s3 =	sand.u32 $0x4000, s31;
	s1 =	sadd.s32 s1, s30  }
0xc1: {  	s0 =	sor.u32 s3, s0;
	s1 =	sshll.u32 s1, $0x11  }
0xc2: {  	s0 =	sor.u32 s1, s0  }
0xc3: {  	s0 =	sadd.s32 $0x8F2B, s0  }
0xc4: {  	[sflag:s0] =	ssyncadd.remote.s32 $0x1  }
0xc5: {  	_ =	sfence.sel $0xFFFF  }
0xc6: {  	[dreg:$0x0] =	wrdreg $0xFFFFFFFF;
	(pc) =	sbr.abs _section_cstart, $3  }
0xc7: {  	[dreg:$0x1] =	wrdreg $0xFFFFFFFF  }
0xc8: {  	_ =	task.clear_ibuf [dreg:s7], $0x2FFFF;
	_ =	strace $0x9FFFFFFF  }
0xc9: {  	(tm) =	ssettm $0x7FFFFFFF  }
tec
execute0_lowered:
.L_overlay_start_1:
0x0: {  	(tag) =	ssettag $0x1  }
0x1: {  	s0 =	rddreg [dreg:$0x0]  }
0x2: {  	s3 =	rddreg [dreg:$0x1]  }
0x3: {  	s1 =	rddreg [dreg:$0x2];
	s2 =	simm.s32 $0x0  }
0x4: {  	s4 =	srdreg.scid;
	s21 =	stileid.u32;
	s28 =	simm.s32 $0x4000  }
0x5: {  	s29 =	simm.s32 $0xA780;
	s30 =	simm.s32 $0x2;
	s31 =	simm.s32 $0x4  }
0x6: {  	[smem:$0x7FF] =	sst s2;
	s7 =	sand.u32 $0x1, s4;
	s4 =	sadd.s32 $0xCE00, s0  }
0x7: {  	s6 =	smul.u32 $0x4E000, s21;
	s12 =	sadd.s32 $0x138000, s1;
	s14 =	sshll.u32 s21, $0x4  }
0x8: {  	p0 =	sne.s32 s21, $0xF;
	_ =	strace $0x8000004D;
	s5 =	sshll.u32 s7, $0x4  }
0x9: {  	s9 =	ssub.s32 $0x2, s7;
	s20 =	smul.u32 $0x138800, s7;
	s22 =	sor.u32 $0x9C00, s14  }
0xa: {  	s7 =	smul.u32 $0x27000, s7;
	s8 =	sor.u32 s21, s5;
	s6 =	sshrl.u32 s6, $0x2  }
0xb: {  	s5 =	sadd.s32 $0x3000, s0;
	s0 =	sadd.s32 $0x34000, s0;
	s6 =	sadd.s32 s6, s1  }
0xc: {  	s11 =	sshrl.u32 s9, $0x1;
	s10 =	smul.u32 $0x2700, s8;
	s16 =	sadd.s32 $0x4000, s6  }
0xd: {  	s9 =	ssub.s32 s9, s11;
	s17 =	sadd.s32 $0x8000, s6;
	[dreg:$0x5] =	wrdreg s16  }
0xe: {  	s24 =	sshrl.u32 s20, $0x3;
	s18 =	sadd.s32 $0xC000, s6;
	[dreg:$0x6] =	wrdreg s17  }
0xf: {  	p1 =	sgt.u32 s8, $0x3;
	s19 =	sadd.s32 $0x10000, s6;
	[dreg:$0x7] =	wrdreg s18  }
0x10: {  	s10 =	sshrl.u32 s10, $0x3;
	[dreg:$0x8] =	wrdreg s19;
	s17 =	smul.u32 $0x2700, s21  }
0x11: {  	s18 =	smax.u32 s9, $0x1;
	s15 =	sadd.s32 s3, s10;
	s13 =	sadd.s32 s5, s10  }
0x12: {  	s3 =	sadd.s32 s3, s22;
	s10 =	sadd.s32 s5, s22;
	[dreg:$0x4] =	wrdreg s15  }
0x13: {  	s22 =	simm.s32 $0x8000;
	s15 =	smul.u32 $0x13800, s21;
	[dreg:$0x9] =	wrdreg s3  }
0x14: {  	[dreg:$0xa] =	wrdreg s10;
	s25 =	sadd.s32 s17, s7;
	s19 =	sadd.s32 $0x4D0, s13  }
0x15: {  	s7 =	simm.s32 $0x0;
	s26 =	sshrl.u32 s25, $0x3;
	s9 =	sadd.s32 $0x100, s25  }
0x16: {  	s25 =	simm.s32 $0x80;
	s23 =	sadd.s32 s15, s20;
	s20 =	sadd.s32 s26, s5  }
0x17: {  	s26 =	simm.s32 $0xA700;
	s3 =	sshrl.u32 s23, $0x3;
	s23 =	simm.s32 $0x6  }
0x18: {  	s16 =	sadd.s32 s0, s3;
	s0 =	sadd.s32 s0, s24;
	s24 =	simm.s32 $0x1  }
0x19: {  	v0 =	vimm.f32 $0.0e+00;
	s3 =	simm.s32 $0x5;
	s17 =	sadd.s32 $0x27000, s0;
	s0 =	simm.s32 $0x3  }
.LBB2_1:
0x1a: {  	s8 =	rddreg [dreg:$0x4]  }
0x1b: {  	[tilespmem:s22], [sflag:$0x1] =	stream.linear.gather [hbm4b:s8+s2], $0x2700, $0x38;
	[tilespmem:$0x1E180] =	vst v63  }
0x1c: {  	s10 =	simm.s32 $0x200;
	s8 =	simm.s32 $0x0  }
.LBB2_2:
0x1d: {  	p2 =	sne.s32 s10, $0xFE00;
	[tilespmem:s8+$0x70] =	vst v0  }
0x1e: {  	[tilespmem:s8+$0x0] =	vst v0  }
0x1f: {  	[tilespmem:s8+$0x10] =	vst v0  }
.Ltmp0:
0x20: {  	[tilespmem:s8+$0x20] =	vst v0;
	(pc) =	sbr.rel @p2 .LBB2_2-.Ltmp0, $4  }
0x21: {  	[tilespmem:s8+$0x30] =	vst v0  }
0x22: {  	[tilespmem:s8+$0x40] =	vst v0  }
0x23: {  	[tilespmem:s8+$0x50] =	vst v0  }
0x24: {  	[tilespmem:s8+$0x60] =	vst v0;
	s8 =	sshra.s32 s10, $0x2;
	s10 =	sadd.s32 $0x200, s10  }
0x25: {  	[tilespmem:s8+$0x70] =	vst v0  }
0x26: {  	[tilespmem:s8+$0x0] =	vst v0  }
0x27: {  	[tilespmem:s8+$0x10] =	vst v0  }
0x28: {  	[tilespmem:s8+$0x20] =	vst v0  }
0x29: {  	[tilespmem:s8+$0x30] =	vst v0  }
0x2a: {  	[tilespmem:s8+$0x40] =	vst v0  }
0x2b: {  	[tilespmem:s8+$0x50] =	vst v0  }
0x2c: {  	[tilespmem:s8+$0x60] =	vst v0  }
0x2d: {  	[spmem:s6] =	stream.linear.scatter [tilespmem:s2], [sflag:$0x6], $0x4000, $0x38;
	[tilespmem:$0x1E180] =	vst v63  }
0x2e: {  	_ =	swait.ge [sflag:s23], $0x4000  }
0x2f: {  	[sflag:s23] =	ssyncset.done $0x0  }
0x30: {  	s14 =	rddreg [dreg:$0x5];
	[sflag:s23] =	ssyncadd.s32 $0xFFFFC000  }
0x31: {  	[spmem:s14] =	stream.linear.scatter [tilespmem:s2], [sflag:$0x6], $0x4000, $0x38;
	[tilespmem:$0x1E180] =	vst v63  }
0x32: {  	_ =	swait.ge [sflag:s23], $0x4000  }
0x33: {  	[sflag:s23] =	ssyncset.done $0x0  }
0x34: {  	s15 =	rddreg [dreg:$0x6];
	[sflag:s23] =	ssyncadd.s32 $0xFFFFC000  }
0x35: {  	[spmem:s15] =	stream.linear.scatter [tilespmem:s2], [sflag:$0x6], $0x4000, $0x38;
	[tilespmem:$0x1E180] =	vst v63  }
0x36: {  	_ =	swait.ge [sflag:s23], $0x4000  }
0x37: {  	[sflag:s23] =	ssyncset.done $0x0  }
0x38: {  	s21 =	rddreg [dreg:$0x7];
	[sflag:s23] =	ssyncadd.s32 $0xFFFFC000  }
0x39: {  	[spmem:s21] =	stream.linear.scatter [tilespmem:s2], [sflag:$0x6], $0x4000, $0x38;
	[tilespmem:$0x1E180] =	vst v63  }
0x3a: {  	_ =	swait.ge [sflag:s23], $0x4000  }
0x3b: {  	[sflag:s23] =	ssyncset.done $0x0  }
0x3c: {  	s10 =	rddreg [dreg:$0x8];
	[sflag:s23] =	ssyncadd.s32 $0xFFFFC000  }
0x3d: {  	[spmem:s10] =	stream.linear.scatter [tilespmem:s2], [sflag:$0x6], $0x3800, $0x38;
	[tilespmem:$0x1E180] =	vst v63  }
0x3e: {  	_ =	swait.ge [sflag:s23], $0x3800  }
0x3f: {  	[sflag:s23] =	ssyncset.done $0x0  }
0x40: {  	s8 =	simm.s32 @!p0 $0x0;
	[sflag:s23] =	ssyncadd.s32 $0xFFFFC800  }
0x41: {  	[spmem:s12] =	stream.linear.scatter @!p0 [tilespmem:s8], [sflag:$0x6], $0x800, $0x38;
	[tilespmem:$0x1E180] =	vst v63  }
0x42: {  	s8 =	simm.s32 @!p0 $0x6  }
0x43: {  	_ =	swait.ge @!p0 [sflag:s8], $0x800  }
0x44: {  	[sflag:s8] =	ssyncset.done @!p0 $0x0  }
0x45: {  	[sflag:s8] =	ssyncadd.s32 @!p0 $0xFFFFF800  }
0x46: {  	_ =	swait.ge [sflag:s24], $0x2700  }
0x47: {  	[sflag:s24] =	ssyncset.done $0x0  }
0x48: {  	[sflag:s24] =	ssyncadd.s32 $0xFFFFD900  }
0x49: {  	[tilespmem:s2], [sflag:$0x2] =	stream.indirect.gather [hbm4b:s4+s25], $0x80, s22, s25, $0xb8;
	[tilespmem:$0x1E180] =	vst v63  }
0x4a: {  	_ = 	snop  }
0x4b: {  	[tilespmem:s26], [sflag:$0x4] =	stream.linear.gather [hbm4b:s13+s2], $0x80, $0x38;
	[tilespmem:$0x1E180] =	vst v63  }
0x4c: {  	s11 =	simm.s32 $0x8080;
	[bflag:$0x0] =	sbarrier.arrive $0xFFFF  }
0x4d: {  	[tilespmem:s28], [sflag:$0x3] =	stream.indirect.gather [hbm4b:s4+s25], $0x80, s11, s25, $0xb8;
	[tilespmem:$0x1E180] =	vst v63  }
0x4e: {  	s14 =	sadd.s32 $0x10, s20  }
0x4f: {  	[tilespmem:s29], [sflag:$0x5] =	stream.linear.gather [hbm4b:s14+s2], $0x80, $0x38;
	[tilespmem:$0x1E180] =	vst v63  }
0x50: {  	_ =	swait.ge [sflag:s30], $0x4000  }
0x51: {  	[sflag:s30] =	ssyncset.done $0x0  }
0x52: {  	[sflag:s30] =	ssyncadd.s32 $0xFFFFC000  }
0x53: {  	_ =	swait.ge [sflag:s31], $0x80  }
0x54: {  	[sflag:s31] =	ssyncset.done $0x0  }
0x55: {  	[sflag:s31] =	ssyncadd.s32 $0xFFFFFF80  }
0x56: {  	[spmem:s1] =	stream.indirect.scatter.add.f32 [tilespmem:s2], [sflag:$0x6], $0x80, s26, s25, $0xb8;
	[tilespmem:$0x1E180] =	vst v63  }
0x57: {  	_ =	swait.ge [sflag:s23], $0x4000  }
0x58: {  	[sflag:s23] =	ssyncset.done $0x0  }
0x59: {  	s15 =	simm.s32 $0x8100;
	s10 =	sshrl.u32 s9, $0x3;
	[sflag:s23] =	ssyncadd.s32 $0xFFFFC000  }
0x5a: {  	[tilespmem:s2], [sflag:$0x2] =	stream.indirect.gather [hbm4b:s4+s25], $0x80, s15, s25, $0xb8;
	[tilespmem:$0x1E180] =	vst v63  }
0x5b: {  	s21 =	sadd.s32 s5, s10  }
0x5c: {  	[tilespmem:s26], [sflag:$0x4] =	stream.linear.gather [hbm4b:s21+s2], $0x80, $0x38;
	[tilespmem:$0x1E180] =	vst v63  }
0x5d: {  	_ =	swait.ge [sflag:s0], $0x4000  }
0x5e: {  	[sflag:s0] =	ssyncset.done $0x0  }
0x5f: {  	[sflag:s0] =	ssyncadd.s32 $0xFFFFC000  }
0x60: {  	_ =	swait.ge [sflag:s3], $0x80  }
0x61: {  	[sflag:s3] =	ssyncset.done $0x0  }
0x62: {  	[sflag:s3] =	ssyncadd.s32 $0xFFFFFF80  }
0x63: {  	[spmem:s1] =	stream.indirect.scatter.add.f32 [tilespmem:s28], [sflag:$0x6], $0x80, s29, s25, $0xb8;
	[tilespmem:$0x1E180] =	vst v63  }
0x64: {  	s10 =	simm.s32 $0x30;
	s8 =	simm.s32 $0x8200;
	_ =	swait.ge [sflag:s23], $0x4000  }
0x65: {  	s11 =	simm.s32 $0x50;
	s21 =	smov.u32 s9;
	[sflag:s23] =	ssyncset.done $0x0  }
.LBB2_4:
0x66: {  	s14 =	sadd.s32 $0xFFFFFF80, s8  }
0x67: {  	[sflag:s23] =	ssyncadd.s32 $0xFFFFC000;
	s21 =	sadd.s32 $0x100, s21;
	s15 =	smov.u32 s11  }
0x68: {  	[tilespmem:s28], [sflag:$0x3] =	stream.indirect.gather [hbm4b:s4+s25], $0x80, s14, s25, $0xb8;
	[tilespmem:$0x1E180] =	vst v63  }
0x69: {  	p2 =	sne.s32 s11, $0x4B0;
	s11 =	sadd.s32 $0x20, s11;
	s10 =	sadd.s32 s10, s20  }
0x6a: {  	[tilespmem:s29], [sflag:$0x5] =	stream.linear.gather [hbm4b:s10+s2], $0x80, $0x38;
	[tilespmem:$0x1E180] =	vst v63  }
0x6b: {  	s10 =	smov.u32 s15;
	_ =	swait.ge [sflag:s30], $0x4000  }
0x6c: {  	[sflag:s30] =	ssyncset.done $0x0  }
0x6d: {  	[sflag:s30] =	ssyncadd.s32 $0xFFFFC000  }
0x6e: {  	_ =	swait.ge [sflag:s31], $0x80  }
0x6f: {  	[sflag:s31] =	ssyncset.done $0x0  }
0x70: {  	[sflag:s31] =	ssyncadd.s32 $0xFFFFFF80  }
0x71: {  	[spmem:s1] =	stream.indirect.scatter.add.f32 [tilespmem:s2], [sflag:$0x6], $0x80, s26, s25, $0xb8;
	[tilespmem:$0x1E180] =	vst v63  }
0x72: {  	_ =	swait.ge [sflag:s23], $0x4000  }
0x73: {  	[sflag:s23] =	ssyncset.done $0x0  }
0x74: {  	s14 =	sshrl.u32 s21, $0x3;
	[sflag:s23] =	ssyncadd.s32 $0xFFFFC000  }
0x75: {  	[tilespmem:s2], [sflag:$0x2] =	stream.indirect.gather [hbm4b:s4+s25], $0x80, s8, s25, $0xb8;
	[tilespmem:$0x1E180] =	vst v63  }
0x76: {  	s14 =	sadd.s32 s5, s14  }
0x77: {  	[tilespmem:s26], [sflag:$0x4] =	stream.linear.gather [hbm4b:s14+s2], $0x80, $0x38;
	[tilespmem:$0x1E180] =	vst v63  }
0x78: {  	_ =	swait.ge [sflag:s0], $0x4000  }
0x79: {  	[sflag:s0] =	ssyncset.done $0x0  }
0x7a: {  	[sflag:s0] =	ssyncadd.s32 $0xFFFFC000  }
0x7b: {  	_ =	swait.ge [sflag:s3], $0x80  }
.Ltmp1:
0x7c: {  	[sflag:s3] =	ssyncset.done $0x0;
	(pc) =	sbr.rel @p2 .LBB2_4-.Ltmp1, $4  }
0x7d: {  	[sflag:s3] =	ssyncadd.s32 $0xFFFFFF80  }
0x7e: {  	[spmem:s1] =	stream.indirect.scatter.add.f32 [tilespmem:s28], [sflag:$0x6], $0x80, s29, s25, $0xb8;
	[tilespmem:$0x1E180] =	vst v63  }
0x7f: {  	_ =	swait.ge [sflag:s23], $0x4000  }
0x80: {  	s8 =	sadd.s32 $0x100, s8;
	[sflag:s23] =	ssyncset.done $0x0  }
0x81: {  	s11 =	sadd.s32 $0xFFFFFF80, s8;
	[sflag:s23] =	ssyncadd.s32 $0xFFFFC000  }
0x82: {  	[tilespmem:s28], [sflag:$0x3] =	stream.indirect.gather [hbm4b:s4+s25], $0x80, s11, s25, $0xb8;
	[tilespmem:$0x1E180] =	vst v63  }
0x83: {  	s10 =	sadd.s32 s10, s20  }
0x84: {  	[tilespmem:s29], [sflag:$0x5] =	stream.linear.gather [hbm4b:s10+s2], $0x80, $0x38;
	[tilespmem:$0x1E180] =	vst v63  }
0x85: {  	_ =	swait.ge [sflag:s30], $0x4000  }
0x86: {  	[sflag:s30] =	ssyncset.done $0x0  }
0x87: {  	[sflag:s30] =	ssyncadd.s32 $0xFFFFC000  }
0x88: {  	_ =	swait.ge [sflag:s31], $0x80  }
0x89: {  	[sflag:s31] =	ssyncset.done $0x0  }
0x8a: {  	[sflag:s31] =	ssyncadd.s32 $0xFFFFFF80  }
0x8b: {  	[spmem:s1] =	stream.indirect.scatter.add.f32 [tilespmem:s2], [sflag:$0x6], $0x80, s26, s25, $0xb8;
	[tilespmem:$0x1E180] =	vst v63  }
0x8c: {  	_ =	swait.ge [sflag:s23], $0x4000  }
0x8d: {  	s21 =	sadd.s32 $0x100, s21;
	[sflag:s23] =	ssyncset.done $0x0  }
0x8e: {  	s10 =	sshrl.u32 s21, $0x3;
	[sflag:s23] =	ssyncadd.s32 $0xFFFFC000  }
0x8f: {  	[tilespmem:s2], [sflag:$0x2] =	stream.indirect.gather [hbm4b:s4+s25], $0x80, s8, s25, $0xb8;
	[tilespmem:$0x1E180] =	vst v63  }
0x90: {  	s11 =	sadd.s32 s5, s10  }
0x91: {  	[tilespmem:s26], [sflag:$0x4] =	stream.linear.gather [hbm4b:s11+s2], $0x80, $0x38;
	[tilespmem:$0x1E180] =	vst v63  }
0x92: {  	_ =	swait.ge [sflag:s0], $0x4000  }
0x93: {  	[sflag:s0] =	ssyncset.done $0x0  }
0x94: {  	[sflag:s0] =	ssyncadd.s32 $0xFFFFC000  }
0x95: {  	_ =	swait.ge [sflag:s3], $0x80  }
0x96: {  	[sflag:s3] =	ssyncset.done $0x0  }
0x97: {  	[sflag:s3] =	ssyncadd.s32 $0xFFFFFF80  }
0x98: {  	[spmem:s1] =	stream.indirect.scatter.add.f32 [tilespmem:s28], [sflag:$0x6], $0x80, s29, s25, $0xb8;
	[tilespmem:$0x1E180] =	vst v63  }
0x99: {  	_ =	swait.ge [sflag:s23], $0x4000  }
0x9a: {  	[sflag:s23] =	ssyncset.done $0x0  }
0x9b: {  	s14 =	simm.s32 $0xA680;
	[sflag:s23] =	ssyncadd.s32 $0xFFFFC000  }
0x9c: {  	[tilespmem:s28], [sflag:$0x3] =	stream.indirect.gather [hbm4b:s4+s25], $0x80, s14, s25, $0xb8;
	[tilespmem:$0x1E180] =	vst v63  }
0x9d: {  	_ = 	snop  }
0x9e: {  	[tilespmem:s29], [sflag:$0x5] =	stream.linear.gather [hbm4b:s19+s2], $0x80, $0x38;
	[tilespmem:$0x1E180] =	vst v63  }
0x9f: {  	_ =	swait.ge [sflag:s30], $0x4000  }
0xa0: {  	[sflag:s30] =	ssyncset.done $0x0  }
0xa1: {  	[sflag:s30] =	ssyncadd.s32 $0xFFFFC000  }
0xa2: {  	_ =	swait.ge [sflag:s31], $0x80  }
0xa3: {  	[sflag:s31] =	ssyncset.done $0x0  }
0xa4: {  	[sflag:s31] =	ssyncadd.s32 $0xFFFFFF80  }
0xa5: {  	[spmem:s1] =	stream.indirect.scatter.add.f32 [tilespmem:s2], [sflag:$0x6], $0x80, s26, s25, $0xb8;
	[tilespmem:$0x1E180] =	vst v63  }
0xa6: {  	_ =	swait.ge [sflag:s23], $0x4000  }
0xa7: {  	[sflag:s23] =	ssyncset.done $0x0  }
0xa8: {  	[sflag:s23] =	ssyncadd.s32 $0xFFFFC000  }
0xa9: {  	_ =	swait.ge [sflag:s0], $0x4000  }
0xaa: {  	[sflag:s0] =	ssyncset.done $0x0  }
0xab: {  	[sflag:s0] =	ssyncadd.s32 $0xFFFFC000  }
0xac: {  	_ =	swait.ge [sflag:s3], $0x80  }
0xad: {  	[sflag:s3] =	ssyncset.done $0x0  }
0xae: {  	[sflag:s3] =	ssyncadd.s32 $0xFFFFFF80  }
0xaf: {  	[spmem:s1] =	stream.indirect.scatter.add.f32 [tilespmem:s28], [sflag:$0x6], $0x80, s29, s25, $0xb8;
	[tilespmem:$0x1E180] =	vst v63  }
0xb0: {  	_ =	swait.ge [sflag:s23], $0x4000  }
0xb1: {  	s10 =	simm.s32 @!p1 $0xA800;
	[sflag:s23] =	ssyncset.done $0x0  }
0xb2: {  	s8 =	simm.s32 @!p1 $0x0;
	s11 =	rddreg [dreg:$0x9];
	[sflag:s23] =	ssyncadd.s32 $0xFFFFC000  }
0xb3: {  	[tilespmem:s10], [sflag:$0x6] =	stream.linear.gather @!p1 [hbm4b:s11+s8], $0x80, $0x38;
	[tilespmem:$0x1E180] =	vst v63  }
0xb4: {  	s11 =	simm.s32 @!p1 $0x6  }
0xb5: {  	_ =	swait.ge @!p1 [sflag:s11], $0x80  }
0xb6: {  	[sflag:s11] =	ssyncset.done @!p1 $0x0  }
0xb7: {  	s14 =	simm.s32 @!p1 $0xA880;
	s15 =	rddreg [dreg:$0xa];
	[sflag:s11] =	ssyncadd.s32 @!p1 $0xFFFFFF80  }
0xb8: {  	[tilespmem:s14], [sflag:$0x6] =	stream.linear.gather @!p1 [hbm4b:s15+s8], $0x80, $0x38;
	[tilespmem:$0x1E180] =	vst v63  }
0xb9: {  	_ =	swait.ge @!p1 [sflag:s11], $0x80  }
0xba: {  	[sflag:s11] =	ssyncset.done @!p1 $0x0  }
0xbb: {  	s15 =	simm.s32 @!p1 $0x80;
	[sflag:s11] =	ssyncadd.s32 @!p1 $0xFFFFFF80  }
0xbc: {  	[tilespmem:s8], [sflag:$0x2] =	stream.indirect.gather @!p1 [hbm4b:s4+s15], $0x80, s10, s15, $0xb8;
	[tilespmem:$0x1E180] =	vst v63  }
0xbd: {  	s10 =	simm.s32 @!p1 $0x2  }
0xbe: {  	_ =	swait.ge @!p1 [sflag:s10], $0x4000  }
0xbf: {  	[sflag:s10] =	ssyncset.done @!p1 $0x0  }
0xc0: {  	[sflag:s10] =	ssyncadd.s32 @!p1 $0xFFFFC000  }
0xc1: {  	[spmem:s1] =	stream.indirect.scatter.add.f32 @!p1 [tilespmem:s8], [sflag:$0x6], $0x80, s14, s15, $0xb8;
	[tilespmem:$0x1E180] =	vst v63  }
0xc2: {  	_ =	swait.ge @!p1 [sflag:s11], $0x4000  }
0xc3: {  	s15 =	stileid.u32;
	[sflag:s11] =	ssyncset.done @!p1 $0x0  }
0xc4: {  	s8 =	sshll.u32 s15, $0x6;
	[sflag:s11] =	ssyncadd.s32 @!p1 $0xFFFFC000  }
0xc5: {  	s21 =	sshrl.u32 s6, $0x3;
	s8 =	sor.u32 $0x1C06, s8;
	[bflag:$0x0] =	sbarrier.arrive $0xFFFF  }
0xc6: {  	[hbm:s16], [sflag:s8] =	dma.local [spmem:s21], $0x2700  }
0xc7: {  	_ =	swait.ge [sflag:s23], $0x2700  }
0xc8: {  	s7 =	sadd.s32 $0x1, s7;
	[sflag:s23] =	ssyncset.done $0x0  }
0xc9: {  	p2 =	sne.s32 s7, s18;
	s10 =	sshrl.u32 @!p0 s12, $0x3;
	[sflag:s23] =	ssyncadd.s32 $0xFFFFD900  }
0xca: {  	[hbm:s17], [sflag:s8] =	dma.local @!p0 [spmem:s10], $0x100  }
.Ltmp2:
0xcb: {  	_ = 	snop;
	(pc) =	sbr.rel @p2 .LBB2_1-.Ltmp2, $4  }
0xcc: {  	s8 =	simm.s32 @!p0 $0x6  }
0xcd: {  	_ =	swait.ge @!p0 [sflag:s8], $0x100  }
0xce: {  	[sflag:s8] =	ssyncset.done @!p0 $0x0  }
0xcf: {  	[sflag:s8] =	ssyncadd.s32 @!p0 $0xFFFFFF00  }
0xd0: {  	_ =	sfence.sel $0x180000  }
0xd1: {  	[bflag:$0x0] =	sbarrier.arrive $0xFFFF  }
0xd2: {  	_ =	strace $0x9000004D  }
0xd3: {  	s0 =	stileid.u32;
	[bflag:$0x2] =	sbarrier.arrive $0xFFFF  }
0xd4: {  	p0 =	sne.s32 s0, $0x0;
	s0 =	rddreg [dreg:$0x3]  }
0xd5: {  	s0 =	sadd.s32 @!p0 $0x100000, s0  }
0xd6: {  	[sflag:s0] =	ssyncadd.tile.s32 @!p0 $0x1;
	_ =	shalt  }
.Lfunc_end2:
_tile_overlayer_lowered:
.L_overlay_start_2:
0xd7: {  	(tag) =	ssettag $0x2  }
0xd8: {  	s0 =	rddreg [dreg:$0x0];
	s2 =	stileid.u32  }
0xd9: {  	s1 =	rddreg [dreg:$0x1];
	p0 =	sne.s32 s2, $0x0  }
0xda: {  	s3 =	rddreg [dreg:$0x2];
	[bflag:$0x3] =	sbarrier.arrive $0xFFFF;
	s2 =	simm.s32 @!p0 $0x1C06  }
0xdb: {  	[timem:s3], [sflag:s2] =	dma.local @!p0 [hbm:s0], s1  }
0xdc: {  	s0 =	simm.s32 @!p0 $0x6  }
0xdd: {  	_ =	swait.ge @!p0 [sflag:s0], s1  }
0xde: {  	s1 =	ssub.s32 @!p0 $0x0, s1;
	[sflag:s0] =	ssyncset.done @!p0 $0x0  }
0xdf: {  	[sflag:s0] =	ssyncadd.s32 @!p0 s1  }
0xe0: {  	[bflag:$0x3] =	sbarrier.arrive $0xFFFF  }
0xe1: {  	_ =	shalt  }

// kernel: _run.19.cloned.1.call-start
scs
__scs_entry_jumppad:
0x0: {  	(pc) =	sbr.rel $0x88, $3  }
0x1: {  	(tag) =	ssettag $0x0;
	lr =	simm.s32 $0x1  }
0x2: {  	[smem:$0x3F97] =	sst lr;
	_ =	strace $0xD0000000  }
0x3: {  	_ = 	snop  }
0x4: {  	_ = 	snop  }
0x5: {  	_ = 	snop  }
0x6: {  	_ = 	snop  }
0x7: {  	_ = 	snop  }
__scs_overlays_trampoline_lowered:
0x8: {  	[smem:$0x3FA6] =	sst s0  }
0x9: {  	[smem:$0x3FA7] =	sst s1  }
0xa: {  	[smem:$0x3FA8] =	sst s2  }
0xb: {  	[smem:$0x3FA9] =	sst s3  }
0xc: {  	[smem:$0x3FAA] =	sst s4  }
0xd: {  	[smem:$0x3FAB] =	sst s5  }
0xe: {  	[smem:$0x3FAC] =	sst s6  }
0xf: {  	[smem:$0x3FAD] =	sst s7  }
0x10: {  	[smem:$0x3FAE] =	sst s8  }
0x11: {  	[smem:$0x3FAF] =	sst s9;
	s0 =	simm.s32 @!p0 $0x0  }
0x12: {  	s1 =	sld [smem:$0x3F95];
	s0 =	simm.s32 @p0 $0x1  }
0x13: {  	[smem:$0x3FB0] =	sst s0;
	s0 =	simm.s32 @!p1 $0x0  }
0x14: {  	s2 =	sld [smem:$0x3F94];
	s0 =	simm.s32 @p1 $0x1  }
0x15: {  	[smem:$0x3FB1] =	sst s0;
	s0 =	simm.s32 @!p2 $0x0  }
0x16: {  	s3 =	sld [smem:$0x3FDB];
	s0 =	simm.s32 @p2 $0x1  }
0x17: {  	s4 =	simm.s32 $0x1BF5;
	[smem:$0x3FB3] =	sst s0  }
0x18: {  	s0 =	sld [smem:$0x3F96];
	_ =	swait.ge [sflag:s4], $0x0  }
0x19: {  	s7 =	sld [smem:$0x3F97]  }
0x1a: {  	s8 =	sadd.s32 $0xFFFFE003, lr  }
0x1b: {  	s9 =	sadd.s32 $0xFFFFFEF7, lr;
	s5 =	simm.s32 $0xFFFFFFFF;
	p2 =	slt.u32 s8, $0xFFFFF086  }
0x1c: {  	p1 =	slt.u32 s9, $0xF7A;
	s5 =	simm.s32 @!p2 $0x0  }
0x1d: {  	s5 =	simm.s32 @p1 $0x1;
	p0 =	seq.s32 s7, s2  }
0x1e: {  	s7 =	smul.u32 @!p0 $0xF7A, s2;
	p2 =	seq.s32 @!p0 s5, $0x0  }
0x1f: {  	s9 =	smul.u32 $0xF7A, s1;
	s8 =	simm.s32 @!p0 $0x1BF5;
	p2 =	por !p2, p0  }
0x20: {  	[sflag:s8] =	ssyncset.s32 @!p0 $0xFFFFF086;
	s6 =	sadd.s32 @!p0 s3, s7;
	s7 =	simm.s32 @!p0 $0x108  }
0x21: {  	s3 =	sadd.s32 s3, s9;
	s6 =	sadd.s32 @!p0 $0x88, s6;
	s7 =	simm.s32 @p2 $0x1082  }
0x22: {  	[simem:s7], [sflag:s8] =	dma.local @!p0 [hbm:s6], $0xF7A  }
0x23: {  	s9 =	sor.u32 $0xD0000000, s2;
	s6 =	simm.s32 $0x108;
	_ =	swait.ge @!p0 [sflag:s8], $0x0  }
0x24: {  	s3 =	sadd.s32 $0x88, s3;
	s6 =	simm.s32 @!p1 $0x1082;
	[sflag:s4] =	ssyncset.s32 $0xFFFFF086  }
0x25: {  	[simem:s6], [sflag:s4] =	dma.local [hbm:s3], $0xF7A  }
0x26: {  	[smem:$0x3F97] =	sst s1;
	(tag) =	ssettag s2;
	_ =	strace s9  }
0x27: {  	s1 =	sld [smem:$0x3FA7]  }
0x28: {  	s2 =	sld [smem:$0x3FA8]  }
0x29: {  	s4 =	sld [smem:$0x3FAA]  }
0x2a: {  	p0 =	seq.s32 s5, $0x0;
	s5 =	sld [smem:$0x3FAB]  }
0x2b: {  	s6 =	sld [smem:$0x3FAC]  }
0x2c: {  	s7 =	sld [smem:$0x3FAD]  }
0x2d: {  	s3 =	simm.s32 $0x108;
	s8 =	sld [smem:$0x3FAE]  }
0x2e: {  	s3 =	simm.s32 @!p0 $0x1082;
	s9 =	sld [smem:$0x3FAF]  }
0x2f: {  	lr =	sadd.s32 s0, s3;
	s0 =	sld [smem:$0x3FA6]  }
0x30: {  	s3 =	sld [smem:$0x3FA9]  }
0x31: {  	[smem:$0x3FB2] =	sst s10  }
0x32: {  	s10 =	sld [smem:$0x3FB0];
	_ =	sdelay $0x3  }
0x33: {  	p0 =	seq.s32 s10, $0x1;
	s10 =	sld [smem:$0x3FB2];
	_ =	sdelay $0x3  }
0x34: {  	[smem:$0x3FB2] =	sst s10  }
0x35: {  	s10 =	sld [smem:$0x3FB1];
	_ =	sdelay $0x3  }
0x36: {  	p1 =	seq.s32 s10, $0x1;
	s10 =	sld [smem:$0x3FB2];
	_ =	sdelay $0x3  }
0x37: {  	[smem:$0x3FB2] =	sst s10  }
0x38: {  	s10 =	sld [smem:$0x3FB3]  }
0x39: {  	_ = 	snop;
	(pc) =	sbr.ind lr, $3  }
0x3a: {  	_ = 	snop  }
0x3b: {  	_ = 	snop  }
0x3c: {  	p2 =	seq.s32 s10, $0x1;
	s10 =	sld [smem:$0x3FB2]  }
0x3d: {  	_ =	shalt  }
0x3e: {  	_ =	shalt  }
0x3f: {  	_ =	shalt  }
0x40: {  	_ =	shalt  }
0x41: {  	_ =	shalt  }
0x42: {  	_ =	shalt  }
0x43: {  	_ =	shalt  }
0x44: {  	_ =	shalt  }
0x45: {  	_ =	shalt  }
0x46: {  	_ =	shalt  }
0x47: {  	_ =	shalt  }
0x48: {  	_ =	shalt  }
0x49: {  	_ =	shalt  }
0x4a: {  	_ =	shalt  }
0x4b: {  	_ =	shalt  }
0x4c: {  	_ =	shalt  }
0x4d: {  	_ =	shalt  }
0x4e: {  	_ =	shalt  }
0x4f: {  	_ =	shalt  }
0x50: {  	_ =	shalt  }
0x51: {  	_ =	shalt  }
0x52: {  	_ =	shalt  }
0x53: {  	_ =	shalt  }
0x54: {  	_ =	shalt  }
0x55: {  	_ =	shalt  }
0x56: {  	_ =	shalt  }
0x57: {  	_ =	shalt  }
0x58: {  	_ =	shalt  }
0x59: {  	_ =	shalt  }
0x5a: {  	_ =	shalt  }
0x5b: {  	_ =	shalt  }
0x5c: {  	_ =	shalt  }
0x5d: {  	_ =	shalt  }
0x5e: {  	_ =	shalt  }
0x5f: {  	_ =	shalt  }
0x60: {  	_ =	shalt  }
0x61: {  	_ =	shalt  }
0x62: {  	_ =	shalt  }
0x63: {  	_ =	shalt  }
0x64: {  	_ =	shalt  }
0x65: {  	_ =	shalt  }
0x66: {  	_ =	shalt  }
0x67: {  	_ =	shalt  }
0x68: {  	_ =	shalt  }
0x69: {  	_ =	shalt  }
0x6a: {  	_ =	shalt  }
0x6b: {  	_ =	shalt  }
0x6c: {  	_ =	shalt  }
0x6d: {  	_ =	shalt  }
0x6e: {  	_ =	shalt  }
0x6f: {  	_ =	shalt  }
0x70: {  	_ =	shalt  }
0x71: {  	_ =	shalt  }
0x72: {  	_ =	shalt  }
0x73: {  	_ =	shalt  }
0x74: {  	_ =	shalt  }
0x75: {  	_ =	shalt  }
0x76: {  	_ =	shalt  }
0x77: {  	_ =	shalt  }
0x78: {  	_ =	shalt  }
0x79: {  	_ =	shalt  }
0x7a: {  	_ =	shalt  }
0x7b: {  	_ =	shalt  }
0x7c: {  	_ =	shalt  }
0x7d: {  	_ =	shalt  }
0x7e: {  	_ =	shalt  }
0x7f: {  	_ =	shalt  }
0x80: {  	_ =	shalt  }
0x81: {  	_ =	shalt  }
0x82: {  	_ =	shalt  }
0x83: {  	_ =	shalt  }
0x84: {  	_ =	shalt  }
0x85: {  	_ =	shalt  }
0x86: {  	_ =	shalt  }
0x87: {  	_ =	shalt  }
.Lfunc_end0:
.L_simem_size_0:
called_computation.3_lowered:
.L_overlay_start_0:
0x88: {  	s2 =	sld [smem:$0x3FD9]  }
0x89: {  	s3 =	sld [smem:$0x3FFE];
	_ =	sdelay $0x1  }
0x8a: {  	s1 =	srdreg.scid  }
0x8b: {  	s0 =	sand.u32 $0x1, s1  }
0x8c: {  	s14 =	sshll.u32 s0, $0xA;
	s2 =	sadd.s32 s3, s2  }
0x8d: {  	s2 =	sadd.s32 s2, s14  }
0x8e: {  	[smem:$0x3FBE] =	sst s2  }
0x8f: {  	_ = 	snop  }
0x90: {  	s2 =	sld [smem:$0x3FD0];
	_ =	sdelay $0x2  }
0x91: {  	s15 =	simm.s32 $0xA;
	s4 =	simm.s32 $0x10  }
0x92: {  	[smem:s4], [sflag:s15] =	dma.local [hbm:s2], $0x1  }
0x93: {  	_ =	swait.eq [sflag:s15], $0x1  }
0x94: {  	[sflag:s15] =	ssyncset.done $0x0  }
0x95: {  	[sflag:s15] =	ssyncadd.s32 $0xFFFFFFFF  }
0x96: {  	s16 =	sld [smem:$0x10];
	(tm) =	ssettm $0x1  }
0x97: {  	s17 =	sld [smem:$0x3FFB];
	_ =	sdelay $0x3  }
0x98: {  	_ =	strace s17  }
0x99: {  	s3 =	sld [smem:$0x3FFC];
	_ =	sdelay $0x3  }
0x9a: {  	_ =	strace s3  }
0x9b: {  	s3 =	sld [smem:$0x3FFD];
	_ =	sdelay $0x3  }
0x9c: {  	_ =	strace s3  }
0x9d: {  	_ =	strace $0x8FFFFFFF  }
0x9e: {  	s18 =	sld [smem:$0x3FDB];
	_ =	sdelay $0x1  }
0x9f: {  	s19 =	simm.s32 $_scs_section_size  }
0xa0: {  	s5 =	simm.s32 $_size__tile_overlayer_lowered;
	s6 =	simm.s32 $_tile_overlayer_lowered  }
0xa1: {  	s22 =	simm.s32 $0x1BFF;
	s21 =	sshll.u32 s6, $0x1;
	s3 =	sadd.s32 s19, s18  }
0xa2: {  	s7 =	simm.s32 $0x0;
	s20 =	sshll.u32 s5, $0x1;
	s5 =	sadd.s32 s21, s3  }
0xa3: {  	[timem:s7], [sflag:s22] =	dma.local [hbm:s5], s20  }
0xa4: {  	_ =	swait.ge [sflag:s22], s20  }
0xa5: {  	s4 =	ssub.s32 $0x0, s20;
	[sflag:s22] =	ssyncset.done $0x0  }
0xa6: {  	[sflag:s22] =	ssyncadd.s32 s4;
	_ =	sdelay $0x1  }
0xa7: {  	s23 =	simm.s32 $0x1B8B  }
0xa8: {  	_ =	swait.ge [sflag:s23], $0x1  }
0xa9: {  	[sflag:s23] =	ssyncset.done $0x0  }
0xaa: {  	s25 =	simm.s32 $0x1B8E;
	s24 =	sld [smem:$0x3FFE];
	[sflag:s23] =	ssyncadd.s32 $0xFFFFFFFF  }
0xab: {  	s26 =	simm.s32 $execute0_lowered;
	[smem:$0x3FD2] =	sst s25  }
0xac: {  	s5 =	sshll.u32 s26, $0x1;
	_ =	strace $0x8000004F;
	[dreg:$0x1] =	wrdreg $0xFFFFFFFF  }
0xad: {  	s28 =	simm.s32 $_size_execute0_lowered;
	s3 =	sadd.s32 s3, s5;
	[dreg:$0x0] =	wrdreg $0x0  }
0xae: {  	s5 =	sshll.u32 s28, $0x1;
	[dreg:$0x2] =	wrdreg s3  }
0xaf: {  	[dreg:$0x3] =	wrdreg s5  }
0xb0: {  	[dreg:$0x4] =	wrdreg $0xC0  }
0xb1: {  	_ =	task [dreg:s7], $0x5FFFF  }
0xb2: {  	[dreg:$0x1] =	wrdreg $0xFFFFFFFF  }
0xb3: {  	[dreg:$0x0] =	wrdreg $0x60  }
0xb4: {  	[dreg:$0x2] =	wrdreg s24  }
0xb5: {  	[dreg:$0x3] =	wrdreg s16  }
0xb6: {  	[dreg:$0x4] =	wrdreg $0xA9000  }
0xb7: {  	[dreg:$0x5] =	wrdreg $0x9  }
0xb8: {  	_ =	task.clear_ibuf [dreg:s7], $0x6FFFF;
	_ =	strace $0x9000004F  }
0xb9: {  	s29 =	simm.s32 $0x9;
	_ =	strace $0x80000051  }
0xba: {  	_ =	swait.ge [sflag:s29], $0x1  }
0xbb: {  	[sflag:s29] =	ssyncadd.s32 $0xFFFFFFFF  }
0xbc: {  	_ =	strace $0x90000051  }
0xbd: {  	_ =	sfence  }
0xbe: {  	s30 =	sld [smem:$0x0];
	_ =	sdelay $0x2  }
0xbf: {  	s31 =	sshll.u32 s1, $0xD;
	s1 =	sshrl.u32 s1, $0x2  }
0xc0: {  	s3 =	sand.u32 $0x4000, s31;
	s1 =	sadd.s32 s1, s30  }
0xc1: {  	s0 =	sor.u32 s3, s0;
	s1 =	sshll.u32 s1, $0x11  }
0xc2: {  	s0 =	sor.u32 s1, s0  }
0xc3: {  	s0 =	sadd.s32 $0x8F2B, s0  }
0xc4: {  	[sflag:s0] =	ssyncadd.remote.s32 $0x1  }
0xc5: {  	_ =	sfence.sel $0xFFFF  }
0xc6: {  	[dreg:$0x0] =	wrdreg $0xFFFFFFFF;
	(pc) =	sbr.abs _section_cstart, $3  }
0xc7: {  	[dreg:$0x1] =	wrdreg $0xFFFFFFFF  }
0xc8: {  	_ =	task.clear_ibuf [dreg:s7], $0x2FFFF;
	_ =	strace $0x9FFFFFFF  }
0xc9: {  	(tm) =	ssettm $0x7FFFFFFF  }
tec
execute0_lowered:
.L_overlay_start_1:
0x0: {  	(tag) =	ssettag $0x1  }
0x1: {  	s0 =	rddreg [dreg:$0x0]  }
0x2: {  	s3 =	rddreg [dreg:$0x1]  }
0x3: {  	s1 =	rddreg [dreg:$0x2];
	s2 =	simm.s32 $0x0  }
0x4: {  	s4 =	srdreg.scid;
	s21 =	stileid.u32;
	s28 =	simm.s32 $0x4000  }
0x5: {  	s29 =	simm.s32 $0xA780;
	s30 =	simm.s32 $0x2;
	s31 =	simm.s32 $0x4  }
0x6: {  	[smem:$0x7FF] =	sst s2;
	s7 =	sand.u32 $0x1, s4;
	s4 =	sadd.s32 $0xCE00, s0  }
0x7: {  	s6 =	smul.u32 $0x4E000, s21;
	s12 =	sadd.s32 $0x138000, s1;
	s14 =	sshll.u32 s21, $0x4  }
0x8: {  	p0 =	sne.s32 s21, $0xF;
	_ =	strace $0x80000050;
	s5 =	sshll.u32 s7, $0x4  }
0x9: {  	s9 =	ssub.s32 $0x2, s7;
	s20 =	smul.u32 $0x138800, s7;
	s22 =	sor.u32 $0x9C00, s14  }
0xa: {  	s7 =	smul.u32 $0x27000, s7;
	s8 =	sor.u32 s21, s5;
	s6 =	sshrl.u32 s6, $0x2  }
0xb: {  	s5 =	sadd.s32 $0x3000, s0;
	s0 =	sadd.s32 $0x34000, s0;
	s6 =	sadd.s32 s6, s1  }
0xc: {  	s11 =	sshrl.u32 s9, $0x1;
	s10 =	smul.u32 $0x2700, s8;
	s16 =	sadd.s32 $0x4000, s6  }
0xd: {  	s9 =	ssub.s32 s9, s11;
	s17 =	sadd.s32 $0x8000, s6;
	[dreg:$0x5] =	wrdreg s16  }
0xe: {  	s24 =	sshrl.u32 s20, $0x3;
	s18 =	sadd.s32 $0xC000, s6;
	[dreg:$0x6] =	wrdreg s17  }
0xf: {  	p1 =	sgt.u32 s8, $0x3;
	s19 =	sadd.s32 $0x10000, s6;
	[dreg:$0x7] =	wrdreg s18  }
0x10: {  	s10 =	sshrl.u32 s10, $0x3;
	[dreg:$0x8] =	wrdreg s19;
	s17 =	smul.u32 $0x2700, s21  }
0x11: {  	s18 =	smax.u32 s9, $0x1;
	s15 =	sadd.s32 s3, s10;
	s13 =	sadd.s32 s5, s10  }
0x12: {  	s3 =	sadd.s32 s3, s22;
	s10 =	sadd.s32 s5, s22;
	[dreg:$0x4] =	wrdreg s15  }
0x13: {  	s22 =	simm.s32 $0x8000;
	s15 =	smul.u32 $0x13800, s21;
	[dreg:$0x9] =	wrdreg s3  }
0x14: {  	[dreg:$0xa] =	wrdreg s10;
	s25 =	sadd.s32 s17, s7;
	s19 =	sadd.s32 $0x4D0, s13  }
0x15: {  	s7 =	simm.s32 $0x0;
	s26 =	sshrl.u32 s25, $0x3;
	s9 =	sadd.s32 $0x100, s25  }
0x16: {  	s25 =	simm.s32 $0x80;
	s23 =	sadd.s32 s15, s20;
	s20 =	sadd.s32 s26, s5  }
0x17: {  	s26 =	simm.s32 $0xA700;
	s3 =	sshrl.u32 s23, $0x3;
	s23 =	simm.s32 $0x6  }
0x18: {  	s16 =	sadd.s32 s0, s3;
	s0 =	sadd.s32 s0, s24;
	s24 =	simm.s32 $0x1  }
0x19: {  	v0 =	vimm.f32 $0.0e+00;
	s3 =	simm.s32 $0x5;
	s17 =	sadd.s32 $0x27000, s0;
	s0 =	simm.s32 $0x3  }
.LBB2_1:
0x1a: {  	s8 =	rddreg [dreg:$0x4]  }
0x1b: {  	[tilespmem:s22], [sflag:$0x1] =	stream.linear.gather [hbm4b:s8+s2], $0x2700, $0x38;
	[tilespmem:$0x1E180] =	vst v63  }
0x1c: {  	s10 =	simm.s32 $0x200;
	s8 =	simm.s32 $0x0  }
.LBB2_2:
0x1d: {  	p2 =	sne.s32 s10, $0xFE00;
	[tilespmem:s8+$0x70] =	vst v0  }
0x1e: {  	[tilespmem:s8+$0x0] =	vst v0  }
0x1f: {  	[tilespmem:s8+$0x10] =	vst v0  }
.Ltmp0:
0x20: {  	[tilespmem:s8+$0x20] =	vst v0;
	(pc) =	sbr.rel @p2 .LBB2_2-.Ltmp0, $4  }
0x21: {  	[tilespmem:s8+$0x30] =	vst v0  }
0x22: {  	[tilespmem:s8+$0x40] =	vst v0  }
0x23: {  	[tilespmem:s8+$0x50] =	vst v0  }
0x24: {  	[tilespmem:s8+$0x60] =	vst v0;
	s8 =	sshra.s32 s10, $0x2;
	s10 =	sadd.s32 $0x200, s10  }
0x25: {  	[tilespmem:s8+$0x70] =	vst v0  }
0x26: {  	[tilespmem:s8+$0x0] =	vst v0  }
0x27: {  	[tilespmem:s8+$0x10] =	vst v0  }
0x28: {  	[tilespmem:s8+$0x20] =	vst v0  }
0x29: {  	[tilespmem:s8+$0x30] =	vst v0  }
0x2a: {  	[tilespmem:s8+$0x40] =	vst v0  }
0x2b: {  	[tilespmem:s8+$0x50] =	vst v0  }
0x2c: {  	[tilespmem:s8+$0x60] =	vst v0  }
0x2d: {  	[spmem:s6] =	stream.linear.scatter [tilespmem:s2], [sflag:$0x6], $0x4000, $0x38;
	[tilespmem:$0x1E180] =	vst v63  }
0x2e: {  	_ =	swait.ge [sflag:s23], $0x4000  }
0x2f: {  	[sflag:s23] =	ssyncset.done $0x0  }
0x30: {  	s14 =	rddreg [dreg:$0x5];
	[sflag:s23] =	ssyncadd.s32 $0xFFFFC000  }
0x31: {  	[spmem:s14] =	stream.linear.scatter [tilespmem:s2], [sflag:$0x6], $0x4000, $0x38;
	[tilespmem:$0x1E180] =	vst v63  }
0x32: {  	_ =	swait.ge [sflag:s23], $0x4000  }
0x33: {  	[sflag:s23] =	ssyncset.done $0x0  }
0x34: {  	s15 =	rddreg [dreg:$0x6];
	[sflag:s23] =	ssyncadd.s32 $0xFFFFC000  }
0x35: {  	[spmem:s15] =	stream.linear.scatter [tilespmem:s2], [sflag:$0x6], $0x4000, $0x38;
	[tilespmem:$0x1E180] =	vst v63  }
0x36: {  	_ =	swait.ge [sflag:s23], $0x4000  }
0x37: {  	[sflag:s23] =	ssyncset.done $0x0  }
0x38: {  	s21 =	rddreg [dreg:$0x7];
	[sflag:s23] =	ssyncadd.s32 $0xFFFFC000  }
0x39: {  	[spmem:s21] =	stream.linear.scatter [tilespmem:s2], [sflag:$0x6], $0x4000, $0x38;
	[tilespmem:$0x1E180] =	vst v63  }
0x3a: {  	_ =	swait.ge [sflag:s23], $0x4000  }
0x3b: {  	[sflag:s23] =	ssyncset.done $0x0  }
0x3c: {  	s10 =	rddreg [dreg:$0x8];
	[sflag:s23] =	ssyncadd.s32 $0xFFFFC000  }
0x3d: {  	[spmem:s10] =	stream.linear.scatter [tilespmem:s2], [sflag:$0x6], $0x3800, $0x38;
	[tilespmem:$0x1E180] =	vst v63  }
0x3e: {  	_ =	swait.ge [sflag:s23], $0x3800  }
0x3f: {  	[sflag:s23] =	ssyncset.done $0x0  }
0x40: {  	s8 =	simm.s32 @!p0 $0x0;
	[sflag:s23] =	ssyncadd.s32 $0xFFFFC800  }
0x41: {  	[spmem:s12] =	stream.linear.scatter @!p0 [tilespmem:s8], [sflag:$0x6], $0x800, $0x38;
	[tilespmem:$0x1E180] =	vst v63  }
0x42: {  	s8 =	simm.s32 @!p0 $0x6  }
0x43: {  	_ =	swait.ge @!p0 [sflag:s8], $0x800  }
0x44: {  	[sflag:s8] =	ssyncset.done @!p0 $0x0  }
0x45: {  	[sflag:s8] =	ssyncadd.s32 @!p0 $0xFFFFF800  }
0x46: {  	_ =	swait.ge [sflag:s24], $0x2700  }
0x47: {  	[sflag:s24] =	ssyncset.done $0x0  }
0x48: {  	[sflag:s24] =	ssyncadd.s32 $0xFFFFD900  }
0x49: {  	[tilespmem:s2], [sflag:$0x2] =	stream.indirect.gather [hbm4b:s4+s25], $0x80, s22, s25, $0xb8;
	[tilespmem:$0x1E180] =	vst v63  }
0x4a: {  	_ = 	snop  }
0x4b: {  	[tilespmem:s26], [sflag:$0x4] =	stream.linear.gather [hbm4b:s13+s2], $0x80, $0x38;
	[tilespmem:$0x1E180] =	vst v63  }
0x4c: {  	s11 =	simm.s32 $0x8080;
	[bflag:$0x0] =	sbarrier.arrive $0xFFFF  }
0x4d: {  	[tilespmem:s28], [sflag:$0x3] =	stream.indirect.gather [hbm4b:s4+s25], $0x80, s11, s25, $0xb8;
	[tilespmem:$0x1E180] =	vst v63  }
0x4e: {  	s14 =	sadd.s32 $0x10, s20  }
0x4f: {  	[tilespmem:s29], [sflag:$0x5] =	stream.linear.gather [hbm4b:s14+s2], $0x80, $0x38;
	[tilespmem:$0x1E180] =	vst v63  }
0x50: {  	_ =	swait.ge [sflag:s30], $0x4000  }
0x51: {  	[sflag:s30] =	ssyncset.done $0x0  }
0x52: {  	[sflag:s30] =	ssyncadd.s32 $0xFFFFC000  }
0x53: {  	_ =	swait.ge [sflag:s31], $0x80  }
0x54: {  	[sflag:s31] =	ssyncset.done $0x0  }
0x55: {  	[sflag:s31] =	ssyncadd.s32 $0xFFFFFF80  }
0x56: {  	[spmem:s1] =	stream.indirect.scatter.add.f32 [tilespmem:s2], [sflag:$0x6], $0x80, s26, s25, $0xb8;
	[tilespmem:$0x1E180] =	vst v63  }
0x57: {  	_ =	swait.ge [sflag:s23], $0x4000  }
0x58: {  	[sflag:s23] =	ssyncset.done $0x0  }
0x59: {  	s15 =	simm.s32 $0x8100;
	s10 =	sshrl.u32 s9, $0x3;
	[sflag:s23] =	ssyncadd.s32 $0xFFFFC000  }
0x5a: {  	[tilespmem:s2], [sflag:$0x2] =	stream.indirect.gather [hbm4b:s4+s25], $0x80, s15, s25, $0xb8;
	[tilespmem:$0x1E180] =	vst v63  }
0x5b: {  	s21 =	sadd.s32 s5, s10  }
0x5c: {  	[tilespmem:s26], [sflag:$0x4] =	stream.linear.gather [hbm4b:s21+s2], $0x80, $0x38;
	[tilespmem:$0x1E180] =	vst v63  }
0x5d: {  	_ =	swait.ge [sflag:s0], $0x4000  }
0x5e: {  	[sflag:s0] =	ssyncset.done $0x0  }
0x5f: {  	[sflag:s0] =	ssyncadd.s32 $0xFFFFC000  }
0x60: {  	_ =	swait.ge [sflag:s3], $0x80  }
0x61: {  	[sflag:s3] =	ssyncset.done $0x0  }
0x62: {  	[sflag:s3] =	ssyncadd.s32 $0xFFFFFF80  }
0x63: {  	[spmem:s1] =	stream.indirect.scatter.add.f32 [tilespmem:s28], [sflag:$0x6], $0x80, s29, s25, $0xb8;
	[tilespmem:$0x1E180] =	vst v63  }
0x64: {  	s10 =	simm.s32 $0x30;
	s8 =	simm.s32 $0x8200;
	_ =	swait.ge [sflag:s23], $0x4000  }
0x65: {  	s11 =	simm.s32 $0x50;
	s21 =	smov.u32 s9;
	[sflag:s23] =	ssyncset.done $0x0  }
.LBB2_4:
0x66: {  	s14 =	sadd.s32 $0xFFFFFF80, s8  }
0x67: {  	[sflag:s23] =	ssyncadd.s32 $0xFFFFC000;
	s21 =	sadd.s32 $0x100, s21;
	s15 =	smov.u32 s11  }
0x68: {  	[tilespmem:s28], [sflag:$0x3] =	stream.indirect.gather [hbm4b:s4+s25], $0x80, s14, s25, $0xb8;
	[tilespmem:$0x1E180] =	vst v63  }
0x69: {  	p2 =	sne.s32 s11, $0x4B0;
	s11 =	sadd.s32 $0x20, s11;
	s10 =	sadd.s32 s10, s20  }
0x6a: {  	[tilespmem:s29], [sflag:$0x5] =	stream.linear.gather [hbm4b:s10+s2], $0x80, $0x38;
	[tilespmem:$0x1E180] =	vst v63  }
0x6b: {  	s10 =	smov.u32 s15;
	_ =	swait.ge [sflag:s30], $0x4000  }
0x6c: {  	[sflag:s30] =	ssyncset.done $0x0  }
0x6d: {  	[sflag:s30] =	ssyncadd.s32 $0xFFFFC000  }
0x6e: {  	_ =	swait.ge [sflag:s31], $0x80  }
0x6f: {  	[sflag:s31] =	ssyncset.done $0x0  }
0x70: {  	[sflag:s31] =	ssyncadd.s32 $0xFFFFFF80  }
0x71: {  	[spmem:s1] =	stream.indirect.scatter.add.f32 [tilespmem:s2], [sflag:$0x6], $0x80, s26, s25, $0xb8;
	[tilespmem:$0x1E180] =	vst v63  }
0x72: {  	_ =	swait.ge [sflag:s23], $0x4000  }
0x73: {  	[sflag:s23] =	ssyncset.done $0x0  }
0x74: {  	s14 =	sshrl.u32 s21, $0x3;
	[sflag:s23] =	ssyncadd.s32 $0xFFFFC000  }
0x75: {  	[tilespmem:s2], [sflag:$0x2] =	stream.indirect.gather [hbm4b:s4+s25], $0x80, s8, s25, $0xb8;
	[tilespmem:$0x1E180] =	vst v63  }
0x76: {  	s14 =	sadd.s32 s5, s14  }
0x77: {  	[tilespmem:s26], [sflag:$0x4] =	stream.linear.gather [hbm4b:s14+s2], $0x80, $0x38;
	[tilespmem:$0x1E180] =	vst v63  }
0x78: {  	_ =	swait.ge [sflag:s0], $0x4000  }
0x79: {  	[sflag:s0] =	ssyncset.done $0x0  }
0x7a: {  	[sflag:s0] =	ssyncadd.s32 $0xFFFFC000  }
0x7b: {  	_ =	swait.ge [sflag:s3], $0x80  }
.Ltmp1:
0x7c: {  	[sflag:s3] =	ssyncset.done $0x0;
	(pc) =	sbr.rel @p2 .LBB2_4-.Ltmp1, $4  }
0x7d: {  	[sflag:s3] =	ssyncadd.s32 $0xFFFFFF80  }
0x7e: {  	[spmem:s1] =	stream.indirect.scatter.add.f32 [tilespmem:s28], [sflag:$0x6], $0x80, s29, s25, $0xb8;
	[tilespmem:$0x1E180] =	vst v63  }
0x7f: {  	_ =	swait.ge [sflag:s23], $0x4000  }
0x80: {  	s8 =	sadd.s32 $0x100, s8;
	[sflag:s23] =	ssyncset.done $0x0  }
0x81: {  	s11 =	sadd.s32 $0xFFFFFF80, s8;
	[sflag:s23] =	ssyncadd.s32 $0xFFFFC000  }
0x82: {  	[tilespmem:s28], [sflag:$0x3] =	stream.indirect.gather [hbm4b:s4+s25], $0x80, s11, s25, $0xb8;
	[tilespmem:$0x1E180] =	vst v63  }
0x83: {  	s10 =	sadd.s32 s10, s20  }
0x84: {  	[tilespmem:s29], [sflag:$0x5] =	stream.linear.gather [hbm4b:s10+s2], $0x80, $0x38;
	[tilespmem:$0x1E180] =	vst v63  }
0x85: {  	_ =	swait.ge [sflag:s30], $0x4000  }
0x86: {  	[sflag:s30] =	ssyncset.done $0x0  }
0x87: {  	[sflag:s30] =	ssyncadd.s32 $0xFFFFC000  }
0x88: {  	_ =	swait.ge [sflag:s31], $0x80  }
0x89: {  	[sflag:s31] =	ssyncset.done $0x0  }
0x8a: {  	[sflag:s31] =	ssyncadd.s32 $0xFFFFFF80  }
0x8b: {  	[spmem:s1] =	stream.indirect.scatter.add.f32 [tilespmem:s2], [sflag:$0x6], $0x80, s26, s25, $0xb8;
	[tilespmem:$0x1E180] =	vst v63  }
0x8c: {  	_ =	swait.ge [sflag:s23], $0x4000  }
0x8d: {  	s21 =	sadd.s32 $0x100, s21;
	[sflag:s23] =	ssyncset.done $0x0  }
0x8e: {  	s10 =	sshrl.u32 s21, $0x3;
	[sflag:s23] =	ssyncadd.s32 $0xFFFFC000  }
0x8f: {  	[tilespmem:s2], [sflag:$0x2] =	stream.indirect.gather [hbm4b:s4+s25], $0x80, s8, s25, $0xb8;
	[tilespmem:$0x1E180] =	vst v63  }
0x90: {  	s11 =	sadd.s32 s5, s10  }
0x91: {  	[tilespmem:s26], [sflag:$0x4] =	stream.linear.gather [hbm4b:s11+s2], $0x80, $0x38;
	[tilespmem:$0x1E180] =	vst v63  }
0x92: {  	_ =	swait.ge [sflag:s0], $0x4000  }
0x93: {  	[sflag:s0] =	ssyncset.done $0x0  }
0x94: {  	[sflag:s0] =	ssyncadd.s32 $0xFFFFC000  }
0x95: {  	_ =	swait.ge [sflag:s3], $0x80  }
0x96: {  	[sflag:s3] =	ssyncset.done $0x0  }
0x97: {  	[sflag:s3] =	ssyncadd.s32 $0xFFFFFF80  }
0x98: {  	[spmem:s1] =	stream.indirect.scatter.add.f32 [tilespmem:s28], [sflag:$0x6], $0x80, s29, s25, $0xb8;
	[tilespmem:$0x1E180] =	vst v63  }
0x99: {  	_ =	swait.ge [sflag:s23], $0x4000  }
0x9a: {  	[sflag:s23] =	ssyncset.done $0x0  }
0x9b: {  	s14 =	simm.s32 $0xA680;
	[sflag:s23] =	ssyncadd.s32 $0xFFFFC000  }
0x9c: {  	[tilespmem:s28], [sflag:$0x3] =	stream.indirect.gather [hbm4b:s4+s25], $0x80, s14, s25, $0xb8;
	[tilespmem:$0x1E180] =	vst v63  }
0x9d: {  	_ = 	snop  }
0x9e: {  	[tilespmem:s29], [sflag:$0x5] =	stream.linear.gather [hbm4b:s19+s2], $0x80, $0x38;
	[tilespmem:$0x1E180] =	vst v63  }
0x9f: {  	_ =	swait.ge [sflag:s30], $0x4000  }
0xa0: {  	[sflag:s30] =	ssyncset.done $0x0  }
0xa1: {  	[sflag:s30] =	ssyncadd.s32 $0xFFFFC000  }
0xa2: {  	_ =	swait.ge [sflag:s31], $0x80  }
0xa3: {  	[sflag:s31] =	ssyncset.done $0x0  }
0xa4: {  	[sflag:s31] =	ssyncadd.s32 $0xFFFFFF80  }
0xa5: {  	[spmem:s1] =	stream.indirect.scatter.add.f32 [tilespmem:s2], [sflag:$0x6], $0x80, s26, s25, $0xb8;
	[tilespmem:$0x1E180] =	vst v63  }
0xa6: {  	_ =	swait.ge [sflag:s23], $0x4000  }
0xa7: {  	[sflag:s23] =	ssyncset.done $0x0  }
0xa8: {  	[sflag:s23] =	ssyncadd.s32 $0xFFFFC000  }
0xa9: {  	_ =	swait.ge [sflag:s0], $0x4000  }
0xaa: {  	[sflag:s0] =	ssyncset.done $0x0  }
0xab: {  	[sflag:s0] =	ssyncadd.s32 $0xFFFFC000  }
0xac: {  	_ =	swait.ge [sflag:s3], $0x80  }
0xad: {  	[sflag:s3] =	ssyncset.done $0x0  }
0xae: {  	[sflag:s3] =	ssyncadd.s32 $0xFFFFFF80  }
0xaf: {  	[spmem:s1] =	stream.indirect.scatter.add.f32 [tilespmem:s28], [sflag:$0x6], $0x80, s29, s25, $0xb8;
	[tilespmem:$0x1E180] =	vst v63  }
0xb0: {  	_ =	swait.ge [sflag:s23], $0x4000  }
0xb1: {  	s10 =	simm.s32 @!p1 $0xA800;
	[sflag:s23] =	ssyncset.done $0x0  }
0xb2: {  	s8 =	simm.s32 @!p1 $0x0;
	s11 =	rddreg [dreg:$0x9];
	[sflag:s23] =	ssyncadd.s32 $0xFFFFC000  }
0xb3: {  	[tilespmem:s10], [sflag:$0x6] =	stream.linear.gather @!p1 [hbm4b:s11+s8], $0x80, $0x38;
	[tilespmem:$0x1E180] =	vst v63  }
0xb4: {  	s11 =	simm.s32 @!p1 $0x6  }
0xb5: {  	_ =	swait.ge @!p1 [sflag:s11], $0x80  }
0xb6: {  	[sflag:s11] =	ssyncset.done @!p1 $0x0  }
0xb7: {  	s14 =	simm.s32 @!p1 $0xA880;
	s15 =	rddreg [dreg:$0xa];
	[sflag:s11] =	ssyncadd.s32 @!p1 $0xFFFFFF80  }
0xb8: {  	[tilespmem:s14], [sflag:$0x6] =	stream.linear.gather @!p1 [hbm4b:s15+s8], $0x80, $0x38;
	[tilespmem:$0x1E180] =	vst v63  }
0xb9: {  	_ =	swait.ge @!p1 [sflag:s11], $0x80  }
0xba: {  	[sflag:s11] =	ssyncset.done @!p1 $0x0  }
0xbb: {  	s15 =	simm.s32 @!p1 $0x80;
	[sflag:s11] =	ssyncadd.s32 @!p1 $0xFFFFFF80  }
0xbc: {  	[tilespmem:s8], [sflag:$0x2] =	stream.indirect.gather @!p1 [hbm4b:s4+s15], $0x80, s10, s15, $0xb8;
	[tilespmem:$0x1E180] =	vst v63  }
0xbd: {  	s10 =	simm.s32 @!p1 $0x2  }
0xbe: {  	_ =	swait.ge @!p1 [sflag:s10], $0x4000  }
0xbf: {  	[sflag:s10] =	ssyncset.done @!p1 $0x0  }
0xc0: {  	[sflag:s10] =	ssyncadd.s32 @!p1 $0xFFFFC000  }
0xc1: {  	[spmem:s1] =	stream.indirect.scatter.add.f32 @!p1 [tilespmem:s8], [sflag:$0x6], $0x80, s14, s15, $0xb8;
	[tilespmem:$0x1E180] =	vst v63  }
0xc2: {  	_ =	swait.ge @!p1 [sflag:s11], $0x4000  }
0xc3: {  	s15 =	stileid.u32;
	[sflag:s11] =	ssyncset.done @!p1 $0x0  }
0xc4: {  	s8 =	sshll.u32 s15, $0x6;
	[sflag:s11] =	ssyncadd.s32 @!p1 $0xFFFFC000  }
0xc5: {  	s21 =	sshrl.u32 s6, $0x3;
	s8 =	sor.u32 $0x1C06, s8;
	[bflag:$0x0] =	sbarrier.arrive $0xFFFF  }
0xc6: {  	[hbm:s16], [sflag:s8] =	dma.local [spmem:s21], $0x2700  }
0xc7: {  	_ =	swait.ge [sflag:s23], $0x2700  }
0xc8: {  	s7 =	sadd.s32 $0x1, s7;
	[sflag:s23] =	ssyncset.done $0x0  }
0xc9: {  	p2 =	sne.s32 s7, s18;
	s10 =	sshrl.u32 @!p0 s12, $0x3;
	[sflag:s23] =	ssyncadd.s32 $0xFFFFD900  }
0xca: {  	[hbm:s17], [sflag:s8] =	dma.local @!p0 [spmem:s10], $0x100  }
.Ltmp2:
0xcb: {  	_ = 	snop;
	(pc) =	sbr.rel @p2 .LBB2_1-.Ltmp2, $4  }
0xcc: {  	s8 =	simm.s32 @!p0 $0x6  }
0xcd: {  	_ =	swait.ge @!p0 [sflag:s8], $0x100  }
0xce: {  	[sflag:s8] =	ssyncset.done @!p0 $0x0  }
0xcf: {  	[sflag:s8] =	ssyncadd.s32 @!p0 $0xFFFFFF00  }
0xd0: {  	_ =	sfence.sel $0x180000  }
0xd1: {  	[bflag:$0x0] =	sbarrier.arrive $0xFFFF  }
0xd2: {  	_ =	strace $0x90000050  }
0xd3: {  	s0 =	stileid.u32;
	[bflag:$0x2] =	sbarrier.arrive $0xFFFF  }
0xd4: {  	p0 =	sne.s32 s0, $0x0;
	s0 =	rddreg [dreg:$0x3]  }
0xd5: {  	s0 =	sadd.s32 @!p0 $0x100000, s0  }
0xd6: {  	[sflag:s0] =	ssyncadd.tile.s32 @!p0 $0x1;
	_ =	shalt  }
.Lfunc_end2:
_tile_overlayer_lowered:
.L_overlay_start_2:
0xd7: {  	(tag) =	ssettag $0x2  }
0xd8: {  	s0 =	rddreg [dreg:$0x0];
	s2 =	stileid.u32  }
0xd9: {  	s1 =	rddreg [dreg:$0x1];
	p0 =	sne.s32 s2, $0x0  }
0xda: {  	s3 =	rddreg [dreg:$0x2];
	[bflag:$0x3] =	sbarrier.arrive $0xFFFF;
	s2 =	simm.s32 @!p0 $0x1C06  }
0xdb: {  	[timem:s3], [sflag:s2] =	dma.local @!p0 [hbm:s0], s1  }
0xdc: {  	s0 =	simm.s32 @!p0 $0x6  }
0xdd: {  	_ =	swait.ge @!p0 [sflag:s0], s1  }
0xde: {  	s1 =	ssub.s32 @!p0 $0x0, s1;
	[sflag:s0] =	ssyncset.done @!p0 $0x0  }
0xdf: {  	[sflag:s0] =	ssyncadd.s32 @!p0 s1  }
0xe0: {  	[bflag:$0x3] =	sbarrier.arrive $0xFFFF  }
0xe1: {  	_ =	shalt  }

</sc_bundles>
